<compile_context>
chip_gen: v7x
topology: tpu7x:2x2x1
jax: 0.10.2.dev20260603
libtpu: 0.0.44.dev20260713+nightly
codegen_flags: <defaults>
</compile_context>

<pallas_src>
import functools

import jax
import jax.numpy as jnp
from jax import lax
from jax.experimental import pallas as pl
from jax.experimental.pallas import tpu as pltpu
from jax.experimental.pallas import tpu_sc as plsc

N = 1024
W = 5
D = 64
K = 20
H = 128
B = 256

_NB = 64
_NW = 32
_S = 1
_NCN = N // _S
_ROWS_PER_W = (_NCN * K) // _NW
_CHUNK = 64
_NCHUNK = _ROWS_PER_W // _CHUNK
_HB = B // 2


def _topk_embproj_body(sim_ref, emb_ref, w1b_ref, b1_ref, topk_ref, proj_ref):
    emb = emb_ref[...]
    sim = sim_ref[...]
    col = lax.broadcasted_iota(jnp.int32, (N, N), 1)
    cols = []
    for _ in range(K):
        m = jnp.max(sim, axis=1, keepdims=True)
        cand = jnp.where(sim == m, col, jnp.int32(N))
        idxk = jnp.min(cand, axis=1, keepdims=True)
        cols.append(idxk)
        sim = jnp.where(col == idxk, jnp.float32(-jnp.inf), sim)
    topk_ref[...] = jnp.concatenate(cols, axis=1)
    proj_ref[...] = lax.dot_general(
        w1b_ref[...], emb, (((0,), (1,)), ((), ())),
        preferred_element_type=jnp.float32) + b1_ref[...][:, None]


def _topk_embproj(sim, emb, W1b, b1):
    return pl.pallas_call(
        _topk_embproj_body,
        out_shape=(jax.ShapeDtypeStruct((N, K), jnp.int32),
                   jax.ShapeDtypeStruct((H, N), jnp.float32)),
    )(sim, emb, W1b, b1)


def _sc_gather(xt_packed, idx_flat):
    mesh = plsc.VectorSubcoreMesh(core_axis_name="c", subcore_axis_name="s")

    @functools.partial(
        pl.kernel,
        mesh=mesh,
        out_type=jax.ShapeDtypeStruct((_NCN * K, W * _HB), jnp.int32),
        scratch_types=[
            pltpu.VMEM((_NCHUNK, _CHUNK), jnp.int32),
            pltpu.VMEM((_CHUNK, W * _HB), jnp.int32),
            pltpu.VMEM((_CHUNK, W * _HB), jnp.int32),
            pltpu.VMEM((_CHUNK, W * _HB), jnp.int32),
            pltpu.SemaphoreType.DMA,
            pltpu.SemaphoreType.DMA,
            pltpu.SemaphoreType.DMA,
            pltpu.SemaphoreType.DMA,
            pltpu.SemaphoreType.DMA,
            pltpu.SemaphoreType.DMA,
        ],
    )
    def k(table_hbm, idx_hbm, out_hbm, idx_v,
          rows0, rows1, rows2, gs0, gs1, gs2, ws0, ws1, ws2):
        wid = lax.axis_index("s") * 2 + lax.axis_index("c")
        base = wid * _ROWS_PER_W
        for c in range(_NCHUNK):
            pltpu.sync_copy(idx_hbm.at[pl.ds(base + c * _CHUNK, _CHUNK)],
                            idx_v.at[c])
        bufs = (rows0, rows1, rows2)
        gsems = (gs0, gs1, gs2)
        wsems = (ws0, ws1, ws2)
        gcp = [None] * _NCHUNK
        wcp = [None] * _NCHUNK

        def start_gather(c):
            gcp[c] = pltpu.async_copy(table_hbm.at[idx_v.at[c]],
                                      bufs[c % 3], gsems[c % 3])

        start_gather(0)
        if _NCHUNK > 1:
            start_gather(1)
        for c in range(_NCHUNK):
            gcp[c].wait()
            wcp[c] = pltpu.async_copy(
                bufs[c % 3], out_hbm.at[pl.ds(base + c * _CHUNK, _CHUNK)],
                wsems[c % 3])
            if c + 2 < _NCHUNK:
                if wcp[c + 2 - 3] is not None:
                    wcp[c + 2 - 3].wait()
                start_gather(c + 2)
        for c in range(max(0, _NCHUNK - 3), _NCHUNK):
            if wcp[c] is not None:
                wcp[c].wait()

    return k(xt_packed, idx_flat)


def _mlp_body(g_ref, proj_ref, w1t_ref, w2t_ref, b2_ref, w3t_ref, b3_ref, out_ref):
    w1t = w1t_ref[...]
    w2t = w2t_ref[...]
    b2c = b2_ref[...][:, None]
    w3t = w3t_ref[...]
    b3 = b3_ref[0]
    mask_hi = jnp.int32(-65536)
    pieces = []
    for n in range(_NB):
        gi = g_ref[n]
        lo = lax.bitcast_convert_type(lax.shift_left(gi, 16), jnp.float32)
        hi = lax.bitcast_convert_type(lax.bitwise_and(gi, mask_hi), jnp.float32)
        pieces.append(lo)
        pieces.append(hi)
    g = jnp.concatenate(pieces, axis=1).astype(jnp.bfloat16)
    h1 = lax.dot_general(w1t, g, (((1,), (0,)), ((), ())),
                         preferred_element_type=jnp.float32)
    projb = jnp.concatenate(
        [jnp.broadcast_to(proj_ref[0, :, n][:, None], (H, B))
         for n in range(_NB)], axis=1)
    h1 = jnp.maximum(h1 + projb, 0.0)
    h2 = jnp.maximum(
        lax.dot_general(w2t, h1.astype(jnp.bfloat16), (((1,), (0,)), ((), ())),
                        preferred_element_type=jnp.float32) + b2c,
        0.0)
    o = lax.dot_general(w3t, h2, (((1,), (0,)), ((), ())),
                        preferred_element_type=jnp.float32)
    out_ref[0] = o + b3


def _mlp(gathered, projT, W1t, W2t, b2, W3t, b3):
    return pl.pallas_call(
        _mlp_body,
        grid=(_NCN // _NB,),
        in_specs=[
            pl.BlockSpec((_NB, K * W, _HB), lambda i: (i, 0, 0)),
            pl.BlockSpec((1, H, _NB), lambda i: (i, 0, 0)),
            pl.BlockSpec((H, K * W), lambda i: (0, 0)),
            pl.BlockSpec((H // 2, H), lambda i: (0, 0)),
            pl.BlockSpec((H // 2,), lambda i: (0,)),
            pl.BlockSpec((1, H // 2), lambda i: (0, 0)),
            pl.BlockSpec(memory_space=pltpu.SMEM),
        ],
        out_specs=pl.BlockSpec((1, 1, _NB * B), lambda i: (i, 0, 0)),
        out_shape=jax.ShapeDtypeStruct((_NCN // _NB, 1, _NB * B), jnp.float32),
    )(gathered, projT, W1t, W2t, b2, W3t, b3)


def kernel(x, emb, W1, b1, W2, b2, W3, b3):
    W1b = W1[K * W:]
    W1t = W1[:K * W].reshape(W, K, H).transpose(2, 1, 0).reshape(H, K * W)
    W1t = W1t.astype(jnp.bfloat16)
    xt = jnp.transpose(x, (2, 1, 0)).astype(jnp.bfloat16)
    xt = xt.reshape(N, W, 2, _HB).transpose(0, 1, 3, 2)
    xt_packed = lax.bitcast_convert_type(xt, jnp.int32)
    xt_packed = xt_packed.reshape(N, W * _HB)

    norm = emb / (jnp.linalg.norm(emb, axis=1, keepdims=True) + 1e-12)
    sim = norm @ norm.T
    sim = sim - jnp.eye(N, dtype=sim.dtype) * 1e9
    topk, projT = _topk_embproj(sim, emb, W1b, b1)
    projT3 = projT.reshape(H, N // _NB, _NB).transpose(1, 0, 2)
    topk_flat = topk.reshape(-1)
    W2tb = W2.T.astype(jnp.bfloat16)
    W3t = W3.T
    blocks_per_s = _NCN // _NB
    outs = []
    for s in range(_S):
        g_s = _sc_gather(xt_packed,
                         topk_flat[s * _NCN * K:(s + 1) * _NCN * K])
        g_s = g_s.reshape(_NCN, K * W, _HB)
        pT_s = projT3[s * blocks_per_s:(s + 1) * blocks_per_s]
        outs.append(_mlp(g_s, pT_s, W1t, W2tb, b2, W3t, b3))
    out2 = jnp.concatenate(outs, axis=0)
    return out2.reshape(N, B).T

# --- scband reference (transcript-rebuilt; emitter-appended) ---
"""Pipeline reference for scband-gdn-19533511262504 (READ-ONLY COPY).

The authoritative reference and input builder live on the scoring server;
editing this copy changes nothing except your own understanding.
"""

import jax, jax.numpy as jnp
import numpy as np

N = 1024
W = 5
D = 64
K = 20
H = 128
B = 256


def setup_inputs(seed: int = 0) -> dict:
    key = jax.random.key(seed)
    ks = jax.random.split(key, 6)
    x = jax.random.normal(ks[0], (B, W, N), dtype=jnp.float32)
    emb = jax.random.normal(ks[1], (N, D), dtype=jnp.float32) * (1.0 / np.sqrt(D))
    in_dim = K * W + D
    W1 = jax.random.normal(ks[2], (in_dim, H), dtype=jnp.float32) * (1.0 / np.sqrt(in_dim))
    b1 = jnp.zeros((H,), jnp.float32)
    W2 = jax.random.normal(ks[3], (H, H // 2), dtype=jnp.float32) * (1.0 / np.sqrt(H))
    b2 = jnp.zeros((H // 2,), jnp.float32)
    W3 = jax.random.normal(ks[4], (H // 2, 1), dtype=jnp.float32) * (1.0 / np.sqrt(H // 2))
    b3 = jnp.zeros((1,), jnp.float32)
    return {"x": x, "emb": emb, "W1": W1, "b1": b1, "W2": W2, "b2": b2, "W3": W3, "b3": b3}


def reference(x, emb, W1, b1, W2, b2, W3, b3):
    # learned top-k neighbor graph from embedding cosine similarity
    norm = emb / (jnp.linalg.norm(emb, axis=1, keepdims=True) + 1e-12)
    sim = norm @ norm.T
    sim = sim - jnp.eye(N, dtype=sim.dtype) * 1e9
    _, topk = jax.lax.top_k(sim, K)  # (N, K) int indices
    Bsz = x.shape[0]
    parts = []
    for t in range(W):
        x_t = x[:, t, :]          # (B, N)
        nv = x_t[:, topk]         # gather -> (B, N, K)
        parts.append(nv)
    neighbor_vals = jnp.concatenate(parts, axis=2)  # (B, N, W*K)
    emb_b = jnp.broadcast_to(emb[None, :, :], (Bsz, N, D))
    feats = jnp.concatenate([neighbor_vals, emb_b], axis=2)  # (B, N, W*K + D)
    flat = feats.reshape(Bsz * N, -1)
    h = jax.nn.relu(flat @ W1 + b1)
    # dropout is identity at inference
    h = jax.nn.relu(h @ W2 + b2)
    out = (h @ W3 + b3).squeeze(-1)
    return out.reshape(Bsz, N)

if __name__ == "__main__":
    import jax
    _d = setup_inputs()
    print(jax.jit(kernel)(*tuple(_d.values())))

</pallas_src>

<mosaic_0001>
#map = affine_map<(d0, d1) -> (0, 0)>
#map1 = affine_map<(d0, d1) -> (0)>
module attributes {stable_mosaic.version = 14 : i64} {
  func.func @k(%arg0: i32, %arg1: i32, %arg2: memref<1024x640xi32, #tpu.memory_space<hbm>>, %arg3: memref<20480xi32, #tpu.memory_space<hbm>>, %arg4: memref<20480x640xi32, #tpu.memory_space<hbm>>, %arg5: memref<10x64xi32, #tpu.memory_space<vmem>>, %arg6: memref<64x640xi32, #tpu.memory_space<vmem>>, %arg7: memref<64x640xi32, #tpu.memory_space<vmem>>, %arg8: memref<64x640xi32, #tpu.memory_space<vmem>>, %arg9: memref<!tpu.dma_semaphore, #tpu.memory_space<semaphore_mem>>, %arg10: memref<!tpu.dma_semaphore, #tpu.memory_space<semaphore_mem>>, %arg11: memref<!tpu.dma_semaphore, #tpu.memory_space<semaphore_mem>>, %arg12: memref<!tpu.dma_semaphore, #tpu.memory_space<semaphore_mem>>, %arg13: memref<!tpu.dma_semaphore, #tpu.memory_space<semaphore_mem>>, %arg14: memref<!tpu.dma_semaphore, #tpu.memory_space<semaphore_mem>>) attributes {dimension_semantics = [#tpu.dimension_semantics<core_parallel>, #tpu.dimension_semantics<subcore_parallel>], iteration_bounds = array<i64: 2, 16>, scalar_prefetch = 0 : i64, scratch_operands = 10 : i64, tpu.core_type = #tpu.core_type<sc_vector_subcore>, window_params = [{transform_indices = #map}, {transform_indices = #map1}, {transform_indices = #map}]} {
    %mul3A = arith.constant 2 : i32
    %mul3A_0 = arith.muli %arg1, %mul3A : i32
    %add3A = arith.addi %mul3A_0, %arg0 : i32
    %mul3A_1 = arith.constant 640 : i32
    %mul3A_2 = arith.muli %add3A, %mul3A_1 : i32
    %add3A_3 = arith.constant 0 : i32
    %add3A_4 = arith.addi %mul3A_2, %add3A_3 : i32
    %run_scoped3A = arith.constant 0 : i32
    "tpu.region"() ({
      %run_scoped3A_270 = tpu.sem_alloc : memref<!tpu.dma_semaphore, #tpu.memory_space<semaphore_mem>>
      %dma_start3A_271 = arith.constant 0 : i32
      %dma_start3A_272 = tpu.memref_slice %arg5[%run_scoped3A, %dma_start3A_271] : memref<10x64xi32, #tpu.memory_space<vmem>> -> memref<1x64xi32, #tpu.memory_space<vmem>>
      %dma_start3A_273 = tpu.memref_squeeze %dma_start3A_272 : memref<1x64xi32, #tpu.memory_space<vmem>> -> memref<64xi32, #tpu.memory_space<vmem>>
      %dma_start3A_274 = tpu.memref_slice %arg3[%add3A_4] : memref<20480xi32, #tpu.memory_space<hbm>> -> memref<64xi32, #tpu.memory_space<hbm>>
      %dma_start3A_275 = arith.constant 0 : i32
      %dma_start3A_276 = tpu.memref_slice %arg5[%run_scoped3A, %dma_start3A_275] : memref<10x64xi32, #tpu.memory_space<vmem>> -> memref<1x64xi32, #tpu.memory_space<vmem>>
      %dma_start3A_277 = tpu.memref_squeeze %dma_start3A_276 : memref<1x64xi32, #tpu.memory_space<vmem>> -> memref<64xi32, #tpu.memory_space<vmem>>
      %dma_start3A_278 = tpu.memref_slice %arg3[%add3A_4] : memref<20480xi32, #tpu.memory_space<hbm>> -> memref<64xi32, #tpu.memory_space<hbm>>
      tpu.enqueue_dma source(%dma_start3A_278 : memref<64xi32, #tpu.memory_space<hbm>>) target(%dma_start3A_277 : memref<64xi32, #tpu.memory_space<vmem>>) target_semaphore(%run_scoped3A_270 : memref<!tpu.dma_semaphore, #tpu.memory_space<semaphore_mem>>)
      %dma_wait3A_279 = arith.constant 0 : i32
      %dma_wait3A_280 = tpu.memref_slice %arg5[%run_scoped3A, %dma_wait3A_279] : memref<10x64xi32, #tpu.memory_space<vmem>> -> memref<1x64xi32, #tpu.memory_space<vmem>>
      %dma_wait3A_281 = tpu.memref_squeeze %dma_wait3A_280 : memref<1x64xi32, #tpu.memory_space<vmem>> -> memref<64xi32, #tpu.memory_space<vmem>>
      %dma_wait3A_282 = tpu.memref_slice %arg3[%add3A_4] : memref<20480xi32, #tpu.memory_space<hbm>> -> memref<64xi32, #tpu.memory_space<hbm>>
      %dma_wait3A_283 = arith.constant 0 : i32
      %dma_wait3A_284 = tpu.memref_slice %arg5[%run_scoped3A, %dma_wait3A_283] : memref<10x64xi32, #tpu.memory_space<vmem>> -> memref<1x64xi32, #tpu.memory_space<vmem>>
      %dma_wait3A_285 = tpu.memref_squeeze %dma_wait3A_284 : memref<1x64xi32, #tpu.memory_space<vmem>> -> memref<64xi32, #tpu.memory_space<vmem>>
      %dma_wait3A_286 = tpu.memref_slice %arg3[%add3A_4] : memref<20480xi32, #tpu.memory_space<hbm>> -> memref<64xi32, #tpu.memory_space<hbm>>
      tpu.wait_dma2 semaphore(%run_scoped3A_270 : memref<!tpu.dma_semaphore, #tpu.memory_space<semaphore_mem>>) src(%dma_wait3A_286 : memref<64xi32, #tpu.memory_space<hbm>>) dst(%dma_wait3A_285 : memref<64xi32, #tpu.memory_space<vmem>>)
      tpu.yield
    }) : () -> ()
    %add3A_5 = arith.constant 64 : i32
    %add3A_6 = arith.addi %mul3A_2, %add3A_5 : i32
    %run_scoped3A_7 = arith.constant 1 : i32
    "tpu.region"() ({
      %run_scoped3A_270 = tpu.sem_alloc : memref<!tpu.dma_semaphore, #tpu.memory_space<semaphore_mem>>
      %dma_start3A_271 = arith.constant 0 : i32
      %dma_start3A_272 = tpu.memref_slice %arg5[%run_scoped3A_7, %dma_start3A_271] : memref<10x64xi32, #tpu.memory_space<vmem>> -> memref<1x64xi32, #tpu.memory_space<vmem>>
      %dma_start3A_273 = tpu.memref_squeeze %dma_start3A_272 : memref<1x64xi32, #tpu.memory_space<vmem>> -> memref<64xi32, #tpu.memory_space<vmem>>
      %dma_start3A_274 = tpu.memref_slice %arg3[%add3A_6] : memref<20480xi32, #tpu.memory_space<hbm>> -> memref<64xi32, #tpu.memory_space<hbm>>
      %dma_start3A_275 = arith.constant 0 : i32
      %dma_start3A_276 = tpu.memref_slice %arg5[%run_scoped3A_7, %dma_start3A_275] : memref<10x64xi32, #tpu.memory_space<vmem>> -> memref<1x64xi32, #tpu.memory_space<vmem>>
      %dma_start3A_277 = tpu.memref_squeeze %dma_start3A_276 : memref<1x64xi32, #tpu.memory_space<vmem>> -> memref<64xi32, #tpu.memory_space<vmem>>
      %dma_start3A_278 = tpu.memref_slice %arg3[%add3A_6] : memref<20480xi32, #tpu.memory_space<hbm>> -> memref<64xi32, #tpu.memory_space<hbm>>
      tpu.enqueue_dma source(%dma_start3A_278 : memref<64xi32, #tpu.memory_space<hbm>>) target(%dma_start3A_277 : memref<64xi32, #tpu.memory_space<vmem>>) target_semaphore(%run_scoped3A_270 : memref<!tpu.dma_semaphore, #tpu.memory_space<semaphore_mem>>)
      %dma_wait3A_279 = arith.constant 0 : i32
      %dma_wait3A_280 = tpu.memref_slice %arg5[%run_scoped3A_7, %dma_wait3A_279] : memref<10x64xi32, #tpu.memory_space<vmem>> -> memref<1x64xi32, #tpu.memory_space<vmem>>
      %dma_wait3A_281 = tpu.memref_squeeze %dma_wait3A_280 : memref<1x64xi32, #tpu.memory_space<vmem>> -> memref<64xi32, #tpu.memory_space<vmem>>
      %dma_wait3A_282 = tpu.memref_slice %arg3[%add3A_6] : memref<20480xi32, #tpu.memory_space<hbm>> -> memref<64xi32, #tpu.memory_space<hbm>>
      %dma_wait3A_283 = arith.constant 0 : i32
      %dma_wait3A_284 = tpu.memref_slice %arg5[%run_scoped3A_7, %dma_wait3A_283] : memref<10x64xi32, #tpu.memory_space<vmem>> -> memref<1x64xi32, #tpu.memory_space<vmem>>
      %dma_wait3A_285 = tpu.memref_squeeze %dma_wait3A_284 : memref<1x64xi32, #tpu.memory_space<vmem>> -> memref<64xi32, #tpu.memory_space<vmem>>
      %dma_wait3A_286 = tpu.memref_slice %arg3[%add3A_6] : memref<20480xi32, #tpu.memory_space<hbm>> -> memref<64xi32, #tpu.memory_space<hbm>>
      tpu.wait_dma2 semaphore(%run_scoped3A_270 : memref<!tpu.dma_semaphore, #tpu.memory_space<semaphore_mem>>) src(%dma_wait3A_286 : memref<64xi32, #tpu.memory_space<hbm>>) dst(%dma_wait3A_285 : memref<64xi32, #tpu.memory_space<vmem>>)
      tpu.yield
    }) : () -> ()
    %add3A_8 = arith.constant 128 : i32
    %add3A_9 = arith.addi %mul3A_2, %add3A_8 : i32
    %run_scoped3A_10 = arith.constant 2 : i32
    "tpu.region"() ({
      %run_scoped3A_270 = tpu.sem_alloc : memref<!tpu.dma_semaphore, #tpu.memory_space<semaphore_mem>>
      %dma_start3A_271 = arith.constant 0 : i32
      %dma_start3A_272 = tpu.memref_slice %arg5[%run_scoped3A_10, %dma_start3A_271] : memref<10x64xi32, #tpu.memory_space<vmem>> -> memref<1x64xi32, #tpu.memory_space<vmem>>
      %dma_start3A_273 = tpu.memref_squeeze %dma_start3A_272 : memref<1x64xi32, #tpu.memory_space<vmem>> -> memref<64xi32, #tpu.memory_space<vmem>>
      %dma_start3A_274 = tpu.memref_slice %arg3[%add3A_9] : memref<20480xi32, #tpu.memory_space<hbm>> -> memref<64xi32, #tpu.memory_space<hbm>>
      %dma_start3A_275 = arith.constant 0 : i32
      %dma_start3A_276 = tpu.memref_slice %arg5[%run_scoped3A_10, %dma_start3A_275] : memref<10x64xi32, #tpu.memory_space<vmem>> -> memref<1x64xi32, #tpu.memory_space<vmem>>
      %dma_start3A_277 = tpu.memref_squeeze %dma_start3A_276 : memref<1x64xi32, #tpu.memory_space<vmem>> -> memref<64xi32, #tpu.memory_space<vmem>>
      %dma_start3A_278 = tpu.memref_slice %arg3[%add3A_9] : memref<20480xi32, #tpu.memory_space<hbm>> -> memref<64xi32, #tpu.memory_space<hbm>>
      tpu.enqueue_dma source(%dma_start3A_278 : memref<64xi32, #tpu.memory_space<hbm>>) target(%dma_start3A_277 : memref<64xi32, #tpu.memory_space<vmem>>) target_semaphore(%run_scoped3A_270 : memref<!tpu.dma_semaphore, #tpu.memory_space<semaphore_mem>>)
      %dma_wait3A_279 = arith.constant 0 : i32
      %dma_wait3A_280 = tpu.memref_slice %arg5[%run_scoped3A_10, %dma_wait3A_279] : memref<10x64xi32, #tpu.memory_space<vmem>> -> memref<1x64xi32, #tpu.memory_space<vmem>>
      %dma_wait3A_281 = tpu.memref_squeeze %dma_wait3A_280 : memref<1x64xi32, #tpu.memory_space<vmem>> -> memref<64xi32, #tpu.memory_space<vmem>>
      %dma_wait3A_282 = tpu.memref_slice %arg3[%add3A_9] : memref<20480xi32, #tpu.memory_space<hbm>> -> memref<64xi32, #tpu.memory_space<hbm>>
      %dma_wait3A_283 = arith.constant 0 : i32
      %dma_wait3A_284 = tpu.memref_slice %arg5[%run_scoped3A_10, %dma_wait3A_283] : memref<10x64xi32, #tpu.memory_space<vmem>> -> memref<1x64xi32, #tpu.memory_space<vmem>>
      %dma_wait3A_285 = tpu.memref_squeeze %dma_wait3A_284 : memref<1x64xi32, #tpu.memory_space<vmem>> -> memref<64xi32, #tpu.memory_space<vmem>>
      %dma_wait3A_286 = tpu.memref_slice %arg3[%add3A_9] : memref<20480xi32, #tpu.memory_space<hbm>> -> memref<64xi32, #tpu.memory_space<hbm>>
      tpu.wait_dma2 semaphore(%run_scoped3A_270 : memref<!tpu.dma_semaphore, #tpu.memory_space<semaphore_mem>>) src(%dma_wait3A_286 : memref<64xi32, #tpu.memory_space<hbm>>) dst(%dma_wait3A_285 : memref<64xi32, #tpu.memory_space<vmem>>)
      tpu.yield
    }) : () -> ()
    %add3A_11 = arith.constant 192 : i32
    %add3A_12 = arith.addi %mul3A_2, %add3A_11 : i32
    %run_scoped3A_13 = arith.constant 3 : i32
    "tpu.region"() ({
      %run_scoped3A_270 = tpu.sem_alloc : memref<!tpu.dma_semaphore, #tpu.memory_space<semaphore_mem>>
      %dma_start3A_271 = arith.constant 0 : i32
      %dma_start3A_272 = tpu.memref_slice %arg5[%run_scoped3A_13, %dma_start3A_271] : memref<10x64xi32, #tpu.memory_space<vmem>> -> memref<1x64xi32, #tpu.memory_space<vmem>>
      %dma_start3A_273 = tpu.memref_squeeze %dma_start3A_272 : memref<1x64xi32, #tpu.memory_space<vmem>> -> memref<64xi32, #tpu.memory_space<vmem>>
      %dma_start3A_274 = tpu.memref_slice %arg3[%add3A_12] : memref<20480xi32, #tpu.memory_space<hbm>> -> memref<64xi32, #tpu.memory_space<hbm>>
      %dma_start3A_275 = arith.constant 0 : i32
      %dma_start3A_276 = tpu.memref_slice %arg5[%run_scoped3A_13, %dma_start3A_275] : memref<10x64xi32, #tpu.memory_space<vmem>> -> memref<1x64xi32, #tpu.memory_space<vmem>>
      %dma_start3A_277 = tpu.memref_squeeze %dma_start3A_276 : memref<1x64xi32, #tpu.memory_space<vmem>> -> memref<64xi32, #tpu.memory_space<vmem>>
      %dma_start3A_278 = tpu.memref_slice %arg3[%add3A_12] : memref<20480xi32, #tpu.memory_space<hbm>> -> memref<64xi32, #tpu.memory_space<hbm>>
      tpu.enqueue_dma source(%dma_start3A_278 : memref<64xi32, #tpu.memory_space<hbm>>) target(%dma_start3A_277 : memref<64xi32, #tpu.memory_space<vmem>>) target_semaphore(%run_scoped3A_270 : memref<!tpu.dma_semaphore, #tpu.memory_space<semaphore_mem>>)
      %dma_wait3A_279 = arith.constant 0 : i32
      %dma_wait3A_280 = tpu.memref_slice %arg5[%run_scoped3A_13, %dma_wait3A_279] : memref<10x64xi32, #tpu.memory_space<vmem>> -> memref<1x64xi32, #tpu.memory_space<vmem>>
      %dma_wait3A_281 = tpu.memref_squeeze %dma_wait3A_280 : memref<1x64xi32, #tpu.memory_space<vmem>> -> memref<64xi32, #tpu.memory_space<vmem>>
      %dma_wait3A_282 = tpu.memref_slice %arg3[%add3A_12] : memref<20480xi32, #tpu.memory_space<hbm>> -> memref<64xi32, #tpu.memory_space<hbm>>
      %dma_wait3A_283 = arith.constant 0 : i32
      %dma_wait3A_284 = tpu.memref_slice %arg5[%run_scoped3A_13, %dma_wait3A_283] : memref<10x64xi32, #tpu.memory_space<vmem>> -> memref<1x64xi32, #tpu.memory_space<vmem>>
      %dma_wait3A_285 = tpu.memref_squeeze %dma_wait3A_284 : memref<1x64xi32, #tpu.memory_space<vmem>> -> memref<64xi32, #tpu.memory_space<vmem>>
      %dma_wait3A_286 = tpu.memref_slice %arg3[%add3A_12] : memref<20480xi32, #tpu.memory_space<hbm>> -> memref<64xi32, #tpu.memory_space<hbm>>
      tpu.wait_dma2 semaphore(%run_scoped3A_270 : memref<!tpu.dma_semaphore, #tpu.memory_space<semaphore_mem>>) src(%dma_wait3A_286 : memref<64xi32, #tpu.memory_space<hbm>>) dst(%dma_wait3A_285 : memref<64xi32, #tpu.memory_space<vmem>>)
      tpu.yield
    }) : () -> ()
    %add3A_14 = arith.constant 256 : i32
    %add3A_15 = arith.addi %mul3A_2, %add3A_14 : i32
    %run_scoped3A_16 = arith.constant 4 : i32
    "tpu.region"() ({
      %run_scoped3A_270 = tpu.sem_alloc : memref<!tpu.dma_semaphore, #tpu.memory_space<semaphore_mem>>
      %dma_start3A_271 = arith.constant 0 : i32
      %dma_start3A_272 = tpu.memref_slice %arg5[%run_scoped3A_16, %dma_start3A_271] : memref<10x64xi32, #tpu.memory_space<vmem>> -> memref<1x64xi32, #tpu.memory_space<vmem>>
      %dma_start3A_273 = tpu.memref_squeeze %dma_start3A_272 : memref<1x64xi32, #tpu.memory_space<vmem>> -> memref<64xi32, #tpu.memory_space<vmem>>
      %dma_start3A_274 = tpu.memref_slice %arg3[%add3A_15] : memref<20480xi32, #tpu.memory_space<hbm>> -> memref<64xi32, #tpu.memory_space<hbm>>
      %dma_start3A_275 = arith.constant 0 : i32
      %dma_start3A_276 = tpu.memref_slice %arg5[%run_scoped3A_16, %dma_start3A_275] : memref<10x64xi32, #tpu.memory_space<vmem>> -> memref<1x64xi32, #tpu.memory_space<vmem>>
      %dma_start3A_277 = tpu.memref_squeeze %dma_start3A_276 : memref<1x64xi32, #tpu.memory_space<vmem>> -> memref<64xi32, #tpu.memory_space<vmem>>
      %dma_start3A_278 = tpu.memref_slice %arg3[%add3A_15] : memref<20480xi32, #tpu.memory_space<hbm>> -> memref<64xi32, #tpu.memory_space<hbm>>
      tpu.enqueue_dma source(%dma_start3A_278 : memref<64xi32, #tpu.memory_space<hbm>>) target(%dma_start3A_277 : memref<64xi32, #tpu.memory_space<vmem>>) target_semaphore(%run_scoped3A_270 : memref<!tpu.dma_semaphore, #tpu.memory_space<semaphore_mem>>)
      %dma_wait3A_279 = arith.constant 0 : i32
      %dma_wait3A_280 = tpu.memref_slice %arg5[%run_scoped3A_16, %dma_wait3A_279] : memref<10x64xi32, #tpu.memory_space<vmem>> -> memref<1x64xi32, #tpu.memory_space<vmem>>
      %dma_wait3A_281 = tpu.memref_squeeze %dma_wait3A_280 : memref<1x64xi32, #tpu.memory_space<vmem>> -> memref<64xi32, #tpu.memory_space<vmem>>
      %dma_wait3A_282 = tpu.memref_slice %arg3[%add3A_15] : memref<20480xi32, #tpu.memory_space<hbm>> -> memref<64xi32, #tpu.memory_space<hbm>>
      %dma_wait3A_283 = arith.constant 0 : i32
      %dma_wait3A_284 = tpu.memref_slice %arg5[%run_scoped3A_16, %dma_wait3A_283] : memref<10x64xi32, #tpu.memory_space<vmem>> -> memref<1x64xi32, #tpu.memory_space<vmem>>
      %dma_wait3A_285 = tpu.memref_squeeze %dma_wait3A_284 : memref<1x64xi32, #tpu.memory_space<vmem>> -> memref<64xi32, #tpu.memory_space<vmem>>
      %dma_wait3A_286 = tpu.memref_slice %arg3[%add3A_15] : memref<20480xi32, #tpu.memory_space<hbm>> -> memref<64xi32, #tpu.memory_space<hbm>>
      tpu.wait_dma2 semaphore(%run_scoped3A_270 : memref<!tpu.dma_semaphore, #tpu.memory_space<semaphore_mem>>) src(%dma_wait3A_286 : memref<64xi32, #tpu.memory_space<hbm>>) dst(%dma_wait3A_285 : memref<64xi32, #tpu.memory_space<vmem>>)
      tpu.yield
    }) : () -> ()
    %add3A_17 = arith.constant 320 : i32
    %add3A_18 = arith.addi %mul3A_2, %add3A_17 : i32
    %run_scoped3A_19 = arith.constant 5 : i32
    "tpu.region"() ({
      %run_scoped3A_270 = tpu.sem_alloc : memref<!tpu.dma_semaphore, #tpu.memory_space<semaphore_mem>>
      %dma_start3A_271 = arith.constant 0 : i32
      %dma_start3A_272 = tpu.memref_slice %arg5[%run_scoped3A_19, %dma_start3A_271] : memref<10x64xi32, #tpu.memory_space<vmem>> -> memref<1x64xi32, #tpu.memory_space<vmem>>
      %dma_start3A_273 = tpu.memref_squeeze %dma_start3A_272 : memref<1x64xi32, #tpu.memory_space<vmem>> -> memref<64xi32, #tpu.memory_space<vmem>>
      %dma_start3A_274 = tpu.memref_slice %arg3[%add3A_18] : memref<20480xi32, #tpu.memory_space<hbm>> -> memref<64xi32, #tpu.memory_space<hbm>>
      %dma_start3A_275 = arith.constant 0 : i32
      %dma_start3A_276 = tpu.memref_slice %arg5[%run_scoped3A_19, %dma_start3A_275] : memref<10x64xi32, #tpu.memory_space<vmem>> -> memref<1x64xi32, #tpu.memory_space<vmem>>
      %dma_start3A_277 = tpu.memref_squeeze %dma_start3A_276 : memref<1x64xi32, #tpu.memory_space<vmem>> -> memref<64xi32, #tpu.memory_space<vmem>>
      %dma_start3A_278 = tpu.memref_slice %arg3[%add3A_18] : memref<20480xi32, #tpu.memory_space<hbm>> -> memref<64xi32, #tpu.memory_space<hbm>>
      tpu.enqueue_dma source(%dma_start3A_278 : memref<64xi32, #tpu.memory_space<hbm>>) target(%dma_start3A_277 : memref<64xi32, #tpu.memory_space<vmem>>) target_semaphore(%run_scoped3A_270 : memref<!tpu.dma_semaphore, #tpu.memory_space<semaphore_mem>>)
      %dma_wait3A_279 = arith.constant 0 : i32
      %dma_wait3A_280 = tpu.memref_slice %arg5[%run_scoped3A_19, %dma_wait3A_279] : memref<10x64xi32, #tpu.memory_space<vmem>> -> memref<1x64xi32, #tpu.memory_space<vmem>>
      %dma_wait3A_281 = tpu.memref_squeeze %dma_wait3A_280 : memref<1x64xi32, #tpu.memory_space<vmem>> -> memref<64xi32, #tpu.memory_space<vmem>>
      %dma_wait3A_282 = tpu.memref_slice %arg3[%add3A_18] : memref<20480xi32, #tpu.memory_space<hbm>> -> memref<64xi32, #tpu.memory_space<hbm>>
      %dma_wait3A_283 = arith.constant 0 : i32
      %dma_wait3A_284 = tpu.memref_slice %arg5[%run_scoped3A_19, %dma_wait3A_283] : memref<10x64xi32, #tpu.memory_space<vmem>> -> memref<1x64xi32, #tpu.memory_space<vmem>>
      %dma_wait3A_285 = tpu.memref_squeeze %dma_wait3A_284 : memref<1x64xi32, #tpu.memory_space<vmem>> -> memref<64xi32, #tpu.memory_space<vmem>>
      %dma_wait3A_286 = tpu.memref_slice %arg3[%add3A_18] : memref<20480xi32, #tpu.memory_space<hbm>> -> memref<64xi32, #tpu.memory_space<hbm>>
      tpu.wait_dma2 semaphore(%run_scoped3A_270 : memref<!tpu.dma_semaphore, #tpu.memory_space<semaphore_mem>>) src(%dma_wait3A_286 : memref<64xi32, #tpu.memory_space<hbm>>) dst(%dma_wait3A_285 : memref<64xi32, #tpu.memory_space<vmem>>)
      tpu.yield
    }) : () -> ()
    %add3A_20 = arith.constant 384 : i32
    %add3A_21 = arith.addi %mul3A_2, %add3A_20 : i32
    %run_scoped3A_22 = arith.constant 6 : i32
    "tpu.region"() ({
      %run_scoped3A_270 = tpu.sem_alloc : memref<!tpu.dma_semaphore, #tpu.memory_space<semaphore_mem>>
      %dma_start3A_271 = arith.constant 0 : i32
      %dma_start3A_272 = tpu.memref_slice %arg5[%run_scoped3A_22, %dma_start3A_271] : memref<10x64xi32, #tpu.memory_space<vmem>> -> memref<1x64xi32, #tpu.memory_space<vmem>>
      %dma_start3A_273 = tpu.memref_squeeze %dma_start3A_272 : memref<1x64xi32, #tpu.memory_space<vmem>> -> memref<64xi32, #tpu.memory_space<vmem>>
      %dma_start3A_274 = tpu.memref_slice %arg3[%add3A_21] : memref<20480xi32, #tpu.memory_space<hbm>> -> memref<64xi32, #tpu.memory_space<hbm>>
      %dma_start3A_275 = arith.constant 0 : i32
      %dma_start3A_276 = tpu.memref_slice %arg5[%run_scoped3A_22, %dma_start3A_275] : memref<10x64xi32, #tpu.memory_space<vmem>> -> memref<1x64xi32, #tpu.memory_space<vmem>>
      %dma_start3A_277 = tpu.memref_squeeze %dma_start3A_276 : memref<1x64xi32, #tpu.memory_space<vmem>> -> memref<64xi32, #tpu.memory_space<vmem>>
      %dma_start3A_278 = tpu.memref_slice %arg3[%add3A_21] : memref<20480xi32, #tpu.memory_space<hbm>> -> memref<64xi32, #tpu.memory_space<hbm>>
      tpu.enqueue_dma source(%dma_start3A_278 : memref<64xi32, #tpu.memory_space<hbm>>) target(%dma_start3A_277 : memref<64xi32, #tpu.memory_space<vmem>>) target_semaphore(%run_scoped3A_270 : memref<!tpu.dma_semaphore, #tpu.memory_space<semaphore_mem>>)
      %dma_wait3A_279 = arith.constant 0 : i32
      %dma_wait3A_280 = tpu.memref_slice %arg5[%run_scoped3A_22, %dma_wait3A_279] : memref<10x64xi32, #tpu.memory_space<vmem>> -> memref<1x64xi32, #tpu.memory_space<vmem>>
      %dma_wait3A_281 = tpu.memref_squeeze %dma_wait3A_280 : memref<1x64xi32, #tpu.memory_space<vmem>> -> memref<64xi32, #tpu.memory_space<vmem>>
      %dma_wait3A_282 = tpu.memref_slice %arg3[%add3A_21] : memref<20480xi32, #tpu.memory_space<hbm>> -> memref<64xi32, #tpu.memory_space<hbm>>
      %dma_wait3A_283 = arith.constant 0 : i32
      %dma_wait3A_284 = tpu.memref_slice %arg5[%run_scoped3A_22, %dma_wait3A_283] : memref<10x64xi32, #tpu.memory_space<vmem>> -> memref<1x64xi32, #tpu.memory_space<vmem>>
      %dma_wait3A_285 = tpu.memref_squeeze %dma_wait3A_284 : memref<1x64xi32, #tpu.memory_space<vmem>> -> memref<64xi32, #tpu.memory_space<vmem>>
      %dma_wait3A_286 = tpu.memref_slice %arg3[%add3A_21] : memref<20480xi32, #tpu.memory_space<hbm>> -> memref<64xi32, #tpu.memory_space<hbm>>
      tpu.wait_dma2 semaphore(%run_scoped3A_270 : memref<!tpu.dma_semaphore, #tpu.memory_space<semaphore_mem>>) src(%dma_wait3A_286 : memref<64xi32, #tpu.memory_space<hbm>>) dst(%dma_wait3A_285 : memref<64xi32, #tpu.memory_space<vmem>>)
      tpu.yield
    }) : () -> ()
    %add3A_23 = arith.constant 448 : i32
    %add3A_24 = arith.addi %mul3A_2, %add3A_23 : i32
    %run_scoped3A_25 = arith.constant 7 : i32
    "tpu.region"() ({
      %run_scoped3A_270 = tpu.sem_alloc : memref<!tpu.dma_semaphore, #tpu.memory_space<semaphore_mem>>
      %dma_start3A_271 = arith.constant 0 : i32
      %dma_start3A_272 = tpu.memref_slice %arg5[%run_scoped3A_25, %dma_start3A_271] : memref<10x64xi32, #tpu.memory_space<vmem>> -> memref<1x64xi32, #tpu.memory_space<vmem>>
      %dma_start3A_273 = tpu.memref_squeeze %dma_start3A_272 : memref<1x64xi32, #tpu.memory_space<vmem>> -> memref<64xi32, #tpu.memory_space<vmem>>
      %dma_start3A_274 = tpu.memref_slice %arg3[%add3A_24] : memref<20480xi32, #tpu.memory_space<hbm>> -> memref<64xi32, #tpu.memory_space<hbm>>
      %dma_start3A_275 = arith.constant 0 : i32
      %dma_start3A_276 = tpu.memref_slice %arg5[%run_scoped3A_25, %dma_start3A_275] : memref<10x64xi32, #tpu.memory_space<vmem>> -> memref<1x64xi32, #tpu.memory_space<vmem>>
      %dma_start3A_277 = tpu.memref_squeeze %dma_start3A_276 : memref<1x64xi32, #tpu.memory_space<vmem>> -> memref<64xi32, #tpu.memory_space<vmem>>
      %dma_start3A_278 = tpu.memref_slice %arg3[%add3A_24] : memref<20480xi32, #tpu.memory_space<hbm>> -> memref<64xi32, #tpu.memory_space<hbm>>
      tpu.enqueue_dma source(%dma_start3A_278 : memref<64xi32, #tpu.memory_space<hbm>>) target(%dma_start3A_277 : memref<64xi32, #tpu.memory_space<vmem>>) target_semaphore(%run_scoped3A_270 : memref<!tpu.dma_semaphore, #tpu.memory_space<semaphore_mem>>)
      %dma_wait3A_279 = arith.constant 0 : i32
      %dma_wait3A_280 = tpu.memref_slice %arg5[%run_scoped3A_25, %dma_wait3A_279] : memref<10x64xi32, #tpu.memory_space<vmem>> -> memref<1x64xi32, #tpu.memory_space<vmem>>
      %dma_wait3A_281 = tpu.memref_squeeze %dma_wait3A_280 : memref<1x64xi32, #tpu.memory_space<vmem>> -> memref<64xi32, #tpu.memory_space<vmem>>
      %dma_wait3A_282 = tpu.memref_slice %arg3[%add3A_24] : memref<20480xi32, #tpu.memory_space<hbm>> -> memref<64xi32, #tpu.memory_space<hbm>>
      %dma_wait3A_283 = arith.constant 0 : i32
      %dma_wait3A_284 = tpu.memref_slice %arg5[%run_scoped3A_25, %dma_wait3A_283] : memref<10x64xi32, #tpu.memory_space<vmem>> -> memref<1x64xi32, #tpu.memory_space<vmem>>
      %dma_wait3A_285 = tpu.memref_squeeze %dma_wait3A_284 : memref<1x64xi32, #tpu.memory_space<vmem>> -> memref<64xi32, #tpu.memory_space<vmem>>
      %dma_wait3A_286 = tpu.memref_slice %arg3[%add3A_24] : memref<20480xi32, #tpu.memory_space<hbm>> -> memref<64xi32, #tpu.memory_space<hbm>>
      tpu.wait_dma2 semaphore(%run_scoped3A_270 : memref<!tpu.dma_semaphore, #tpu.memory_space<semaphore_mem>>) src(%dma_wait3A_286 : memref<64xi32, #tpu.memory_space<hbm>>) dst(%dma_wait3A_285 : memref<64xi32, #tpu.memory_space<vmem>>)
      tpu.yield
    }) : () -> ()
    %add3A_26 = arith.constant 512 : i32
    %add3A_27 = arith.addi %mul3A_2, %add3A_26 : i32
    %run_scoped3A_28 = arith.constant 8 : i32
    "tpu.region"() ({
      %run_scoped3A_270 = tpu.sem_alloc : memref<!tpu.dma_semaphore, #tpu.memory_space<semaphore_mem>>
      %dma_start3A_271 = arith.constant 0 : i32
      %dma_start3A_272 = tpu.memref_slice %arg5[%run_scoped3A_28, %dma_start3A_271] : memref<10x64xi32, #tpu.memory_space<vmem>> -> memref<1x64xi32, #tpu.memory_space<vmem>>
      %dma_start3A_273 = tpu.memref_squeeze %dma_start3A_272 : memref<1x64xi32, #tpu.memory_space<vmem>> -> memref<64xi32, #tpu.memory_space<vmem>>
      %dma_start3A_274 = tpu.memref_slice %arg3[%add3A_27] : memref<20480xi32, #tpu.memory_space<hbm>> -> memref<64xi32, #tpu.memory_space<hbm>>
      %dma_start3A_275 = arith.constant 0 : i32
      %dma_start3A_276 = tpu.memref_slice %arg5[%run_scoped3A_28, %dma_start3A_275] : memref<10x64xi32, #tpu.memory_space<vmem>> -> memref<1x64xi32, #tpu.memory_space<vmem>>
      %dma_start3A_277 = tpu.memref_squeeze %dma_start3A_276 : memref<1x64xi32, #tpu.memory_space<vmem>> -> memref<64xi32, #tpu.memory_space<vmem>>
      %dma_start3A_278 = tpu.memref_slice %arg3[%add3A_27] : memref<20480xi32, #tpu.memory_space<hbm>> -> memref<64xi32, #tpu.memory_space<hbm>>
      tpu.enqueue_dma source(%dma_start3A_278 : memref<64xi32, #tpu.memory_space<hbm>>) target(%dma_start3A_277 : memref<64xi32, #tpu.memory_space<vmem>>) target_semaphore(%run_scoped3A_270 : memref<!tpu.dma_semaphore, #tpu.memory_space<semaphore_mem>>)
      %dma_wait3A_279 = arith.constant 0 : i32
      %dma_wait3A_280 = tpu.memref_slice %arg5[%run_scoped3A_28, %dma_wait3A_279] : memref<10x64xi32, #tpu.memory_space<vmem>> -> memref<1x64xi32, #tpu.memory_space<vmem>>
      %dma_wait3A_281 = tpu.memref_squeeze %dma_wait3A_280 : memref<1x64xi32, #tpu.memory_space<vmem>> -> memref<64xi32, #tpu.memory_space<vmem>>
      %dma_wait3A_282 = tpu.memref_slice %arg3[%add3A_27] : memref<20480xi32, #tpu.memory_space<hbm>> -> memref<64xi32, #tpu.memory_space<hbm>>
      %dma_wait3A_283 = arith.constant 0 : i32
      %dma_wait3A_284 = tpu.memref_slice %arg5[%run_scoped3A_28, %dma_wait3A_283] : memref<10x64xi32, #tpu.memory_space<vmem>> -> memref<1x64xi32, #tpu.memory_space<vmem>>
      %dma_wait3A_285 = tpu.memref_squeeze %dma_wait3A_284 : memref<1x64xi32, #tpu.memory_space<vmem>> -> memref<64xi32, #tpu.memory_space<vmem>>
      %dma_wait3A_286 = tpu.memref_slice %arg3[%add3A_27] : memref<20480xi32, #tpu.memory_space<hbm>> -> memref<64xi32, #tpu.memory_space<hbm>>
      tpu.wait_dma2 semaphore(%run_scoped3A_270 : memref<!tpu.dma_semaphore, #tpu.memory_space<semaphore_mem>>) src(%dma_wait3A_286 : memref<64xi32, #tpu.memory_space<hbm>>) dst(%dma_wait3A_285 : memref<64xi32, #tpu.memory_space<vmem>>)
      tpu.yield
    }) : () -> ()
    %add3A_29 = arith.constant 576 : i32
    %add3A_30 = arith.addi %mul3A_2, %add3A_29 : i32
    %run_scoped3A_31 = arith.constant 9 : i32
    "tpu.region"() ({
      %run_scoped3A_270 = tpu.sem_alloc : memref<!tpu.dma_semaphore, #tpu.memory_space<semaphore_mem>>
      %dma_start3A_271 = arith.constant 0 : i32
      %dma_start3A_272 = tpu.memref_slice %arg5[%run_scoped3A_31, %dma_start3A_271] : memref<10x64xi32, #tpu.memory_space<vmem>> -> memref<1x64xi32, #tpu.memory_space<vmem>>
      %dma_start3A_273 = tpu.memref_squeeze %dma_start3A_272 : memref<1x64xi32, #tpu.memory_space<vmem>> -> memref<64xi32, #tpu.memory_space<vmem>>
      %dma_start3A_274 = tpu.memref_slice %arg3[%add3A_30] : memref<20480xi32, #tpu.memory_space<hbm>> -> memref<64xi32, #tpu.memory_space<hbm>>
      %dma_start3A_275 = arith.constant 0 : i32
      %dma_start3A_276 = tpu.memref_slice %arg5[%run_scoped3A_31, %dma_start3A_275] : memref<10x64xi32, #tpu.memory_space<vmem>> -> memref<1x64xi32, #tpu.memory_space<vmem>>
      %dma_start3A_277 = tpu.memref_squeeze %dma_start3A_276 : memref<1x64xi32, #tpu.memory_space<vmem>> -> memref<64xi32, #tpu.memory_space<vmem>>
      %dma_start3A_278 = tpu.memref_slice %arg3[%add3A_30] : memref<20480xi32, #tpu.memory_space<hbm>> -> memref<64xi32, #tpu.memory_space<hbm>>
      tpu.enqueue_dma source(%dma_start3A_278 : memref<64xi32, #tpu.memory_space<hbm>>) target(%dma_start3A_277 : memref<64xi32, #tpu.memory_space<vmem>>) target_semaphore(%run_scoped3A_270 : memref<!tpu.dma_semaphore, #tpu.memory_space<semaphore_mem>>)
      %dma_wait3A_279 = arith.constant 0 : i32
      %dma_wait3A_280 = tpu.memref_slice %arg5[%run_scoped3A_31, %dma_wait3A_279] : memref<10x64xi32, #tpu.memory_space<vmem>> -> memref<1x64xi32, #tpu.memory_space<vmem>>
      %dma_wait3A_281 = tpu.memref_squeeze %dma_wait3A_280 : memref<1x64xi32, #tpu.memory_space<vmem>> -> memref<64xi32, #tpu.memory_space<vmem>>
      %dma_wait3A_282 = tpu.memref_slice %arg3[%add3A_30] : memref<20480xi32, #tpu.memory_space<hbm>> -> memref<64xi32, #tpu.memory_space<hbm>>
      %dma_wait3A_283 = arith.constant 0 : i32
      %dma_wait3A_284 = tpu.memref_slice %arg5[%run_scoped3A_31, %dma_wait3A_283] : memref<10x64xi32, #tpu.memory_space<vmem>> -> memref<1x64xi32, #tpu.memory_space<vmem>>
      %dma_wait3A_285 = tpu.memref_squeeze %dma_wait3A_284 : memref<1x64xi32, #tpu.memory_space<vmem>> -> memref<64xi32, #tpu.memory_space<vmem>>
      %dma_wait3A_286 = tpu.memref_slice %arg3[%add3A_30] : memref<20480xi32, #tpu.memory_space<hbm>> -> memref<64xi32, #tpu.memory_space<hbm>>
      tpu.wait_dma2 semaphore(%run_scoped3A_270 : memref<!tpu.dma_semaphore, #tpu.memory_space<semaphore_mem>>) src(%dma_wait3A_286 : memref<64xi32, #tpu.memory_space<hbm>>) dst(%dma_wait3A_285 : memref<64xi32, #tpu.memory_space<vmem>>)
      tpu.yield
    }) : () -> ()
    %dma_start3A = arith.constant 0 : i32
    %dma_start3A_32 = arith.constant 0 : i32
    %dma_start3A_33 = tpu.memref_slice %arg5[%dma_start3A, %dma_start3A_32] : memref<10x64xi32, #tpu.memory_space<vmem>> -> memref<1x64xi32, #tpu.memory_space<vmem>>
    %dma_start3A_34 = tpu.memref_squeeze %dma_start3A_33 : memref<1x64xi32, #tpu.memory_space<vmem>> -> memref<64xi32, #tpu.memory_space<vmem>>
    %dma_start3A_35 = arith.constant 0 : i32
    %dma_start3A_36 = arith.constant 0 : i32
    %dma_start3A_37 = tpu.memref_slice %arg2[%dma_start3A_35, %dma_start3A_36] : memref<1024x640xi32, #tpu.memory_space<hbm>> -> memref<1024x640xi32, #tpu.memory_space<hbm>>
    tpu.enqueue_indirect_dma source(%dma_start3A_37 : memref<1024x640xi32, #tpu.memory_space<hbm>>) target(%arg6 : memref<64x640xi32, #tpu.memory_space<vmem>>) offsets(%dma_start3A_34 : memref<64xi32, #tpu.memory_space<vmem>>) semaphore(%arg9 : memref<!tpu.dma_semaphore, #tpu.memory_space<semaphore_mem>>)
    %dma_start3A_38 = arith.constant 1 : i32
    %dma_start3A_39 = arith.constant 0 : i32
    %dma_start3A_40 = tpu.memref_slice %arg5[%dma_start3A_38, %dma_start3A_39] : memref<10x64xi32, #tpu.memory_space<vmem>> -> memref<1x64xi32, #tpu.memory_space<vmem>>
    %dma_start3A_41 = tpu.memref_squeeze %dma_start3A_40 : memref<1x64xi32, #tpu.memory_space<vmem>> -> memref<64xi32, #tpu.memory_space<vmem>>
    %dma_start3A_42 = arith.constant 0 : i32
    %dma_start3A_43 = arith.constant 0 : i32
    %dma_start3A_44 = tpu.memref_slice %arg2[%dma_start3A_42, %dma_start3A_43] : memref<1024x640xi32, #tpu.memory_space<hbm>> -> memref<1024x640xi32, #tpu.memory_space<hbm>>
    tpu.enqueue_indirect_dma source(%dma_start3A_44 : memref<1024x640xi32, #tpu.memory_space<hbm>>) target(%arg7 : memref<64x640xi32, #tpu.memory_space<vmem>>) offsets(%dma_start3A_41 : memref<64xi32, #tpu.memory_space<vmem>>) semaphore(%arg10 : memref<!tpu.dma_semaphore, #tpu.memory_space<semaphore_mem>>)
    %dma_wait3A = arith.constant 0 : i32
    %dma_wait3A_45 = arith.constant 0 : i32
    %dma_wait3A_46 = tpu.memref_slice %arg5[%dma_wait3A, %dma_wait3A_45] : memref<10x64xi32, #tpu.memory_space<vmem>> -> memref<1x64xi32, #tpu.memory_space<vmem>>
    %dma_wait3A_47 = tpu.memref_squeeze %dma_wait3A_46 : memref<1x64xi32, #tpu.memory_space<vmem>> -> memref<64xi32, #tpu.memory_space<vmem>>
    %dma_wait3A_48 = arith.constant 0 : i32
    %dma_wait3A_49 = arith.constant 0 : i32
    %dma_wait3A_50 = tpu.memref_slice %arg2[%dma_wait3A_48, %dma_wait3A_49] : memref<1024x640xi32, #tpu.memory_space<hbm>> -> memref<1024x640xi32, #tpu.memory_space<hbm>>
    tpu.wait_indirect_dma semaphore(%arg9 : memref<!tpu.dma_semaphore, #tpu.memory_space<semaphore_mem>>) src(%dma_wait3A_50 : memref<1024x640xi32, #tpu.memory_space<hbm>>) dst(%arg6 : memref<64x640xi32, #tpu.memory_space<vmem>>)
    %add3A_51 = arith.constant 0 : i32
    %add3A_52 = arith.addi %mul3A_2, %add3A_51 : i32
    %dma_start3A_53 = arith.constant 0 : i32
    %dma_start3A_54 = tpu.memref_slice %arg4[%add3A_52, %dma_start3A_53] : memref<20480x640xi32, #tpu.memory_space<hbm>> -> memref<64x640xi32, #tpu.memory_space<hbm>>
    %dma_start3A_55 = arith.constant 0 : i32
    %dma_start3A_56 = tpu.memref_slice %arg4[%add3A_52, %dma_start3A_55] : memref<20480x640xi32, #tpu.memory_space<hbm>> -> memref<64x640xi32, #tpu.memory_space<hbm>>
    tpu.enqueue_dma source(%arg6 : memref<64x640xi32, #tpu.memory_space<vmem>>) target(%dma_start3A_56 : memref<64x640xi32, #tpu.memory_space<hbm>>) target_semaphore(%arg12 : memref<!tpu.dma_semaphore, #tpu.memory_space<semaphore_mem>>)
    %dma_start3A_57 = arith.constant 2 : i32
    %dma_start3A_58 = arith.constant 0 : i32
    %dma_start3A_59 = tpu.memref_slice %arg5[%dma_start3A_57, %dma_start3A_58] : memref<10x64xi32, #tpu.memory_space<vmem>> -> memref<1x64xi32, #tpu.memory_space<vmem>>
    %dma_start3A_60 = tpu.memref_squeeze %dma_start3A_59 : memref<1x64xi32, #tpu.memory_space<vmem>> -> memref<64xi32, #tpu.memory_space<vmem>>
    %dma_start3A_61 = arith.constant 0 : i32
    %dma_start3A_62 = arith.constant 0 : i32
    %dma_start3A_63 = tpu.memref_slice %arg2[%dma_start3A_61, %dma_start3A_62] : memref<1024x640xi32, #tpu.memory_space<hbm>> -> memref<1024x640xi32, #tpu.memory_space<hbm>>
    tpu.enqueue_indirect_dma source(%dma_start3A_63 : memref<1024x640xi32, #tpu.memory_space<hbm>>) target(%arg8 : memref<64x640xi32, #tpu.memory_space<vmem>>) offsets(%dma_start3A_60 : memref<64xi32, #tpu.memory_space<vmem>>) semaphore(%arg11 : memref<!tpu.dma_semaphore, #tpu.memory_space<semaphore_mem>>)
    %dma_wait3A_64 = arith.constant 1 : i32
    %dma_wait3A_65 = arith.constant 0 : i32
    %dma_wait3A_66 = tpu.memref_slice %arg5[%dma_wait3A_64, %dma_wait3A_65] : memref<10x64xi32, #tpu.memory_space<vmem>> -> memref<1x64xi32, #tpu.memory_space<vmem>>
    %dma_wait3A_67 = tpu.memref_squeeze %dma_wait3A_66 : memref<1x64xi32, #tpu.memory_space<vmem>> -> memref<64xi32, #tpu.memory_space<vmem>>
    %dma_wait3A_68 = arith.constant 0 : i32
    %dma_wait3A_69 = arith.constant 0 : i32
    %dma_wait3A_70 = tpu.memref_slice %arg2[%dma_wait3A_68, %dma_wait3A_69] : memref<1024x640xi32, #tpu.memory_space<hbm>> -> memref<1024x640xi32, #tpu.memory_space<hbm>>
    tpu.wait_indirect_dma semaphore(%arg10 : memref<!tpu.dma_semaphore, #tpu.memory_space<semaphore_mem>>) src(%dma_wait3A_70 : memref<1024x640xi32, #tpu.memory_space<hbm>>) dst(%arg7 : memref<64x640xi32, #tpu.memory_space<vmem>>)
    %add3A_71 = arith.constant 64 : i32
    %add3A_72 = arith.addi %mul3A_2, %add3A_71 : i32
    %dma_start3A_73 = arith.constant 0 : i32
    %dma_start3A_74 = tpu.memref_slice %arg4[%add3A_72, %dma_start3A_73] : memref<20480x640xi32, #tpu.memory_space<hbm>> -> memref<64x640xi32, #tpu.memory_space<hbm>>
    %dma_start3A_75 = arith.constant 0 : i32
    %dma_start3A_76 = tpu.memref_slice %arg4[%add3A_72, %dma_start3A_75] : memref<20480x640xi32, #tpu.memory_space<hbm>> -> memref<64x640xi32, #tpu.memory_space<hbm>>
    tpu.enqueue_dma source(%arg7 : memref<64x640xi32, #tpu.memory_space<vmem>>) target(%dma_start3A_76 : memref<64x640xi32, #tpu.memory_space<hbm>>) target_semaphore(%arg13 : memref<!tpu.dma_semaphore, #tpu.memory_space<semaphore_mem>>)
    %dma_wait3A_77 = arith.constant 0 : i32
    %dma_wait3A_78 = tpu.memref_slice %arg4[%add3A_52, %dma_wait3A_77] : memref<20480x640xi32, #tpu.memory_space<hbm>> -> memref<64x640xi32, #tpu.memory_space<hbm>>
    %dma_wait3A_79 = arith.constant 0 : i32
    %dma_wait3A_80 = tpu.memref_slice %arg4[%add3A_52, %dma_wait3A_79] : memref<20480x640xi32, #tpu.memory_space<hbm>> -> memref<64x640xi32, #tpu.memory_space<hbm>>
    tpu.wait_dma2 semaphore(%arg12 : memref<!tpu.dma_semaphore, #tpu.memory_space<semaphore_mem>>) src(%arg6 : memref<64x640xi32, #tpu.memory_space<vmem>>) dst(%dma_wait3A_80 : memref<64x640xi32, #tpu.memory_space<hbm>>)
    %dma_start3A_81 = arith.constant 3 : i32
    %dma_start3A_82 = arith.constant 0 : i32
    %dma_start3A_83 = tpu.memref_slice %arg5[%dma_start3A_81, %dma_start3A_82] : memref<10x64xi32, #tpu.memory_space<vmem>> -> memref<1x64xi32, #tpu.memory_space<vmem>>
    %dma_start3A_84 = tpu.memref_squeeze %dma_start3A_83 : memref<1x64xi32, #tpu.memory_space<vmem>> -> memref<64xi32, #tpu.memory_space<vmem>>
    %dma_start3A_85 = arith.constant 0 : i32
    %dma_start3A_86 = arith.constant 0 : i32
    %dma_start3A_87 = tpu.memref_slice %arg2[%dma_start3A_85, %dma_start3A_86] : memref<1024x640xi32, #tpu.memory_space<hbm>> -> memref<1024x640xi32, #tpu.memory_space<hbm>>
    tpu.enqueue_indirect_dma source(%dma_start3A_87 : memref<1024x640xi32, #tpu.memory_space<hbm>>) target(%arg6 : memref<64x640xi32, #tpu.memory_space<vmem>>) offsets(%dma_start3A_84 : memref<64xi32, #tpu.memory_space<vmem>>) semaphore(%arg9 : memref<!tpu.dma_semaphore, #tpu.memory_space<semaphore_mem>>)
    %dma_wait3A_88 = arith.constant 2 : i32
    %dma_wait3A_89 = arith.constant 0 : i32
    %dma_wait3A_90 = tpu.memref_slice %arg5[%dma_wait3A_88, %dma_wait3A_89] : memref<10x64xi32, #tpu.memory_space<vmem>> -> memref<1x64xi32, #tpu.memory_space<vmem>>
    %dma_wait3A_91 = tpu.memref_squeeze %dma_wait3A_90 : memref<1x64xi32, #tpu.memory_space<vmem>> -> memref<64xi32, #tpu.memory_space<vmem>>
    %dma_wait3A_92 = arith.constant 0 : i32
    %dma_wait3A_93 = arith.constant 0 : i32
    %dma_wait3A_94 = tpu.memref_slice %arg2[%dma_wait3A_92, %dma_wait3A_93] : memref<1024x640xi32, #tpu.memory_space<hbm>> -> memref<1024x640xi32, #tpu.memory_space<hbm>>
    tpu.wait_indirect_dma semaphore(%arg11 : memref<!tpu.dma_semaphore, #tpu.memory_space<semaphore_mem>>) src(%dma_wait3A_94 : memref<1024x640xi32, #tpu.memory_space<hbm>>) dst(%arg8 : memref<64x640xi32, #tpu.memory_space<vmem>>)
    %add3A_95 = arith.constant 128 : i32
    %add3A_96 = arith.addi %mul3A_2, %add3A_95 : i32
    %dma_start3A_97 = arith.constant 0 : i32
    %dma_start3A_98 = tpu.memref_slice %arg4[%add3A_96, %dma_start3A_97] : memref<20480x640xi32, #tpu.memory_space<hbm>> -> memref<64x640xi32, #tpu.memory_space<hbm>>
    %dma_start3A_99 = arith.constant 0 : i32
    %dma_start3A_100 = tpu.memref_slice %arg4[%add3A_96, %dma_start3A_99] : memref<20480x640xi32, #tpu.memory_space<hbm>> -> memref<64x640xi32, #tpu.memory_space<hbm>>
    tpu.enqueue_dma source(%arg8 : memref<64x640xi32, #tpu.memory_space<vmem>>) target(%dma_start3A_100 : memref<64x640xi32, #tpu.memory_space<hbm>>) target_semaphore(%arg14 : memref<!tpu.dma_semaphore, #tpu.memory_space<semaphore_mem>>)
    %dma_wait3A_101 = arith.constant 0 : i32
    %dma_wait3A_102 = tpu.memref_slice %arg4[%add3A_72, %dma_wait3A_101] : memref<20480x640xi32, #tpu.memory_space<hbm>> -> memref<64x640xi32, #tpu.memory_space<hbm>>
    %dma_wait3A_103 = arith.constant 0 : i32
    %dma_wait3A_104 = tpu.memref_slice %arg4[%add3A_72, %dma_wait3A_103] : memref<20480x640xi32, #tpu.memory_space<hbm>> -> memref<64x640xi32, #tpu.memory_space<hbm>>
    tpu.wait_dma2 semaphore(%arg13 : memref<!tpu.dma_semaphore, #tpu.memory_space<semaphore_mem>>) src(%arg7 : memref<64x640xi32, #tpu.memory_space<vmem>>) dst(%dma_wait3A_104 : memref<64x640xi32, #tpu.memory_space<hbm>>)
    %dma_start3A_105 = arith.constant 4 : i32
    %dma_start3A_106 = arith.constant 0 : i32
    %dma_start3A_107 = tpu.memref_slice %arg5[%dma_start3A_105, %dma_start3A_106] : memref<10x64xi32, #tpu.memory_space<vmem>> -> memref<1x64xi32, #tpu.memory_space<vmem>>
    %dma_start3A_108 = tpu.memref_squeeze %dma_start3A_107 : memref<1x64xi32, #tpu.memory_space<vmem>> -> memref<64xi32, #tpu.memory_space<vmem>>
    %dma_start3A_109 = arith.constant 0 : i32
    %dma_start3A_110 = arith.constant 0 : i32
    %dma_start3A_111 = tpu.memref_slice %arg2[%dma_start3A_109, %dma_start3A_110] : memref<1024x640xi32, #tpu.memory_space<hbm>> -> memref<1024x640xi32, #tpu.memory_space<hbm>>
    tpu.enqueue_indirect_dma source(%dma_start3A_111 : memref<1024x640xi32, #tpu.memory_space<hbm>>) target(%arg7 : memref<64x640xi32, #tpu.memory_space<vmem>>) offsets(%dma_start3A_108 : memref<64xi32, #tpu.memory_space<vmem>>) semaphore(%arg10 : memref<!tpu.dma_semaphore, #tpu.memory_space<semaphore_mem>>)
    %dma_wait3A_112 = arith.constant 3 : i32
    %dma_wait3A_113 = arith.constant 0 : i32
    %dma_wait3A_114 = tpu.memref_slice %arg5[%dma_wait3A_112, %dma_wait3A_113] : memref<10x64xi32, #tpu.memory_space<vmem>> -> memref<1x64xi32, #tpu.memory_space<vmem>>
    %dma_wait3A_115 = tpu.memref_squeeze %dma_wait3A_114 : memref<1x64xi32, #tpu.memory_space<vmem>> -> memref<64xi32, #tpu.memory_space<vmem>>
    %dma_wait3A_116 = arith.constant 0 : i32
    %dma_wait3A_117 = arith.constant 0 : i32
    %dma_wait3A_118 = tpu.memref_slice %arg2[%dma_wait3A_116, %dma_wait3A_117] : memref<1024x640xi32, #tpu.memory_space<hbm>> -> memref<1024x640xi32, #tpu.memory_space<hbm>>
    tpu.wait_indirect_dma semaphore(%arg9 : memref<!tpu.dma_semaphore, #tpu.memory_space<semaphore_mem>>) src(%dma_wait3A_118 : memref<1024x640xi32, #tpu.memory_space<hbm>>) dst(%arg6 : memref<64x640xi32, #tpu.memory_space<vmem>>)
    %add3A_119 = arith.constant 192 : i32
    %add3A_120 = arith.addi %mul3A_2, %add3A_119 : i32
    %dma_start3A_121 = arith.constant 0 : i32
    %dma_start3A_122 = tpu.memref_slice %arg4[%add3A_120, %dma_start3A_121] : memref<20480x640xi32, #tpu.memory_space<hbm>> -> memref<64x640xi32, #tpu.memory_space<hbm>>
    %dma_start3A_123 = arith.constant 0 : i32
    %dma_start3A_124 = tpu.memref_slice %arg4[%add3A_120, %dma_start3A_123] : memref<20480x640xi32, #tpu.memory_space<hbm>> -> memref<64x640xi32, #tpu.memory_space<hbm>>
    tpu.enqueue_dma source(%arg6 : memref<64x640xi32, #tpu.memory_space<vmem>>) target(%dma_start3A_124 : memref<64x640xi32, #tpu.memory_space<hbm>>) target_semaphore(%arg12 : memref<!tpu.dma_semaphore, #tpu.memory_space<semaphore_mem>>)
    %dma_wait3A_125 = arith.constant 0 : i32
    %dma_wait3A_126 = tpu.memref_slice %arg4[%add3A_96, %dma_wait3A_125] : memref<20480x640xi32, #tpu.memory_space<hbm>> -> memref<64x640xi32, #tpu.memory_space<hbm>>
    %dma_wait3A_127 = arith.constant 0 : i32
    %dma_wait3A_128 = tpu.memref_slice %arg4[%add3A_96, %dma_wait3A_127] : memref<20480x640xi32, #tpu.memory_space<hbm>> -> memref<64x640xi32, #tpu.memory_space<hbm>>
    tpu.wait_dma2 semaphore(%arg14 : memref<!tpu.dma_semaphore, #tpu.memory_space<semaphore_mem>>) src(%arg8 : memref<64x640xi32, #tpu.memory_space<vmem>>) dst(%dma_wait3A_128 : memref<64x640xi32, #tpu.memory_space<hbm>>)
    %dma_start3A_129 = arith.constant 5 : i32
    %dma_start3A_130 = arith.constant 0 : i32
    %dma_start3A_131 = tpu.memref_slice %arg5[%dma_start3A_129, %dma_start3A_130] : memref<10x64xi32, #tpu.memory_space<vmem>> -> memref<1x64xi32, #tpu.memory_space<vmem>>
    %dma_start3A_132 = tpu.memref_squeeze %dma_start3A_131 : memref<1x64xi32, #tpu.memory_space<vmem>> -> memref<64xi32, #tpu.memory_space<vmem>>
    %dma_start3A_133 = arith.constant 0 : i32
    %dma_start3A_134 = arith.constant 0 : i32
    %dma_start3A_135 = tpu.memref_slice %arg2[%dma_start3A_133, %dma_start3A_134] : memref<1024x640xi32, #tpu.memory_space<hbm>> -> memref<1024x640xi32, #tpu.memory_space<hbm>>
    tpu.enqueue_indirect_dma source(%dma_start3A_135 : memref<1024x640xi32, #tpu.memory_space<hbm>>) target(%arg8 : memref<64x640xi32, #tpu.memory_space<vmem>>) offsets(%dma_start3A_132 : memref<64xi32, #tpu.memory_space<vmem>>) semaphore(%arg11 : memref<!tpu.dma_semaphore, #tpu.memory_space<semaphore_mem>>)
    %dma_wait3A_136 = arith.constant 4 : i32
    %dma_wait3A_137 = arith.constant 0 : i32
    %dma_wait3A_138 = tpu.memref_slice %arg5[%dma_wait3A_136, %dma_wait3A_137] : memref<10x64xi32, #tpu.memory_space<vmem>> -> memref<1x64xi32, #tpu.memory_space<vmem>>
    %dma_wait3A_139 = tpu.memref_squeeze %dma_wait3A_138 : memref<1x64xi32, #tpu.memory_space<vmem>> -> memref<64xi32, #tpu.memory_space<vmem>>
    %dma_wait3A_140 = arith.constant 0 : i32
    %dma_wait3A_141 = arith.constant 0 : i32
    %dma_wait3A_142 = tpu.memref_slice %arg2[%dma_wait3A_140, %dma_wait3A_141] : memref<1024x640xi32, #tpu.memory_space<hbm>> -> memref<1024x640xi32, #tpu.memory_space<hbm>>
    tpu.wait_indirect_dma semaphore(%arg10 : memref<!tpu.dma_semaphore, #tpu.memory_space<semaphore_mem>>) src(%dma_wait3A_142 : memref<1024x640xi32, #tpu.memory_space<hbm>>) dst(%arg7 : memref<64x640xi32, #tpu.memory_space<vmem>>)
    %add3A_143 = arith.constant 256 : i32
    %add3A_144 = arith.addi %mul3A_2, %add3A_143 : i32
    %dma_start3A_145 = arith.constant 0 : i32
    %dma_start3A_146 = tpu.memref_slice %arg4[%add3A_144, %dma_start3A_145] : memref<20480x640xi32, #tpu.memory_space<hbm>> -> memref<64x640xi32, #tpu.memory_space<hbm>>
    %dma_start3A_147 = arith.constant 0 : i32
    %dma_start3A_148 = tpu.memref_slice %arg4[%add3A_144, %dma_start3A_147] : memref<20480x640xi32, #tpu.memory_space<hbm>> -> memref<64x640xi32, #tpu.memory_space<hbm>>
    tpu.enqueue_dma source(%arg7 : memref<64x640xi32, #tpu.memory_space<vmem>>) target(%dma_start3A_148 : memref<64x640xi32, #tpu.memory_space<hbm>>) target_semaphore(%arg13 : memref<!tpu.dma_semaphore, #tpu.memory_space<semaphore_mem>>)
    %dma_wait3A_149 = arith.constant 0 : i32
    %dma_wait3A_150 = tpu.memref_slice %arg4[%add3A_120, %dma_wait3A_149] : memref<20480x640xi32, #tpu.memory_space<hbm>> -> memref<64x640xi32, #tpu.memory_space<hbm>>
    %dma_wait3A_151 = arith.constant 0 : i32
    %dma_wait3A_152 = tpu.memref_slice %arg4[%add3A_120, %dma_wait3A_151] : memref<20480x640xi32, #tpu.memory_space<hbm>> -> memref<64x640xi32, #tpu.memory_space<hbm>>
    tpu.wait_dma2 semaphore(%arg12 : memref<!tpu.dma_semaphore, #tpu.memory_space<semaphore_mem>>) src(%arg6 : memref<64x640xi32, #tpu.memory_space<vmem>>) dst(%dma_wait3A_152 : memref<64x640xi32, #tpu.memory_space<hbm>>)
    %dma_start3A_153 = arith.constant 6 : i32
    %dma_start3A_154 = arith.constant 0 : i32
    %dma_start3A_155 = tpu.memref_slice %arg5[%dma_start3A_153, %dma_start3A_154] : memref<10x64xi32, #tpu.memory_space<vmem>> -> memref<1x64xi32, #tpu.memory_space<vmem>>
    %dma_start3A_156 = tpu.memref_squeeze %dma_start3A_155 : memref<1x64xi32, #tpu.memory_space<vmem>> -> memref<64xi32, #tpu.memory_space<vmem>>
    %dma_start3A_157 = arith.constant 0 : i32
    %dma_start3A_158 = arith.constant 0 : i32
    %dma_start3A_159 = tpu.memref_slice %arg2[%dma_start3A_157, %dma_start3A_158] : memref<1024x640xi32, #tpu.memory_space<hbm>> -> memref<1024x640xi32, #tpu.memory_space<hbm>>
    tpu.enqueue_indirect_dma source(%dma_start3A_159 : memref<1024x640xi32, #tpu.memory_space<hbm>>) target(%arg6 : memref<64x640xi32, #tpu.memory_space<vmem>>) offsets(%dma_start3A_156 : memref<64xi32, #tpu.memory_space<vmem>>) semaphore(%arg9 : memref<!tpu.dma_semaphore, #tpu.memory_space<semaphore_mem>>)
    %dma_wait3A_160 = arith.constant 5 : i32
    %dma_wait3A_161 = arith.constant 0 : i32
    %dma_wait3A_162 = tpu.memref_slice %arg5[%dma_wait3A_160, %dma_wait3A_161] : memref<10x64xi32, #tpu.memory_space<vmem>> -> memref<1x64xi32, #tpu.memory_space<vmem>>
    %dma_wait3A_163 = tpu.memref_squeeze %dma_wait3A_162 : memref<1x64xi32, #tpu.memory_space<vmem>> -> memref<64xi32, #tpu.memory_space<vmem>>
    %dma_wait3A_164 = arith.constant 0 : i32
    %dma_wait3A_165 = arith.constant 0 : i32
    %dma_wait3A_166 = tpu.memref_slice %arg2[%dma_wait3A_164, %dma_wait3A_165] : memref<1024x640xi32, #tpu.memory_space<hbm>> -> memref<1024x640xi32, #tpu.memory_space<hbm>>
    tpu.wait_indirect_dma semaphore(%arg11 : memref<!tpu.dma_semaphore, #tpu.memory_space<semaphore_mem>>) src(%dma_wait3A_166 : memref<1024x640xi32, #tpu.memory_space<hbm>>) dst(%arg8 : memref<64x640xi32, #tpu.memory_space<vmem>>)
    %add3A_167 = arith.constant 320 : i32
    %add3A_168 = arith.addi %mul3A_2, %add3A_167 : i32
    %dma_start3A_169 = arith.constant 0 : i32
    %dma_start3A_170 = tpu.memref_slice %arg4[%add3A_168, %dma_start3A_169] : memref<20480x640xi32, #tpu.memory_space<hbm>> -> memref<64x640xi32, #tpu.memory_space<hbm>>
    %dma_start3A_171 = arith.constant 0 : i32
    %dma_start3A_172 = tpu.memref_slice %arg4[%add3A_168, %dma_start3A_171] : memref<20480x640xi32, #tpu.memory_space<hbm>> -> memref<64x640xi32, #tpu.memory_space<hbm>>
    tpu.enqueue_dma source(%arg8 : memref<64x640xi32, #tpu.memory_space<vmem>>) target(%dma_start3A_172 : memref<64x640xi32, #tpu.memory_space<hbm>>) target_semaphore(%arg14 : memref<!tpu.dma_semaphore, #tpu.memory_space<semaphore_mem>>)
    %dma_wait3A_173 = arith.constant 0 : i32
    %dma_wait3A_174 = tpu.memref_slice %arg4[%add3A_144, %dma_wait3A_173] : memref<20480x640xi32, #tpu.memory_space<hbm>> -> memref<64x640xi32, #tpu.memory_space<hbm>>
    %dma_wait3A_175 = arith.constant 0 : i32
    %dma_wait3A_176 = tpu.memref_slice %arg4[%add3A_144, %dma_wait3A_175] : memref<20480x640xi32, #tpu.memory_space<hbm>> -> memref<64x640xi32, #tpu.memory_space<hbm>>
    tpu.wait_dma2 semaphore(%arg13 : memref<!tpu.dma_semaphore, #tpu.memory_space<semaphore_mem>>) src(%arg7 : memref<64x640xi32, #tpu.memory_space<vmem>>) dst(%dma_wait3A_176 : memref<64x640xi32, #tpu.memory_space<hbm>>)
    %dma_start3A_177 = arith.constant 7 : i32
    %dma_start3A_178 = arith.constant 0 : i32
    %dma_start3A_179 = tpu.memref_slice %arg5[%dma_start3A_177, %dma_start3A_178] : memref<10x64xi32, #tpu.memory_space<vmem>> -> memref<1x64xi32, #tpu.memory_space<vmem>>
    %dma_start3A_180 = tpu.memref_squeeze %dma_start3A_179 : memref<1x64xi32, #tpu.memory_space<vmem>> -> memref<64xi32, #tpu.memory_space<vmem>>
    %dma_start3A_181 = arith.constant 0 : i32
    %dma_start3A_182 = arith.constant 0 : i32
    %dma_start3A_183 = tpu.memref_slice %arg2[%dma_start3A_181, %dma_start3A_182] : memref<1024x640xi32, #tpu.memory_space<hbm>> -> memref<1024x640xi32, #tpu.memory_space<hbm>>
    tpu.enqueue_indirect_dma source(%dma_start3A_183 : memref<1024x640xi32, #tpu.memory_space<hbm>>) target(%arg7 : memref<64x640xi32, #tpu.memory_space<vmem>>) offsets(%dma_start3A_180 : memref<64xi32, #tpu.memory_space<vmem>>) semaphore(%arg10 : memref<!tpu.dma_semaphore, #tpu.memory_space<semaphore_mem>>)
    %dma_wait3A_184 = arith.constant 6 : i32
    %dma_wait3A_185 = arith.constant 0 : i32
    %dma_wait3A_186 = tpu.memref_slice %arg5[%dma_wait3A_184, %dma_wait3A_185] : memref<10x64xi32, #tpu.memory_space<vmem>> -> memref<1x64xi32, #tpu.memory_space<vmem>>
    %dma_wait3A_187 = tpu.memref_squeeze %dma_wait3A_186 : memref<1x64xi32, #tpu.memory_space<vmem>> -> memref<64xi32, #tpu.memory_space<vmem>>
    %dma_wait3A_188 = arith.constant 0 : i32
    %dma_wait3A_189 = arith.constant 0 : i32
    %dma_wait3A_190 = tpu.memref_slice %arg2[%dma_wait3A_188, %dma_wait3A_189] : memref<1024x640xi32, #tpu.memory_space<hbm>> -> memref<1024x640xi32, #tpu.memory_space<hbm>>
    tpu.wait_indirect_dma semaphore(%arg9 : memref<!tpu.dma_semaphore, #tpu.memory_space<semaphore_mem>>) src(%dma_wait3A_190 : memref<1024x640xi32, #tpu.memory_space<hbm>>) dst(%arg6 : memref<64x640xi32, #tpu.memory_space<vmem>>)
    %add3A_191 = arith.constant 384 : i32
    %add3A_192 = arith.addi %mul3A_2, %add3A_191 : i32
    %dma_start3A_193 = arith.constant 0 : i32
    %dma_start3A_194 = tpu.memref_slice %arg4[%add3A_192, %dma_start3A_193] : memref<20480x640xi32, #tpu.memory_space<hbm>> -> memref<64x640xi32, #tpu.memory_space<hbm>>
    %dma_start3A_195 = arith.constant 0 : i32
    %dma_start3A_196 = tpu.memref_slice %arg4[%add3A_192, %dma_start3A_195] : memref<20480x640xi32, #tpu.memory_space<hbm>> -> memref<64x640xi32, #tpu.memory_space<hbm>>
    tpu.enqueue_dma source(%arg6 : memref<64x640xi32, #tpu.memory_space<vmem>>) target(%dma_start3A_196 : memref<64x640xi32, #tpu.memory_space<hbm>>) target_semaphore(%arg12 : memref<!tpu.dma_semaphore, #tpu.memory_space<semaphore_mem>>)
    %dma_wait3A_197 = arith.constant 0 : i32
    %dma_wait3A_198 = tpu.memref_slice %arg4[%add3A_168, %dma_wait3A_197] : memref<20480x640xi32, #tpu.memory_space<hbm>> -> memref<64x640xi32, #tpu.memory_space<hbm>>
    %dma_wait3A_199 = arith.constant 0 : i32
    %dma_wait3A_200 = tpu.memref_slice %arg4[%add3A_168, %dma_wait3A_199] : memref<20480x640xi32, #tpu.memory_space<hbm>> -> memref<64x640xi32, #tpu.memory_space<hbm>>
    tpu.wait_dma2 semaphore(%arg14 : memref<!tpu.dma_semaphore, #tpu.memory_space<semaphore_mem>>) src(%arg8 : memref<64x640xi32, #tpu.memory_space<vmem>>) dst(%dma_wait3A_200 : memref<64x640xi32, #tpu.memory_space<hbm>>)
    %dma_start3A_201 = arith.constant 8 : i32
    %dma_start3A_202 = arith.constant 0 : i32
    %dma_start3A_203 = tpu.memref_slice %arg5[%dma_start3A_201, %dma_start3A_202] : memref<10x64xi32, #tpu.memory_space<vmem>> -> memref<1x64xi32, #tpu.memory_space<vmem>>
    %dma_start3A_204 = tpu.memref_squeeze %dma_start3A_203 : memref<1x64xi32, #tpu.memory_space<vmem>> -> memref<64xi32, #tpu.memory_space<vmem>>
    %dma_start3A_205 = arith.constant 0 : i32
    %dma_start3A_206 = arith.constant 0 : i32
    %dma_start3A_207 = tpu.memref_slice %arg2[%dma_start3A_205, %dma_start3A_206] : memref<1024x640xi32, #tpu.memory_space<hbm>> -> memref<1024x640xi32, #tpu.memory_space<hbm>>
    tpu.enqueue_indirect_dma source(%dma_start3A_207 : memref<1024x640xi32, #tpu.memory_space<hbm>>) target(%arg8 : memref<64x640xi32, #tpu.memory_space<vmem>>) offsets(%dma_start3A_204 : memref<64xi32, #tpu.memory_space<vmem>>) semaphore(%arg11 : memref<!tpu.dma_semaphore, #tpu.memory_space<semaphore_mem>>)
    %dma_wait3A_208 = arith.constant 7 : i32
    %dma_wait3A_209 = arith.constant 0 : i32
    %dma_wait3A_210 = tpu.memref_slice %arg5[%dma_wait3A_208, %dma_wait3A_209] : memref<10x64xi32, #tpu.memory_space<vmem>> -> memref<1x64xi32, #tpu.memory_space<vmem>>
    %dma_wait3A_211 = tpu.memref_squeeze %dma_wait3A_210 : memref<1x64xi32, #tpu.memory_space<vmem>> -> memref<64xi32, #tpu.memory_space<vmem>>
    %dma_wait3A_212 = arith.constant 0 : i32
    %dma_wait3A_213 = arith.constant 0 : i32
    %dma_wait3A_214 = tpu.memref_slice %arg2[%dma_wait3A_212, %dma_wait3A_213] : memref<1024x640xi32, #tpu.memory_space<hbm>> -> memref<1024x640xi32, #tpu.memory_space<hbm>>
    tpu.wait_indirect_dma semaphore(%arg10 : memref<!tpu.dma_semaphore, #tpu.memory_space<semaphore_mem>>) src(%dma_wait3A_214 : memref<1024x640xi32, #tpu.memory_space<hbm>>) dst(%arg7 : memref<64x640xi32, #tpu.memory_space<vmem>>)
    %add3A_215 = arith.constant 448 : i32
    %add3A_216 = arith.addi %mul3A_2, %add3A_215 : i32
    %dma_start3A_217 = arith.constant 0 : i32
    %dma_start3A_218 = tpu.memref_slice %arg4[%add3A_216, %dma_start3A_217] : memref<20480x640xi32, #tpu.memory_space<hbm>> -> memref<64x640xi32, #tpu.memory_space<hbm>>
    %dma_start3A_219 = arith.constant 0 : i32
    %dma_start3A_220 = tpu.memref_slice %arg4[%add3A_216, %dma_start3A_219] : memref<20480x640xi32, #tpu.memory_space<hbm>> -> memref<64x640xi32, #tpu.memory_space<hbm>>
    tpu.enqueue_dma source(%arg7 : memref<64x640xi32, #tpu.memory_space<vmem>>) target(%dma_start3A_220 : memref<64x640xi32, #tpu.memory_space<hbm>>) target_semaphore(%arg13 : memref<!tpu.dma_semaphore, #tpu.memory_space<semaphore_mem>>)
    %dma_wait3A_221 = arith.constant 0 : i32
    %dma_wait3A_222 = tpu.memref_slice %arg4[%add3A_192, %dma_wait3A_221] : memref<20480x640xi32, #tpu.memory_space<hbm>> -> memref<64x640xi32, #tpu.memory_space<hbm>>
    %dma_wait3A_223 = arith.constant 0 : i32
    %dma_wait3A_224 = tpu.memref_slice %arg4[%add3A_192, %dma_wait3A_223] : memref<20480x640xi32, #tpu.memory_space<hbm>> -> memref<64x640xi32, #tpu.memory_space<hbm>>
    tpu.wait_dma2 semaphore(%arg12 : memref<!tpu.dma_semaphore, #tpu.memory_space<semaphore_mem>>) src(%arg6 : memref<64x640xi32, #tpu.memory_space<vmem>>) dst(%dma_wait3A_224 : memref<64x640xi32, #tpu.memory_space<hbm>>)
    %dma_start3A_225 = arith.constant 9 : i32
    %dma_start3A_226 = arith.constant 0 : i32
    %dma_start3A_227 = tpu.memref_slice %arg5[%dma_start3A_225, %dma_start3A_226] : memref<10x64xi32, #tpu.memory_space<vmem>> -> memref<1x64xi32, #tpu.memory_space<vmem>>
    %dma_start3A_228 = tpu.memref_squeeze %dma_start3A_227 : memref<1x64xi32, #tpu.memory_space<vmem>> -> memref<64xi32, #tpu.memory_space<vmem>>
    %dma_start3A_229 = arith.constant 0 : i32
    %dma_start3A_230 = arith.constant 0 : i32
    %dma_start3A_231 = tpu.memref_slice %arg2[%dma_start3A_229, %dma_start3A_230] : memref<1024x640xi32, #tpu.memory_space<hbm>> -> memref<1024x640xi32, #tpu.memory_space<hbm>>
    tpu.enqueue_indirect_dma source(%dma_start3A_231 : memref<1024x640xi32, #tpu.memory_space<hbm>>) target(%arg6 : memref<64x640xi32, #tpu.memory_space<vmem>>) offsets(%dma_start3A_228 : memref<64xi32, #tpu.memory_space<vmem>>) semaphore(%arg9 : memref<!tpu.dma_semaphore, #tpu.memory_space<semaphore_mem>>)
    %dma_wait3A_232 = arith.constant 8 : i32
    %dma_wait3A_233 = arith.constant 0 : i32
    %dma_wait3A_234 = tpu.memref_slice %arg5[%dma_wait3A_232, %dma_wait3A_233] : memref<10x64xi32, #tpu.memory_space<vmem>> -> memref<1x64xi32, #tpu.memory_space<vmem>>
    %dma_wait3A_235 = tpu.memref_squeeze %dma_wait3A_234 : memref<1x64xi32, #tpu.memory_space<vmem>> -> memref<64xi32, #tpu.memory_space<vmem>>
    %dma_wait3A_236 = arith.constant 0 : i32
    %dma_wait3A_237 = arith.constant 0 : i32
    %dma_wait3A_238 = tpu.memref_slice %arg2[%dma_wait3A_236, %dma_wait3A_237] : memref<1024x640xi32, #tpu.memory_space<hbm>> -> memref<1024x640xi32, #tpu.memory_space<hbm>>
    tpu.wait_indirect_dma semaphore(%arg11 : memref<!tpu.dma_semaphore, #tpu.memory_space<semaphore_mem>>) src(%dma_wait3A_238 : memref<1024x640xi32, #tpu.memory_space<hbm>>) dst(%arg8 : memref<64x640xi32, #tpu.memory_space<vmem>>)
    %add3A_239 = arith.constant 512 : i32
    %add3A_240 = arith.addi %mul3A_2, %add3A_239 : i32
    %dma_start3A_241 = arith.constant 0 : i32
    %dma_start3A_242 = tpu.memref_slice %arg4[%add3A_240, %dma_start3A_241] : memref<20480x640xi32, #tpu.memory_space<hbm>> -> memref<64x640xi32, #tpu.memory_space<hbm>>
    %dma_start3A_243 = arith.constant 0 : i32
    %dma_start3A_244 = tpu.memref_slice %arg4[%add3A_240, %dma_start3A_243] : memref<20480x640xi32, #tpu.memory_space<hbm>> -> memref<64x640xi32, #tpu.memory_space<hbm>>
    tpu.enqueue_dma source(%arg8 : memref<64x640xi32, #tpu.memory_space<vmem>>) target(%dma_start3A_244 : memref<64x640xi32, #tpu.memory_space<hbm>>) target_semaphore(%arg14 : memref<!tpu.dma_semaphore, #tpu.memory_space<semaphore_mem>>)
    %dma_wait3A_245 = arith.constant 9 : i32
    %dma_wait3A_246 = arith.constant 0 : i32
    %dma_wait3A_247 = tpu.memref_slice %arg5[%dma_wait3A_245, %dma_wait3A_246] : memref<10x64xi32, #tpu.memory_space<vmem>> -> memref<1x64xi32, #tpu.memory_space<vmem>>
    %dma_wait3A_248 = tpu.memref_squeeze %dma_wait3A_247 : memref<1x64xi32, #tpu.memory_space<vmem>> -> memref<64xi32, #tpu.memory_space<vmem>>
    %dma_wait3A_249 = arith.constant 0 : i32
    %dma_wait3A_250 = arith.constant 0 : i32
    %dma_wait3A_251 = tpu.memref_slice %arg2[%dma_wait3A_249, %dma_wait3A_250] : memref<1024x640xi32, #tpu.memory_space<hbm>> -> memref<1024x640xi32, #tpu.memory_space<hbm>>
    tpu.wait_indirect_dma semaphore(%arg9 : memref<!tpu.dma_semaphore, #tpu.memory_space<semaphore_mem>>) src(%dma_wait3A_251 : memref<1024x640xi32, #tpu.memory_space<hbm>>) dst(%arg6 : memref<64x640xi32, #tpu.memory_space<vmem>>)
    %add3A_252 = arith.constant 576 : i32
    %add3A_253 = arith.addi %mul3A_2, %add3A_252 : i32
    %dma_start3A_254 = arith.constant 0 : i32
    %dma_start3A_255 = tpu.memref_slice %arg4[%add3A_253, %dma_start3A_254] : memref<20480x640xi32, #tpu.memory_space<hbm>> -> memref<64x640xi32, #tpu.memory_space<hbm>>
    %dma_start3A_256 = arith.constant 0 : i32
    %dma_start3A_257 = tpu.memref_slice %arg4[%add3A_253, %dma_start3A_256] : memref<20480x640xi32, #tpu.memory_space<hbm>> -> memref<64x640xi32, #tpu.memory_space<hbm>>
    tpu.enqueue_dma source(%arg6 : memref<64x640xi32, #tpu.memory_space<vmem>>) target(%dma_start3A_257 : memref<64x640xi32, #tpu.memory_space<hbm>>) target_semaphore(%arg12 : memref<!tpu.dma_semaphore, #tpu.memory_space<semaphore_mem>>)
    %dma_wait3A_258 = arith.constant 0 : i32
    %dma_wait3A_259 = tpu.memref_slice %arg4[%add3A_216, %dma_wait3A_258] : memref<20480x640xi32, #tpu.memory_space<hbm>> -> memref<64x640xi32, #tpu.memory_space<hbm>>
    %dma_wait3A_260 = arith.constant 0 : i32
    %dma_wait3A_261 = tpu.memref_slice %arg4[%add3A_216, %dma_wait3A_260] : memref<20480x640xi32, #tpu.memory_space<hbm>> -> memref<64x640xi32, #tpu.memory_space<hbm>>
    tpu.wait_dma2 semaphore(%arg13 : memref<!tpu.dma_semaphore, #tpu.memory_space<semaphore_mem>>) src(%arg7 : memref<64x640xi32, #tpu.memory_space<vmem>>) dst(%dma_wait3A_261 : memref<64x640xi32, #tpu.memory_space<hbm>>)
    %dma_wait3A_262 = arith.constant 0 : i32
    %dma_wait3A_263 = tpu.memref_slice %arg4[%add3A_240, %dma_wait3A_262] : memref<20480x640xi32, #tpu.memory_space<hbm>> -> memref<64x640xi32, #tpu.memory_space<hbm>>
    %dma_wait3A_264 = arith.constant 0 : i32
    %dma_wait3A_265 = tpu.memref_slice %arg4[%add3A_240, %dma_wait3A_264] : memref<20480x640xi32, #tpu.memory_space<hbm>> -> memref<64x640xi32, #tpu.memory_space<hbm>>
    tpu.wait_dma2 semaphore(%arg14 : memref<!tpu.dma_semaphore, #tpu.memory_space<semaphore_mem>>) src(%arg8 : memref<64x640xi32, #tpu.memory_space<vmem>>) dst(%dma_wait3A_265 : memref<64x640xi32, #tpu.memory_space<hbm>>)
    %dma_wait3A_266 = arith.constant 0 : i32
    %dma_wait3A_267 = tpu.memref_slice %arg4[%add3A_253, %dma_wait3A_266] : memref<20480x640xi32, #tpu.memory_space<hbm>> -> memref<64x640xi32, #tpu.memory_space<hbm>>
    %dma_wait3A_268 = arith.constant 0 : i32
    %dma_wait3A_269 = tpu.memref_slice %arg4[%add3A_253, %dma_wait3A_268] : memref<20480x640xi32, #tpu.memory_space<hbm>> -> memref<64x640xi32, #tpu.memory_space<hbm>>
    tpu.wait_dma2 semaphore(%arg12 : memref<!tpu.dma_semaphore, #tpu.memory_space<semaphore_mem>>) src(%arg6 : memref<64x640xi32, #tpu.memory_space<vmem>>) dst(%dma_wait3A_269 : memref<64x640xi32, #tpu.memory_space<hbm>>)
    return
  }
}

module attributes {stable_mosaic.version = 14 : i64} {
  func.func @_topk_embproj_body(%arg0: memref<1024x1024xf32, #tpu.memory_space<vmem>>, %arg1: memref<1024x64xf32, #tpu.memory_space<vmem>>, %arg2: memref<64x128xf32, #tpu.memory_space<vmem>>, %arg3: memref<128xf32, #tpu.memory_space<vmem>>, %arg4: memref<1024x20xi32, #tpu.memory_space<vmem>>, %arg5: memref<128x1024xf32, #tpu.memory_space<vmem>>) attributes {dimension_semantics = [], scalar_prefetch = 0 : i64, scratch_operands = 0 : i64, tpu.core_type = #tpu.core_type<tc>} {
    %get3A = arith.constant 0 : index
    %get3A_0 = arith.constant 0 : index
    %get3A_1 = vector.load %arg1[%get3A, %get3A_0] : memref<1024x64xf32, #tpu.memory_space<vmem>>, vector<1024x64xf32>
    %get3A_2 = arith.constant 0 : index
    %get3A_3 = arith.constant 0 : index
    %get3A_4 = vector.load %arg0[%get3A_2, %get3A_3] : memref<1024x1024xf32, #tpu.memory_space<vmem>>, vector<1024x1024xf32>
    %iota3A = tpu.iota {dimensions = array<i32: 1>} : vector<1024x1024xi32>
    %reduce_max3A = arith.constant dense<0xFF800000> : vector<1024xf32>
    %reduce_max3A_5 = vector.multi_reduction <maximumf>, %get3A_4, %reduce_max3A [1] : vector<1024x1024xf32> to vector<1024xf32>
    %broadcast_in_dim3A = vector.shape_cast %reduce_max3A_5 : vector<1024xf32> to vector<1024x1xf32>
    %eq3A = vector.broadcast %broadcast_in_dim3A : vector<1024x1xf32> to vector<1024x1024xf32>
    %eq3A_6 = arith.cmpf oeq, %get3A_4, %eq3A : vector<1024x1024xf32>
    %jit3A = arith.constant 1024 : i32
    %broadcast_in_dim3A_7 = vector.broadcast %jit3A : i32 to vector<1024x1024xi32>
    %select_n3A = arith.select %eq3A_6, %iota3A, %broadcast_in_dim3A_7 : vector<1024x1024xi1>, vector<1024x1024xi32>
    %reduce_min3A = arith.constant dense<2147483647> : vector<1024xi32>
    %reduce_min3A_8 = vector.multi_reduction <minsi>, %select_n3A, %reduce_min3A [1] : vector<1024x1024xi32> to vector<1024xi32>
    %broadcast_in_dim3A_9 = vector.shape_cast %reduce_min3A_8 : vector<1024xi32> to vector<1024x1xi32>
    %eq3A_10 = vector.broadcast %broadcast_in_dim3A_9 : vector<1024x1xi32> to vector<1024x1024xi32>
    %eq3A_11 = arith.cmpi eq, %iota3A, %eq3A_10 : vector<1024x1024xi32>
    %jit3A_12 = arith.constant 0xFF800000 : f32
    %broadcast_in_dim3A_13 = vector.broadcast %jit3A_12 : f32 to vector<1024x1024xf32>
    %select_n3A_14 = arith.select %eq3A_11, %broadcast_in_dim3A_13, %get3A_4 : vector<1024x1024xi1>, vector<1024x1024xf32>
    %reduce_max3A_15 = arith.constant dense<0xFF800000> : vector<1024xf32>
    %reduce_max3A_16 = vector.multi_reduction <maximumf>, %select_n3A_14, %reduce_max3A_15 [1] : vector<1024x1024xf32> to vector<1024xf32>
    %broadcast_in_dim3A_17 = vector.shape_cast %reduce_max3A_16 : vector<1024xf32> to vector<1024x1xf32>
    %eq3A_18 = vector.broadcast %broadcast_in_dim3A_17 : vector<1024x1xf32> to vector<1024x1024xf32>
    %eq3A_19 = arith.cmpf oeq, %select_n3A_14, %eq3A_18 : vector<1024x1024xf32>
    %jit3A_20 = arith.constant 1024 : i32
    %broadcast_in_dim3A_21 = vector.broadcast %jit3A_20 : i32 to vector<1024x1024xi32>
    %select_n3A_22 = arith.select %eq3A_19, %iota3A, %broadcast_in_dim3A_21 : vector<1024x1024xi1>, vector<1024x1024xi32>
    %reduce_min3A_23 = arith.constant dense<2147483647> : vector<1024xi32>
    %reduce_min3A_24 = vector.multi_reduction <minsi>, %select_n3A_22, %reduce_min3A_23 [1] : vector<1024x1024xi32> to vector<1024xi32>
    %broadcast_in_dim3A_25 = vector.shape_cast %reduce_min3A_24 : vector<1024xi32> to vector<1024x1xi32>
    %eq3A_26 = vector.broadcast %broadcast_in_dim3A_25 : vector<1024x1xi32> to vector<1024x1024xi32>
    %eq3A_27 = arith.cmpi eq, %iota3A, %eq3A_26 : vector<1024x1024xi32>
    %jit3A_28 = arith.constant 0xFF800000 : f32
    %broadcast_in_dim3A_29 = vector.broadcast %jit3A_28 : f32 to vector<1024x1024xf32>
    %select_n3A_30 = arith.select %eq3A_27, %broadcast_in_dim3A_29, %select_n3A_14 : vector<1024x1024xi1>, vector<1024x1024xf32>
    %reduce_max3A_31 = arith.constant dense<0xFF800000> : vector<1024xf32>
    %reduce_max3A_32 = vector.multi_reduction <maximumf>, %select_n3A_30, %reduce_max3A_31 [1] : vector<1024x1024xf32> to vector<1024xf32>
    %broadcast_in_dim3A_33 = vector.shape_cast %reduce_max3A_32 : vector<1024xf32> to vector<1024x1xf32>
    %eq3A_34 = vector.broadcast %broadcast_in_dim3A_33 : vector<1024x1xf32> to vector<1024x1024xf32>
    %eq3A_35 = arith.cmpf oeq, %select_n3A_30, %eq3A_34 : vector<1024x1024xf32>
    %jit3A_36 = arith.constant 1024 : i32
    %broadcast_in_dim3A_37 = vector.broadcast %jit3A_36 : i32 to vector<1024x1024xi32>
    %select_n3A_38 = arith.select %eq3A_35, %iota3A, %broadcast_in_dim3A_37 : vector<1024x1024xi1>, vector<1024x1024xi32>
    %reduce_min3A_39 = arith.constant dense<2147483647> : vector<1024xi32>
    %reduce_min3A_40 = vector.multi_reduction <minsi>, %select_n3A_38, %reduce_min3A_39 [1] : vector<1024x1024xi32> to vector<1024xi32>
    %broadcast_in_dim3A_41 = vector.shape_cast %reduce_min3A_40 : vector<1024xi32> to vector<1024x1xi32>
    %eq3A_42 = vector.broadcast %broadcast_in_dim3A_41 : vector<1024x1xi32> to vector<1024x1024xi32>
    %eq3A_43 = arith.cmpi eq, %iota3A, %eq3A_42 : vector<1024x1024xi32>
    %jit3A_44 = arith.constant 0xFF800000 : f32
    %broadcast_in_dim3A_45 = vector.broadcast %jit3A_44 : f32 to vector<1024x1024xf32>
    %select_n3A_46 = arith.select %eq3A_43, %broadcast_in_dim3A_45, %select_n3A_30 : vector<1024x1024xi1>, vector<1024x1024xf32>
    %reduce_max3A_47 = arith.constant dense<0xFF800000> : vector<1024xf32>
    %reduce_max3A_48 = vector.multi_reduction <maximumf>, %select_n3A_46, %reduce_max3A_47 [1] : vector<1024x1024xf32> to vector<1024xf32>
    %broadcast_in_dim3A_49 = vector.shape_cast %reduce_max3A_48 : vector<1024xf32> to vector<1024x1xf32>
    %eq3A_50 = vector.broadcast %broadcast_in_dim3A_49 : vector<1024x1xf32> to vector<1024x1024xf32>
    %eq3A_51 = arith.cmpf oeq, %select_n3A_46, %eq3A_50 : vector<1024x1024xf32>
    %jit3A_52 = arith.constant 1024 : i32
    %broadcast_in_dim3A_53 = vector.broadcast %jit3A_52 : i32 to vector<1024x1024xi32>
    %select_n3A_54 = arith.select %eq3A_51, %iota3A, %broadcast_in_dim3A_53 : vector<1024x1024xi1>, vector<1024x1024xi32>
    %reduce_min3A_55 = arith.constant dense<2147483647> : vector<1024xi32>
    %reduce_min3A_56 = vector.multi_reduction <minsi>, %select_n3A_54, %reduce_min3A_55 [1] : vector<1024x1024xi32> to vector<1024xi32>
    %broadcast_in_dim3A_57 = vector.shape_cast %reduce_min3A_56 : vector<1024xi32> to vector<1024x1xi32>
    %eq3A_58 = vector.broadcast %broadcast_in_dim3A_57 : vector<1024x1xi32> to vector<1024x1024xi32>
    %eq3A_59 = arith.cmpi eq, %iota3A, %eq3A_58 : vector<1024x1024xi32>
    %jit3A_60 = arith.constant 0xFF800000 : f32
    %broadcast_in_dim3A_61 = vector.broadcast %jit3A_60 : f32 to vector<1024x1024xf32>
    %select_n3A_62 = arith.select %eq3A_59, %broadcast_in_dim3A_61, %select_n3A_46 : vector<1024x1024xi1>, vector<1024x1024xf32>
    %reduce_max3A_63 = arith.constant dense<0xFF800000> : vector<1024xf32>
    %reduce_max3A_64 = vector.multi_reduction <maximumf>, %select_n3A_62, %reduce_max3A_63 [1] : vector<1024x1024xf32> to vector<1024xf32>
    %broadcast_in_dim3A_65 = vector.shape_cast %reduce_max3A_64 : vector<1024xf32> to vector<1024x1xf32>
    %eq3A_66 = vector.broadcast %broadcast_in_dim3A_65 : vector<1024x1xf32> to vector<1024x1024xf32>
    %eq3A_67 = arith.cmpf oeq, %select_n3A_62, %eq3A_66 : vector<1024x1024xf32>
    %jit3A_68 = arith.constant 1024 : i32
    %broadcast_in_dim3A_69 = vector.broadcast %jit3A_68 : i32 to vector<1024x1024xi32>
    %select_n3A_70 = arith.select %eq3A_67, %iota3A, %broadcast_in_dim3A_69 : vector<1024x1024xi1>, vector<1024x1024xi32>
    %reduce_min3A_71 = arith.constant dense<2147483647> : vector<1024xi32>
    %reduce_min3A_72 = vector.multi_reduction <minsi>, %select_n3A_70, %reduce_min3A_71 [1] : vector<1024x1024xi32> to vector<1024xi32>
    %broadcast_in_dim3A_73 = vector.shape_cast %reduce_min3A_72 : vector<1024xi32> to vector<1024x1xi32>
    %eq3A_74 = vector.broadcast %broadcast_in_dim3A_73 : vector<1024x1xi32> to vector<1024x1024xi32>
    %eq3A_75 = arith.cmpi eq, %iota3A, %eq3A_74 : vector<1024x1024xi32>
    %jit3A_76 = arith.constant 0xFF800000 : f32
    %broadcast_in_dim3A_77 = vector.broadcast %jit3A_76 : f32 to vector<1024x1024xf32>
    %select_n3A_78 = arith.select %eq3A_75, %broadcast_in_dim3A_77, %select_n3A_62 : vector<1024x1024xi1>, vector<1024x1024xf32>
    %reduce_max3A_79 = arith.constant dense<0xFF800000> : vector<1024xf32>
    %reduce_max3A_80 = vector.multi_reduction <maximumf>, %select_n3A_78, %reduce_max3A_79 [1] : vector<1024x1024xf32> to vector<1024xf32>
    %broadcast_in_dim3A_81 = vector.shape_cast %reduce_max3A_80 : vector<1024xf32> to vector<1024x1xf32>
    %eq3A_82 = vector.broadcast %broadcast_in_dim3A_81 : vector<1024x1xf32> to vector<1024x1024xf32>
    %eq3A_83 = arith.cmpf oeq, %select_n3A_78, %eq3A_82 : vector<1024x1024xf32>
    %jit3A_84 = arith.constant 1024 : i32
    %broadcast_in_dim3A_85 = vector.broadcast %jit3A_84 : i32 to vector<1024x1024xi32>
    %select_n3A_86 = arith.select %eq3A_83, %iota3A, %broadcast_in_dim3A_85 : vector<1024x1024xi1>, vector<1024x1024xi32>
    %reduce_min3A_87 = arith.constant dense<2147483647> : vector<1024xi32>
    %reduce_min3A_88 = vector.multi_reduction <minsi>, %select_n3A_86, %reduce_min3A_87 [1] : vector<1024x1024xi32> to vector<1024xi32>
    %broadcast_in_dim3A_89 = vector.shape_cast %reduce_min3A_88 : vector<1024xi32> to vector<1024x1xi32>
    %eq3A_90 = vector.broadcast %broadcast_in_dim3A_89 : vector<1024x1xi32> to vector<1024x1024xi32>
    %eq3A_91 = arith.cmpi eq, %iota3A, %eq3A_90 : vector<1024x1024xi32>
    %jit3A_92 = arith.constant 0xFF800000 : f32
    %broadcast_in_dim3A_93 = vector.broadcast %jit3A_92 : f32 to vector<1024x1024xf32>
    %select_n3A_94 = arith.select %eq3A_91, %broadcast_in_dim3A_93, %select_n3A_78 : vector<1024x1024xi1>, vector<1024x1024xf32>
    %reduce_max3A_95 = arith.constant dense<0xFF800000> : vector<1024xf32>
    %reduce_max3A_96 = vector.multi_reduction <maximumf>, %select_n3A_94, %reduce_max3A_95 [1] : vector<1024x1024xf32> to vector<1024xf32>
    %broadcast_in_dim3A_97 = vector.shape_cast %reduce_max3A_96 : vector<1024xf32> to vector<1024x1xf32>
    %eq3A_98 = vector.broadcast %broadcast_in_dim3A_97 : vector<1024x1xf32> to vector<1024x1024xf32>
    %eq3A_99 = arith.cmpf oeq, %select_n3A_94, %eq3A_98 : vector<1024x1024xf32>
    %jit3A_100 = arith.constant 1024 : i32
    %broadcast_in_dim3A_101 = vector.broadcast %jit3A_100 : i32 to vector<1024x1024xi32>
    %select_n3A_102 = arith.select %eq3A_99, %iota3A, %broadcast_in_dim3A_101 : vector<1024x1024xi1>, vector<1024x1024xi32>
    %reduce_min3A_103 = arith.constant dense<2147483647> : vector<1024xi32>
    %reduce_min3A_104 = vector.multi_reduction <minsi>, %select_n3A_102, %reduce_min3A_103 [1] : vector<1024x1024xi32> to vector<1024xi32>
    %broadcast_in_dim3A_105 = vector.shape_cast %reduce_min3A_104 : vector<1024xi32> to vector<1024x1xi32>
    %eq3A_106 = vector.broadcast %broadcast_in_dim3A_105 : vector<1024x1xi32> to vector<1024x1024xi32>
    %eq3A_107 = arith.cmpi eq, %iota3A, %eq3A_106 : vector<1024x1024xi32>
    %jit3A_108 = arith.constant 0xFF800000 : f32
    %broadcast_in_dim3A_109 = vector.broadcast %jit3A_108 : f32 to vector<1024x1024xf32>
    %select_n3A_110 = arith.select %eq3A_107, %broadcast_in_dim3A_109, %select_n3A_94 : vector<1024x1024xi1>, vector<1024x1024xf32>
    %reduce_max3A_111 = arith.constant dense<0xFF800000> : vector<1024xf32>
    %reduce_max3A_112 = vector.multi_reduction <maximumf>, %select_n3A_110, %reduce_max3A_111 [1] : vector<1024x1024xf32> to vector<1024xf32>
    %broadcast_in_dim3A_113 = vector.shape_cast %reduce_max3A_112 : vector<1024xf32> to vector<1024x1xf32>
    %eq3A_114 = vector.broadcast %broadcast_in_dim3A_113 : vector<1024x1xf32> to vector<1024x1024xf32>
    %eq3A_115 = arith.cmpf oeq, %select_n3A_110, %eq3A_114 : vector<1024x1024xf32>
    %jit3A_116 = arith.constant 1024 : i32
    %broadcast_in_dim3A_117 = vector.broadcast %jit3A_116 : i32 to vector<1024x1024xi32>
    %select_n3A_118 = arith.select %eq3A_115, %iota3A, %broadcast_in_dim3A_117 : vector<1024x1024xi1>, vector<1024x1024xi32>
    %reduce_min3A_119 = arith.constant dense<2147483647> : vector<1024xi32>
    %reduce_min3A_120 = vector.multi_reduction <minsi>, %select_n3A_118, %reduce_min3A_119 [1] : vector<1024x1024xi32> to vector<1024xi32>
    %broadcast_in_dim3A_121 = vector.shape_cast %reduce_min3A_120 : vector<1024xi32> to vector<1024x1xi32>
    %eq3A_122 = vector.broadcast %broadcast_in_dim3A_121 : vector<1024x1xi32> to vector<1024x1024xi32>
    %eq3A_123 = arith.cmpi eq, %iota3A, %eq3A_122 : vector<1024x1024xi32>
    %jit3A_124 = arith.constant 0xFF800000 : f32
    %broadcast_in_dim3A_125 = vector.broadcast %jit3A_124 : f32 to vector<1024x1024xf32>
    %select_n3A_126 = arith.select %eq3A_123, %broadcast_in_dim3A_125, %select_n3A_110 : vector<1024x1024xi1>, vector<1024x1024xf32>
    %reduce_max3A_127 = arith.constant dense<0xFF800000> : vector<1024xf32>
    %reduce_max3A_128 = vector.multi_reduction <maximumf>, %select_n3A_126, %reduce_max3A_127 [1] : vector<1024x1024xf32> to vector<1024xf32>
    %broadcast_in_dim3A_129 = vector.shape_cast %reduce_max3A_128 : vector<1024xf32> to vector<1024x1xf32>
    %eq3A_130 = vector.broadcast %broadcast_in_dim3A_129 : vector<1024x1xf32> to vector<1024x1024xf32>
    %eq3A_131 = arith.cmpf oeq, %select_n3A_126, %eq3A_130 : vector<1024x1024xf32>
    %jit3A_132 = arith.constant 1024 : i32
    %broadcast_in_dim3A_133 = vector.broadcast %jit3A_132 : i32 to vector<1024x1024xi32>
    %select_n3A_134 = arith.select %eq3A_131, %iota3A, %broadcast_in_dim3A_133 : vector<1024x1024xi1>, vector<1024x1024xi32>
    %reduce_min3A_135 = arith.constant dense<2147483647> : vector<1024xi32>
    %reduce_min3A_136 = vector.multi_reduction <minsi>, %select_n3A_134, %reduce_min3A_135 [1] : vector<1024x1024xi32> to vector<1024xi32>
    %broadcast_in_dim3A_137 = vector.shape_cast %reduce_min3A_136 : vector<1024xi32> to vector<1024x1xi32>
    %eq3A_138 = vector.broadcast %broadcast_in_dim3A_137 : vector<1024x1xi32> to vector<1024x1024xi32>
    %eq3A_139 = arith.cmpi eq, %iota3A, %eq3A_138 : vector<1024x1024xi32>
    %jit3A_140 = arith.constant 0xFF800000 : f32
    %broadcast_in_dim3A_141 = vector.broadcast %jit3A_140 : f32 to vector<1024x1024xf32>
    %select_n3A_142 = arith.select %eq3A_139, %broadcast_in_dim3A_141, %select_n3A_126 : vector<1024x1024xi1>, vector<1024x1024xf32>
    %reduce_max3A_143 = arith.constant dense<0xFF800000> : vector<1024xf32>
    %reduce_max3A_144 = vector.multi_reduction <maximumf>, %select_n3A_142, %reduce_max3A_143 [1] : vector<1024x1024xf32> to vector<1024xf32>
    %broadcast_in_dim3A_145 = vector.shape_cast %reduce_max3A_144 : vector<1024xf32> to vector<1024x1xf32>
    %eq3A_146 = vector.broadcast %broadcast_in_dim3A_145 : vector<1024x1xf32> to vector<1024x1024xf32>
    %eq3A_147 = arith.cmpf oeq, %select_n3A_142, %eq3A_146 : vector<1024x1024xf32>
    %jit3A_148 = arith.constant 1024 : i32
    %broadcast_in_dim3A_149 = vector.broadcast %jit3A_148 : i32 to vector<1024x1024xi32>
    %select_n3A_150 = arith.select %eq3A_147, %iota3A, %broadcast_in_dim3A_149 : vector<1024x1024xi1>, vector<1024x1024xi32>
    %reduce_min3A_151 = arith.constant dense<2147483647> : vector<1024xi32>
    %reduce_min3A_152 = vector.multi_reduction <minsi>, %select_n3A_150, %reduce_min3A_151 [1] : vector<1024x1024xi32> to vector<1024xi32>
    %broadcast_in_dim3A_153 = vector.shape_cast %reduce_min3A_152 : vector<1024xi32> to vector<1024x1xi32>
    %eq3A_154 = vector.broadcast %broadcast_in_dim3A_153 : vector<1024x1xi32> to vector<1024x1024xi32>
    %eq3A_155 = arith.cmpi eq, %iota3A, %eq3A_154 : vector<1024x1024xi32>
    %jit3A_156 = arith.constant 0xFF800000 : f32
    %broadcast_in_dim3A_157 = vector.broadcast %jit3A_156 : f32 to vector<1024x1024xf32>
    %select_n3A_158 = arith.select %eq3A_155, %broadcast_in_dim3A_157, %select_n3A_142 : vector<1024x1024xi1>, vector<1024x1024xf32>
    %reduce_max3A_159 = arith.constant dense<0xFF800000> : vector<1024xf32>
    %reduce_max3A_160 = vector.multi_reduction <maximumf>, %select_n3A_158, %reduce_max3A_159 [1] : vector<1024x1024xf32> to vector<1024xf32>
    %broadcast_in_dim3A_161 = vector.shape_cast %reduce_max3A_160 : vector<1024xf32> to vector<1024x1xf32>
    %eq3A_162 = vector.broadcast %broadcast_in_dim3A_161 : vector<1024x1xf32> to vector<1024x1024xf32>
    %eq3A_163 = arith.cmpf oeq, %select_n3A_158, %eq3A_162 : vector<1024x1024xf32>
    %jit3A_164 = arith.constant 1024 : i32
    %broadcast_in_dim3A_165 = vector.broadcast %jit3A_164 : i32 to vector<1024x1024xi32>
    %select_n3A_166 = arith.select %eq3A_163, %iota3A, %broadcast_in_dim3A_165 : vector<1024x1024xi1>, vector<1024x1024xi32>
    %reduce_min3A_167 = arith.constant dense<2147483647> : vector<1024xi32>
    %reduce_min3A_168 = vector.multi_reduction <minsi>, %select_n3A_166, %reduce_min3A_167 [1] : vector<1024x1024xi32> to vector<1024xi32>
    %broadcast_in_dim3A_169 = vector.shape_cast %reduce_min3A_168 : vector<1024xi32> to vector<1024x1xi32>
    %eq3A_170 = vector.broadcast %broadcast_in_dim3A_169 : vector<1024x1xi32> to vector<1024x1024xi32>
    %eq3A_171 = arith.cmpi eq, %iota3A, %eq3A_170 : vector<1024x1024xi32>
    %jit3A_172 = arith.constant 0xFF800000 : f32
    %broadcast_in_dim3A_173 = vector.broadcast %jit3A_172 : f32 to vector<1024x1024xf32>
    %select_n3A_174 = arith.select %eq3A_171, %broadcast_in_dim3A_173, %select_n3A_158 : vector<1024x1024xi1>, vector<1024x1024xf32>
    %reduce_max3A_175 = arith.constant dense<0xFF800000> : vector<1024xf32>
    %reduce_max3A_176 = vector.multi_reduction <maximumf>, %select_n3A_174, %reduce_max3A_175 [1] : vector<1024x1024xf32> to vector<1024xf32>
    %broadcast_in_dim3A_177 = vector.shape_cast %reduce_max3A_176 : vector<1024xf32> to vector<1024x1xf32>
    %eq3A_178 = vector.broadcast %broadcast_in_dim3A_177 : vector<1024x1xf32> to vector<1024x1024xf32>
    %eq3A_179 = arith.cmpf oeq, %select_n3A_174, %eq3A_178 : vector<1024x1024xf32>
    %jit3A_180 = arith.constant 1024 : i32
    %broadcast_in_dim3A_181 = vector.broadcast %jit3A_180 : i32 to vector<1024x1024xi32>
    %select_n3A_182 = arith.select %eq3A_179, %iota3A, %broadcast_in_dim3A_181 : vector<1024x1024xi1>, vector<1024x1024xi32>
    %reduce_min3A_183 = arith.constant dense<2147483647> : vector<1024xi32>
    %reduce_min3A_184 = vector.multi_reduction <minsi>, %select_n3A_182, %reduce_min3A_183 [1] : vector<1024x1024xi32> to vector<1024xi32>
    %broadcast_in_dim3A_185 = vector.shape_cast %reduce_min3A_184 : vector<1024xi32> to vector<1024x1xi32>
    %eq3A_186 = vector.broadcast %broadcast_in_dim3A_185 : vector<1024x1xi32> to vector<1024x1024xi32>
    %eq3A_187 = arith.cmpi eq, %iota3A, %eq3A_186 : vector<1024x1024xi32>
    %jit3A_188 = arith.constant 0xFF800000 : f32
    %broadcast_in_dim3A_189 = vector.broadcast %jit3A_188 : f32 to vector<1024x1024xf32>
    %select_n3A_190 = arith.select %eq3A_187, %broadcast_in_dim3A_189, %select_n3A_174 : vector<1024x1024xi1>, vector<1024x1024xf32>
    %reduce_max3A_191 = arith.constant dense<0xFF800000> : vector<1024xf32>
    %reduce_max3A_192 = vector.multi_reduction <maximumf>, %select_n3A_190, %reduce_max3A_191 [1] : vector<1024x1024xf32> to vector<1024xf32>
    %broadcast_in_dim3A_193 = vector.shape_cast %reduce_max3A_192 : vector<1024xf32> to vector<1024x1xf32>
    %eq3A_194 = vector.broadcast %broadcast_in_dim3A_193 : vector<1024x1xf32> to vector<1024x1024xf32>
    %eq3A_195 = arith.cmpf oeq, %select_n3A_190, %eq3A_194 : vector<1024x1024xf32>
    %jit3A_196 = arith.constant 1024 : i32
    %broadcast_in_dim3A_197 = vector.broadcast %jit3A_196 : i32 to vector<1024x1024xi32>
    %select_n3A_198 = arith.select %eq3A_195, %iota3A, %broadcast_in_dim3A_197 : vector<1024x1024xi1>, vector<1024x1024xi32>
    %reduce_min3A_199 = arith.constant dense<2147483647> : vector<1024xi32>
    %reduce_min3A_200 = vector.multi_reduction <minsi>, %select_n3A_198, %reduce_min3A_199 [1] : vector<1024x1024xi32> to vector<1024xi32>
    %broadcast_in_dim3A_201 = vector.shape_cast %reduce_min3A_200 : vector<1024xi32> to vector<1024x1xi32>
    %eq3A_202 = vector.broadcast %broadcast_in_dim3A_201 : vector<1024x1xi32> to vector<1024x1024xi32>
    %eq3A_203 = arith.cmpi eq, %iota3A, %eq3A_202 : vector<1024x1024xi32>
    %jit3A_204 = arith.constant 0xFF800000 : f32
    %broadcast_in_dim3A_205 = vector.broadcast %jit3A_204 : f32 to vector<1024x1024xf32>
    %select_n3A_206 = arith.select %eq3A_203, %broadcast_in_dim3A_205, %select_n3A_190 : vector<1024x1024xi1>, vector<1024x1024xf32>
    %reduce_max3A_207 = arith.constant dense<0xFF800000> : vector<1024xf32>
    %reduce_max3A_208 = vector.multi_reduction <maximumf>, %select_n3A_206, %reduce_max3A_207 [1] : vector<1024x1024xf32> to vector<1024xf32>
    %broadcast_in_dim3A_209 = vector.shape_cast %reduce_max3A_208 : vector<1024xf32> to vector<1024x1xf32>
    %eq3A_210 = vector.broadcast %broadcast_in_dim3A_209 : vector<1024x1xf32> to vector<1024x1024xf32>
    %eq3A_211 = arith.cmpf oeq, %select_n3A_206, %eq3A_210 : vector<1024x1024xf32>
    %jit3A_212 = arith.constant 1024 : i32
    %broadcast_in_dim3A_213 = vector.broadcast %jit3A_212 : i32 to vector<1024x1024xi32>
    %select_n3A_214 = arith.select %eq3A_211, %iota3A, %broadcast_in_dim3A_213 : vector<1024x1024xi1>, vector<1024x1024xi32>
    %reduce_min3A_215 = arith.constant dense<2147483647> : vector<1024xi32>
    %reduce_min3A_216 = vector.multi_reduction <minsi>, %select_n3A_214, %reduce_min3A_215 [1] : vector<1024x1024xi32> to vector<1024xi32>
    %broadcast_in_dim3A_217 = vector.shape_cast %reduce_min3A_216 : vector<1024xi32> to vector<1024x1xi32>
    %eq3A_218 = vector.broadcast %broadcast_in_dim3A_217 : vector<1024x1xi32> to vector<1024x1024xi32>
    %eq3A_219 = arith.cmpi eq, %iota3A, %eq3A_218 : vector<1024x1024xi32>
    %jit3A_220 = arith.constant 0xFF800000 : f32
    %broadcast_in_dim3A_221 = vector.broadcast %jit3A_220 : f32 to vector<1024x1024xf32>
    %select_n3A_222 = arith.select %eq3A_219, %broadcast_in_dim3A_221, %select_n3A_206 : vector<1024x1024xi1>, vector<1024x1024xf32>
    %reduce_max3A_223 = arith.constant dense<0xFF800000> : vector<1024xf32>
    %reduce_max3A_224 = vector.multi_reduction <maximumf>, %select_n3A_222, %reduce_max3A_223 [1] : vector<1024x1024xf32> to vector<1024xf32>
    %broadcast_in_dim3A_225 = vector.shape_cast %reduce_max3A_224 : vector<1024xf32> to vector<1024x1xf32>
    %eq3A_226 = vector.broadcast %broadcast_in_dim3A_225 : vector<1024x1xf32> to vector<1024x1024xf32>
    %eq3A_227 = arith.cmpf oeq, %select_n3A_222, %eq3A_226 : vector<1024x1024xf32>
    %jit3A_228 = arith.constant 1024 : i32
    %broadcast_in_dim3A_229 = vector.broadcast %jit3A_228 : i32 to vector<1024x1024xi32>
    %select_n3A_230 = arith.select %eq3A_227, %iota3A, %broadcast_in_dim3A_229 : vector<1024x1024xi1>, vector<1024x1024xi32>
    %reduce_min3A_231 = arith.constant dense<2147483647> : vector<1024xi32>
    %reduce_min3A_232 = vector.multi_reduction <minsi>, %select_n3A_230, %reduce_min3A_231 [1] : vector<1024x1024xi32> to vector<1024xi32>
    %broadcast_in_dim3A_233 = vector.shape_cast %reduce_min3A_232 : vector<1024xi32> to vector<1024x1xi32>
    %eq3A_234 = vector.broadcast %broadcast_in_dim3A_233 : vector<1024x1xi32> to vector<1024x1024xi32>
    %eq3A_235 = arith.cmpi eq, %iota3A, %eq3A_234 : vector<1024x1024xi32>
    %jit3A_236 = arith.constant 0xFF800000 : f32
    %broadcast_in_dim3A_237 = vector.broadcast %jit3A_236 : f32 to vector<1024x1024xf32>
    %select_n3A_238 = arith.select %eq3A_235, %broadcast_in_dim3A_237, %select_n3A_222 : vector<1024x1024xi1>, vector<1024x1024xf32>
    %reduce_max3A_239 = arith.constant dense<0xFF800000> : vector<1024xf32>
    %reduce_max3A_240 = vector.multi_reduction <maximumf>, %select_n3A_238, %reduce_max3A_239 [1] : vector<1024x1024xf32> to vector<1024xf32>
    %broadcast_in_dim3A_241 = vector.shape_cast %reduce_max3A_240 : vector<1024xf32> to vector<1024x1xf32>
    %eq3A_242 = vector.broadcast %broadcast_in_dim3A_241 : vector<1024x1xf32> to vector<1024x1024xf32>
    %eq3A_243 = arith.cmpf oeq, %select_n3A_238, %eq3A_242 : vector<1024x1024xf32>
    %jit3A_244 = arith.constant 1024 : i32
    %broadcast_in_dim3A_245 = vector.broadcast %jit3A_244 : i32 to vector<1024x1024xi32>
    %select_n3A_246 = arith.select %eq3A_243, %iota3A, %broadcast_in_dim3A_245 : vector<1024x1024xi1>, vector<1024x1024xi32>
    %reduce_min3A_247 = arith.constant dense<2147483647> : vector<1024xi32>
    %reduce_min3A_248 = vector.multi_reduction <minsi>, %select_n3A_246, %reduce_min3A_247 [1] : vector<1024x1024xi32> to vector<1024xi32>
    %broadcast_in_dim3A_249 = vector.shape_cast %reduce_min3A_248 : vector<1024xi32> to vector<1024x1xi32>
    %eq3A_250 = vector.broadcast %broadcast_in_dim3A_249 : vector<1024x1xi32> to vector<1024x1024xi32>
    %eq3A_251 = arith.cmpi eq, %iota3A, %eq3A_250 : vector<1024x1024xi32>
    %jit3A_252 = arith.constant 0xFF800000 : f32
    %broadcast_in_dim3A_253 = vector.broadcast %jit3A_252 : f32 to vector<1024x1024xf32>
    %select_n3A_254 = arith.select %eq3A_251, %broadcast_in_dim3A_253, %select_n3A_238 : vector<1024x1024xi1>, vector<1024x1024xf32>
    %reduce_max3A_255 = arith.constant dense<0xFF800000> : vector<1024xf32>
    %reduce_max3A_256 = vector.multi_reduction <maximumf>, %select_n3A_254, %reduce_max3A_255 [1] : vector<1024x1024xf32> to vector<1024xf32>
    %broadcast_in_dim3A_257 = vector.shape_cast %reduce_max3A_256 : vector<1024xf32> to vector<1024x1xf32>
    %eq3A_258 = vector.broadcast %broadcast_in_dim3A_257 : vector<1024x1xf32> to vector<1024x1024xf32>
    %eq3A_259 = arith.cmpf oeq, %select_n3A_254, %eq3A_258 : vector<1024x1024xf32>
    %jit3A_260 = arith.constant 1024 : i32
    %broadcast_in_dim3A_261 = vector.broadcast %jit3A_260 : i32 to vector<1024x1024xi32>
    %select_n3A_262 = arith.select %eq3A_259, %iota3A, %broadcast_in_dim3A_261 : vector<1024x1024xi1>, vector<1024x1024xi32>
    %reduce_min3A_263 = arith.constant dense<2147483647> : vector<1024xi32>
    %reduce_min3A_264 = vector.multi_reduction <minsi>, %select_n3A_262, %reduce_min3A_263 [1] : vector<1024x1024xi32> to vector<1024xi32>
    %broadcast_in_dim3A_265 = vector.shape_cast %reduce_min3A_264 : vector<1024xi32> to vector<1024x1xi32>
    %eq3A_266 = vector.broadcast %broadcast_in_dim3A_265 : vector<1024x1xi32> to vector<1024x1024xi32>
    %eq3A_267 = arith.cmpi eq, %iota3A, %eq3A_266 : vector<1024x1024xi32>
    %jit3A_268 = arith.constant 0xFF800000 : f32
    %broadcast_in_dim3A_269 = vector.broadcast %jit3A_268 : f32 to vector<1024x1024xf32>
    %select_n3A_270 = arith.select %eq3A_267, %broadcast_in_dim3A_269, %select_n3A_254 : vector<1024x1024xi1>, vector<1024x1024xf32>
    %reduce_max3A_271 = arith.constant dense<0xFF800000> : vector<1024xf32>
    %reduce_max3A_272 = vector.multi_reduction <maximumf>, %select_n3A_270, %reduce_max3A_271 [1] : vector<1024x1024xf32> to vector<1024xf32>
    %broadcast_in_dim3A_273 = vector.shape_cast %reduce_max3A_272 : vector<1024xf32> to vector<1024x1xf32>
    %eq3A_274 = vector.broadcast %broadcast_in_dim3A_273 : vector<1024x1xf32> to vector<1024x1024xf32>
    %eq3A_275 = arith.cmpf oeq, %select_n3A_270, %eq3A_274 : vector<1024x1024xf32>
    %jit3A_276 = arith.constant 1024 : i32
    %broadcast_in_dim3A_277 = vector.broadcast %jit3A_276 : i32 to vector<1024x1024xi32>
    %select_n3A_278 = arith.select %eq3A_275, %iota3A, %broadcast_in_dim3A_277 : vector<1024x1024xi1>, vector<1024x1024xi32>
    %reduce_min3A_279 = arith.constant dense<2147483647> : vector<1024xi32>
    %reduce_min3A_280 = vector.multi_reduction <minsi>, %select_n3A_278, %reduce_min3A_279 [1] : vector<1024x1024xi32> to vector<1024xi32>
    %broadcast_in_dim3A_281 = vector.shape_cast %reduce_min3A_280 : vector<1024xi32> to vector<1024x1xi32>
    %eq3A_282 = vector.broadcast %broadcast_in_dim3A_281 : vector<1024x1xi32> to vector<1024x1024xi32>
    %eq3A_283 = arith.cmpi eq, %iota3A, %eq3A_282 : vector<1024x1024xi32>
    %jit3A_284 = arith.constant 0xFF800000 : f32
    %broadcast_in_dim3A_285 = vector.broadcast %jit3A_284 : f32 to vector<1024x1024xf32>
    %select_n3A_286 = arith.select %eq3A_283, %broadcast_in_dim3A_285, %select_n3A_270 : vector<1024x1024xi1>, vector<1024x1024xf32>
    %reduce_max3A_287 = arith.constant dense<0xFF800000> : vector<1024xf32>
    %reduce_max3A_288 = vector.multi_reduction <maximumf>, %select_n3A_286, %reduce_max3A_287 [1] : vector<1024x1024xf32> to vector<1024xf32>
    %broadcast_in_dim3A_289 = vector.shape_cast %reduce_max3A_288 : vector<1024xf32> to vector<1024x1xf32>
    %eq3A_290 = vector.broadcast %broadcast_in_dim3A_289 : vector<1024x1xf32> to vector<1024x1024xf32>
    %eq3A_291 = arith.cmpf oeq, %select_n3A_286, %eq3A_290 : vector<1024x1024xf32>
    %jit3A_292 = arith.constant 1024 : i32
    %broadcast_in_dim3A_293 = vector.broadcast %jit3A_292 : i32 to vector<1024x1024xi32>
    %select_n3A_294 = arith.select %eq3A_291, %iota3A, %broadcast_in_dim3A_293 : vector<1024x1024xi1>, vector<1024x1024xi32>
    %reduce_min3A_295 = arith.constant dense<2147483647> : vector<1024xi32>
    %reduce_min3A_296 = vector.multi_reduction <minsi>, %select_n3A_294, %reduce_min3A_295 [1] : vector<1024x1024xi32> to vector<1024xi32>
    %broadcast_in_dim3A_297 = vector.shape_cast %reduce_min3A_296 : vector<1024xi32> to vector<1024x1xi32>
    %eq3A_298 = vector.broadcast %broadcast_in_dim3A_297 : vector<1024x1xi32> to vector<1024x1024xi32>
    %eq3A_299 = arith.cmpi eq, %iota3A, %eq3A_298 : vector<1024x1024xi32>
    %jit3A_300 = arith.constant 0xFF800000 : f32
    %broadcast_in_dim3A_301 = vector.broadcast %jit3A_300 : f32 to vector<1024x1024xf32>
    %select_n3A_302 = arith.select %eq3A_299, %broadcast_in_dim3A_301, %select_n3A_286 : vector<1024x1024xi1>, vector<1024x1024xf32>
    %reduce_max3A_303 = arith.constant dense<0xFF800000> : vector<1024xf32>
    %reduce_max3A_304 = vector.multi_reduction <maximumf>, %select_n3A_302, %reduce_max3A_303 [1] : vector<1024x1024xf32> to vector<1024xf32>
    %broadcast_in_dim3A_305 = vector.shape_cast %reduce_max3A_304 : vector<1024xf32> to vector<1024x1xf32>
    %eq3A_306 = vector.broadcast %broadcast_in_dim3A_305 : vector<1024x1xf32> to vector<1024x1024xf32>
    %eq3A_307 = arith.cmpf oeq, %select_n3A_302, %eq3A_306 : vector<1024x1024xf32>
    %jit3A_308 = arith.constant 1024 : i32
    %broadcast_in_dim3A_309 = vector.broadcast %jit3A_308 : i32 to vector<1024x1024xi32>
    %select_n3A_310 = arith.select %eq3A_307, %iota3A, %broadcast_in_dim3A_309 : vector<1024x1024xi1>, vector<1024x1024xi32>
    %reduce_min3A_311 = arith.constant dense<2147483647> : vector<1024xi32>
    %reduce_min3A_312 = vector.multi_reduction <minsi>, %select_n3A_310, %reduce_min3A_311 [1] : vector<1024x1024xi32> to vector<1024xi32>
    %broadcast_in_dim3A_313 = vector.shape_cast %reduce_min3A_312 : vector<1024xi32> to vector<1024x1xi32>
    %concatenate3A = tpu.concatenate %broadcast_in_dim3A_9, %broadcast_in_dim3A_25, %broadcast_in_dim3A_41, %broadcast_in_dim3A_57, %broadcast_in_dim3A_73, %broadcast_in_dim3A_89, %broadcast_in_dim3A_105, %broadcast_in_dim3A_121, %broadcast_in_dim3A_137, %broadcast_in_dim3A_153, %broadcast_in_dim3A_169, %broadcast_in_dim3A_185, %broadcast_in_dim3A_201, %broadcast_in_dim3A_217, %broadcast_in_dim3A_233, %broadcast_in_dim3A_249, %broadcast_in_dim3A_265, %broadcast_in_dim3A_281, %broadcast_in_dim3A_297, %broadcast_in_dim3A_313 in 1 : vector<1024x1xi32>, vector<1024x1xi32>, vector<1024x1xi32>, vector<1024x1xi32>, vector<1024x1xi32>, vector<1024x1xi32>, vector<1024x1xi32>, vector<1024x1xi32>, vector<1024x1xi32>, vector<1024x1xi32>, vector<1024x1xi32>, vector<1024x1xi32>, vector<1024x1xi32>, vector<1024x1xi32>, vector<1024x1xi32>, vector<1024x1xi32>, vector<1024x1xi32>, vector<1024x1xi32>, vector<1024x1xi32>, vector<1024x1xi32> -> vector<1024x20xi32>
    %swap3A = arith.constant 0 : index
    %swap3A_314 = arith.constant 0 : index
    %swap3A_315 = vector.load %arg4[%swap3A, %swap3A_314] : memref<1024x20xi32, #tpu.memory_space<vmem>>, vector<1024x20xi32>
    tpu.vector_store %arg4[%swap3A, %swap3A_314], %concatenate3A {strides = array<i32>} : memref<1024x20xi32, #tpu.memory_space<vmem>>, vector<1024x20xi32>,
    %get3A_316 = arith.constant 0 : index
    %get3A_317 = arith.constant 0 : index
    %get3A_318 = vector.load %arg2[%get3A_316, %get3A_317] : memref<64x128xf32, #tpu.memory_space<vmem>>, vector<64x128xf32>
    %dot_general3A = arith.constant dense<0.000000e+00> : vector<128x1024xf32>
    %dot_general3A_319 = tpu.matmul %get3A_318, %get3A_1, %dot_general3A {dimension_numbers = #tpu.dot_dimension_numbers<[0], [1], [1], [0], [0, 1, 1, 0], [], []>, transpose_lhs_hint = false} : vector<64x128xf32>, vector<1024x64xf32>, vector<128x1024xf32> -> vector<128x1024xf32>
    %get3A_320 = arith.constant 0 : index
    %get3A_321 = vector.load %arg3[%get3A_320] : memref<128xf32, #tpu.memory_space<vmem>>, vector<128xf32>
    %broadcast_in_dim3A_322 = vector.shape_cast %get3A_321 : vector<128xf32> to vector<128x1xf32>
    %add3A = vector.broadcast %broadcast_in_dim3A_322 : vector<128x1xf32> to vector<128x1024xf32>
    %add3A_323 = arith.addf %dot_general3A_319, %add3A : vector<128x1024xf32>
    %swap3A_324 = arith.constant 0 : index
    %swap3A_325 = arith.constant 0 : index
    %swap3A_326 = vector.load %arg5[%swap3A_324, %swap3A_325] : memref<128x1024xf32, #tpu.memory_space<vmem>>, vector<128x1024xf32>
    tpu.vector_store %arg5[%swap3A_324, %swap3A_325], %add3A_323 {strides = array<i32>} : memref<128x1024xf32, #tpu.memory_space<vmem>>, vector<128x1024xf32>,
    return
  }
}

module attributes {stable_mosaic.version = 14 : i64} {
  func.func @_mlp_body(%arg0: i32, %arg1: memref<64x100x128xi32, #tpu.memory_space<vmem>>, %arg2: memref<1x128x64xf32, #tpu.memory_space<vmem>>, %arg3: memref<128x100xbf16, #tpu.memory_space<vmem>>, %arg4: memref<64x128xbf16, #tpu.memory_space<vmem>>, %arg5: memref<64xf32, #tpu.memory_space<vmem>>, %arg6: memref<1x64xf32, #tpu.memory_space<vmem>>, %arg7: memref<1xf32, #tpu.memory_space<smem>>, %arg8: memref<1x1x16384xf32, #tpu.memory_space<vmem>>) attributes {dimension_semantics = [#tpu.dimension_semantics<arbitrary>], iteration_bounds = array<i64: 16>, scalar_prefetch = 0 : i64, scratch_operands = 0 : i64, tpu.core_type = #tpu.core_type<tc>, window_params = [{transform_indices = @transform_0, window_bounds = array<i64: 64, 100, 128>}, {transform_indices = @transform_1, window_bounds = array<i64: 1, 128, 64>}, {pipeline_mode = #tpu.pipeline_mode<synchronous>, transform_indices = @transform_2, window_bounds = array<i64: 128, 100>}, {pipeline_mode = #tpu.pipeline_mode<synchronous>, transform_indices = @transform_3, window_bounds = array<i64: 64, 128>}, {pipeline_mode = #tpu.pipeline_mode<synchronous>, transform_indices = @transform_4, window_bounds = array<i64: 64>}, {pipeline_mode = #tpu.pipeline_mode<synchronous>, transform_indices = @transform_5, window_bounds = array<i64: 1, 64>}, {transform_indices = @transform_6, window_bounds = array<i64: 1>}, {transform_indices = @transform_7, window_bounds = array<i64: 1, 1, 16384>}]} {
    %get3A = arith.constant 0 : index
    %get3A_0 = arith.constant 0 : index
    %get3A_1 = vector.load %arg3[%get3A, %get3A_0] : memref<128x100xbf16, #tpu.memory_space<vmem>>, vector<128x100xbf16>
    %get3A_2 = arith.constant 0 : index
    %get3A_3 = arith.constant 0 : index
    %get3A_4 = vector.load %arg4[%get3A_2, %get3A_3] : memref<64x128xbf16, #tpu.memory_space<vmem>>, vector<64x128xbf16>
    %get3A_5 = arith.constant 0 : index
    %get3A_6 = vector.load %arg5[%get3A_5] : memref<64xf32, #tpu.memory_space<vmem>>, vector<64xf32>
    %broadcast_in_dim3A = vector.shape_cast %get3A_6 : vector<64xf32> to vector<64x1xf32>
    %get3A_7 = arith.constant 0 : index
    %get3A_8 = arith.constant 0 : index
    %get3A_9 = vector.load %arg6[%get3A_7, %get3A_8] : memref<1x64xf32, #tpu.memory_space<vmem>>, vector<1x64xf32>
    %get3A_10 = arith.constant 0 : index
    %get3A_11 = memref.load %arg7[%get3A_10] : memref<1xf32, #tpu.memory_space<smem>>
    %get3A_12 = arith.constant 0 : index
    %get3A_13 = arith.constant 0 : index
    %get3A_14 = arith.constant 0 : index
    %get3A_15 = vector.load %arg1[%get3A_12, %get3A_13, %get3A_14] : memref<64x100x128xi32, #tpu.memory_space<vmem>>, vector<1x100x128xi32>
    %get3A_16 = vector.shape_cast %get3A_15 : vector<1x100x128xi32> to vector<100x128xi32>
    %shift_left3A = arith.constant 16 : i32
    %shift_left3A_17 = vector.broadcast %shift_left3A : i32 to vector<100x128xi32>
    %shift_left3A_18 = arith.shli %get3A_16, %shift_left3A_17 : vector<100x128xi32>
    %bitcast_convert_type3A = tpu.bitcast %shift_left3A_18 : vector<100x128xi32> -> vector<100x128xf32>
    %and3A = arith.constant -65536 : i32
    %and3A_19 = vector.broadcast %and3A : i32 to vector<100x128xi32>
    %and3A_20 = arith.andi %get3A_16, %and3A_19 : vector<100x128xi32>
    %bitcast_convert_type3A_21 = tpu.bitcast %and3A_20 : vector<100x128xi32> -> vector<100x128xf32>
    %get3A_22 = arith.constant 1 : index
    %get3A_23 = arith.constant 0 : index
    %get3A_24 = arith.constant 0 : index
    %get3A_25 = vector.load %arg1[%get3A_22, %get3A_23, %get3A_24] : memref<64x100x128xi32, #tpu.memory_space<vmem>>, vector<1x100x128xi32>
    %get3A_26 = vector.shape_cast %get3A_25 : vector<1x100x128xi32> to vector<100x128xi32>
    %shift_left3A_27 = arith.constant 16 : i32
    %shift_left3A_28 = vector.broadcast %shift_left3A_27 : i32 to vector<100x128xi32>
    %shift_left3A_29 = arith.shli %get3A_26, %shift_left3A_28 : vector<100x128xi32>
    %bitcast_convert_type3A_30 = tpu.bitcast %shift_left3A_29 : vector<100x128xi32> -> vector<100x128xf32>
    %and3A_31 = arith.constant -65536 : i32
    %and3A_32 = vector.broadcast %and3A_31 : i32 to vector<100x128xi32>
    %and3A_33 = arith.andi %get3A_26, %and3A_32 : vector<100x128xi32>
    %bitcast_convert_type3A_34 = tpu.bitcast %and3A_33 : vector<100x128xi32> -> vector<100x128xf32>
    %get3A_35 = arith.constant 2 : index
    %get3A_36 = arith.constant 0 : index
    %get3A_37 = arith.constant 0 : index
    %get3A_38 = vector.load %arg1[%get3A_35, %get3A_36, %get3A_37] : memref<64x100x128xi32, #tpu.memory_space<vmem>>, vector<1x100x128xi32>
    %get3A_39 = vector.shape_cast %get3A_38 : vector<1x100x128xi32> to vector<100x128xi32>
    %shift_left3A_40 = arith.constant 16 : i32
    %shift_left3A_41 = vector.broadcast %shift_left3A_40 : i32 to vector<100x128xi32>
    %shift_left3A_42 = arith.shli %get3A_39, %shift_left3A_41 : vector<100x128xi32>
    %bitcast_convert_type3A_43 = tpu.bitcast %shift_left3A_42 : vector<100x128xi32> -> vector<100x128xf32>
    %and3A_44 = arith.constant -65536 : i32
    %and3A_45 = vector.broadcast %and3A_44 : i32 to vector<100x128xi32>
    %and3A_46 = arith.andi %get3A_39, %and3A_45 : vector<100x128xi32>
    %bitcast_convert_type3A_47 = tpu.bitcast %and3A_46 : vector<100x128xi32> -> vector<100x128xf32>
    %get3A_48 = arith.constant 3 : index
    %get3A_49 = arith.constant 0 : index
    %get3A_50 = arith.constant 0 : index
    %get3A_51 = vector.load %arg1[%get3A_48, %get3A_49, %get3A_50] : memref<64x100x128xi32, #tpu.memory_space<vmem>>, vector<1x100x128xi32>
    %get3A_52 = vector.shape_cast %get3A_51 : vector<1x100x128xi32> to vector<100x128xi32>
    %shift_left3A_53 = arith.constant 16 : i32
    %shift_left3A_54 = vector.broadcast %shift_left3A_53 : i32 to vector<100x128xi32>
    %shift_left3A_55 = arith.shli %get3A_52, %shift_left3A_54 : vector<100x128xi32>
    %bitcast_convert_type3A_56 = tpu.bitcast %shift_left3A_55 : vector<100x128xi32> -> vector<100x128xf32>
    %and3A_57 = arith.constant -65536 : i32
    %and3A_58 = vector.broadcast %and3A_57 : i32 to vector<100x128xi32>
    %and3A_59 = arith.andi %get3A_52, %and3A_58 : vector<100x128xi32>
    %bitcast_convert_type3A_60 = tpu.bitcast %and3A_59 : vector<100x128xi32> -> vector<100x128xf32>
    %get3A_61 = arith.constant 4 : index
    %get3A_62 = arith.constant 0 : index
    %get3A_63 = arith.constant 0 : index
    %get3A_64 = vector.load %arg1[%get3A_61, %get3A_62, %get3A_63] : memref<64x100x128xi32, #tpu.memory_space<vmem>>, vector<1x100x128xi32>
    %get3A_65 = vector.shape_cast %get3A_64 : vector<1x100x128xi32> to vector<100x128xi32>
    %shift_left3A_66 = arith.constant 16 : i32
    %shift_left3A_67 = vector.broadcast %shift_left3A_66 : i32 to vector<100x128xi32>
    %shift_left3A_68 = arith.shli %get3A_65, %shift_left3A_67 : vector<100x128xi32>
    %bitcast_convert_type3A_69 = tpu.bitcast %shift_left3A_68 : vector<100x128xi32> -> vector<100x128xf32>
    %and3A_70 = arith.constant -65536 : i32
    %and3A_71 = vector.broadcast %and3A_70 : i32 to vector<100x128xi32>
    %and3A_72 = arith.andi %get3A_65, %and3A_71 : vector<100x128xi32>
    %bitcast_convert_type3A_73 = tpu.bitcast %and3A_72 : vector<100x128xi32> -> vector<100x128xf32>
    %get3A_74 = arith.constant 5 : index
    %get3A_75 = arith.constant 0 : index
    %get3A_76 = arith.constant 0 : index
    %get3A_77 = vector.load %arg1[%get3A_74, %get3A_75, %get3A_76] : memref<64x100x128xi32, #tpu.memory_space<vmem>>, vector<1x100x128xi32>
    %get3A_78 = vector.shape_cast %get3A_77 : vector<1x100x128xi32> to vector<100x128xi32>
    %shift_left3A_79 = arith.constant 16 : i32
    %shift_left3A_80 = vector.broadcast %shift_left3A_79 : i32 to vector<100x128xi32>
    %shift_left3A_81 = arith.shli %get3A_78, %shift_left3A_80 : vector<100x128xi32>
    %bitcast_convert_type3A_82 = tpu.bitcast %shift_left3A_81 : vector<100x128xi32> -> vector<100x128xf32>
    %and3A_83 = arith.constant -65536 : i32
    %and3A_84 = vector.broadcast %and3A_83 : i32 to vector<100x128xi32>
    %and3A_85 = arith.andi %get3A_78, %and3A_84 : vector<100x128xi32>
    %bitcast_convert_type3A_86 = tpu.bitcast %and3A_85 : vector<100x128xi32> -> vector<100x128xf32>
    %get3A_87 = arith.constant 6 : index
    %get3A_88 = arith.constant 0 : index
    %get3A_89 = arith.constant 0 : index
    %get3A_90 = vector.load %arg1[%get3A_87, %get3A_88, %get3A_89] : memref<64x100x128xi32, #tpu.memory_space<vmem>>, vector<1x100x128xi32>
    %get3A_91 = vector.shape_cast %get3A_90 : vector<1x100x128xi32> to vector<100x128xi32>
    %shift_left3A_92 = arith.constant 16 : i32
    %shift_left3A_93 = vector.broadcast %shift_left3A_92 : i32 to vector<100x128xi32>
    %shift_left3A_94 = arith.shli %get3A_91, %shift_left3A_93 : vector<100x128xi32>
    %bitcast_convert_type3A_95 = tpu.bitcast %shift_left3A_94 : vector<100x128xi32> -> vector<100x128xf32>
    %and3A_96 = arith.constant -65536 : i32
    %and3A_97 = vector.broadcast %and3A_96 : i32 to vector<100x128xi32>
    %and3A_98 = arith.andi %get3A_91, %and3A_97 : vector<100x128xi32>
    %bitcast_convert_type3A_99 = tpu.bitcast %and3A_98 : vector<100x128xi32> -> vector<100x128xf32>
    %get3A_100 = arith.constant 7 : index
    %get3A_101 = arith.constant 0 : index
    %get3A_102 = arith.constant 0 : index
    %get3A_103 = vector.load %arg1[%get3A_100, %get3A_101, %get3A_102] : memref<64x100x128xi32, #tpu.memory_space<vmem>>, vector<1x100x128xi32>
    %get3A_104 = vector.shape_cast %get3A_103 : vector<1x100x128xi32> to vector<100x128xi32>
    %shift_left3A_105 = arith.constant 16 : i32
    %shift_left3A_106 = vector.broadcast %shift_left3A_105 : i32 to vector<100x128xi32>
    %shift_left3A_107 = arith.shli %get3A_104, %shift_left3A_106 : vector<100x128xi32>
    %bitcast_convert_type3A_108 = tpu.bitcast %shift_left3A_107 : vector<100x128xi32> -> vector<100x128xf32>
    %and3A_109 = arith.constant -65536 : i32
    %and3A_110 = vector.broadcast %and3A_109 : i32 to vector<100x128xi32>
    %and3A_111 = arith.andi %get3A_104, %and3A_110 : vector<100x128xi32>
    %bitcast_convert_type3A_112 = tpu.bitcast %and3A_111 : vector<100x128xi32> -> vector<100x128xf32>
    %get3A_113 = arith.constant 8 : index
    %get3A_114 = arith.constant 0 : index
    %get3A_115 = arith.constant 0 : index
    %get3A_116 = vector.load %arg1[%get3A_113, %get3A_114, %get3A_115] : memref<64x100x128xi32, #tpu.memory_space<vmem>>, vector<1x100x128xi32>
    %get3A_117 = vector.shape_cast %get3A_116 : vector<1x100x128xi32> to vector<100x128xi32>
    %shift_left3A_118 = arith.constant 16 : i32
    %shift_left3A_119 = vector.broadcast %shift_left3A_118 : i32 to vector<100x128xi32>
    %shift_left3A_120 = arith.shli %get3A_117, %shift_left3A_119 : vector<100x128xi32>
    %bitcast_convert_type3A_121 = tpu.bitcast %shift_left3A_120 : vector<100x128xi32> -> vector<100x128xf32>
    %and3A_122 = arith.constant -65536 : i32
    %and3A_123 = vector.broadcast %and3A_122 : i32 to vector<100x128xi32>
    %and3A_124 = arith.andi %get3A_117, %and3A_123 : vector<100x128xi32>
    %bitcast_convert_type3A_125 = tpu.bitcast %and3A_124 : vector<100x128xi32> -> vector<100x128xf32>
    %get3A_126 = arith.constant 9 : index
    %get3A_127 = arith.constant 0 : index
    %get3A_128 = arith.constant 0 : index
    %get3A_129 = vector.load %arg1[%get3A_126, %get3A_127, %get3A_128] : memref<64x100x128xi32, #tpu.memory_space<vmem>>, vector<1x100x128xi32>
    %get3A_130 = vector.shape_cast %get3A_129 : vector<1x100x128xi32> to vector<100x128xi32>
    %shift_left3A_131 = arith.constant 16 : i32
    %shift_left3A_132 = vector.broadcast %shift_left3A_131 : i32 to vector<100x128xi32>
    %shift_left3A_133 = arith.shli %get3A_130, %shift_left3A_132 : vector<100x128xi32>
    %bitcast_convert_type3A_134 = tpu.bitcast %shift_left3A_133 : vector<100x128xi32> -> vector<100x128xf32>
    %and3A_135 = arith.constant -65536 : i32
    %and3A_136 = vector.broadcast %and3A_135 : i32 to vector<100x128xi32>
    %and3A_137 = arith.andi %get3A_130, %and3A_136 : vector<100x128xi32>
    %bitcast_convert_type3A_138 = tpu.bitcast %and3A_137 : vector<100x128xi32> -> vector<100x128xf32>
    %get3A_139 = arith.constant 10 : index
    %get3A_140 = arith.constant 0 : index
    %get3A_141 = arith.constant 0 : index
    %get3A_142 = vector.load %arg1[%get3A_139, %get3A_140, %get3A_141] : memref<64x100x128xi32, #tpu.memory_space<vmem>>, vector<1x100x128xi32>
    %get3A_143 = vector.shape_cast %get3A_142 : vector<1x100x128xi32> to vector<100x128xi32>
    %shift_left3A_144 = arith.constant 16 : i32
    %shift_left3A_145 = vector.broadcast %shift_left3A_144 : i32 to vector<100x128xi32>
    %shift_left3A_146 = arith.shli %get3A_143, %shift_left3A_145 : vector<100x128xi32>
    %bitcast_convert_type3A_147 = tpu.bitcast %shift_left3A_146 : vector<100x128xi32> -> vector<100x128xf32>
    %and3A_148 = arith.constant -65536 : i32
    %and3A_149 = vector.broadcast %and3A_148 : i32 to vector<100x128xi32>
    %and3A_150 = arith.andi %get3A_143, %and3A_149 : vector<100x128xi32>
    %bitcast_convert_type3A_151 = tpu.bitcast %and3A_150 : vector<100x128xi32> -> vector<100x128xf32>
    %get3A_152 = arith.constant 11 : index
    %get3A_153 = arith.constant 0 : index
    %get3A_154 = arith.constant 0 : index
    %get3A_155 = vector.load %arg1[%get3A_152, %get3A_153, %get3A_154] : memref<64x100x128xi32, #tpu.memory_space<vmem>>, vector<1x100x128xi32>
    %get3A_156 = vector.shape_cast %get3A_155 : vector<1x100x128xi32> to vector<100x128xi32>
    %shift_left3A_157 = arith.constant 16 : i32
    %shift_left3A_158 = vector.broadcast %shift_left3A_157 : i32 to vector<100x128xi32>
    %shift_left3A_159 = arith.shli %get3A_156, %shift_left3A_158 : vector<100x128xi32>
    %bitcast_convert_type3A_160 = tpu.bitcast %shift_left3A_159 : vector<100x128xi32> -> vector<100x128xf32>
    %and3A_161 = arith.constant -65536 : i32
    %and3A_162 = vector.broadcast %and3A_161 : i32 to vector<100x128xi32>
    %and3A_163 = arith.andi %get3A_156, %and3A_162 : vector<100x128xi32>
    %bitcast_convert_type3A_164 = tpu.bitcast %and3A_163 : vector<100x128xi32> -> vector<100x128xf32>
    %get3A_165 = arith.constant 12 : index
    %get3A_166 = arith.constant 0 : index
    %get3A_167 = arith.constant 0 : index
    %get3A_168 = vector.load %arg1[%get3A_165, %get3A_166, %get3A_167] : memref<64x100x128xi32, #tpu.memory_space<vmem>>, vector<1x100x128xi32>
    %get3A_169 = vector.shape_cast %get3A_168 : vector<1x100x128xi32> to vector<100x128xi32>
    %shift_left3A_170 = arith.constant 16 : i32
    %shift_left3A_171 = vector.broadcast %shift_left3A_170 : i32 to vector<100x128xi32>
    %shift_left3A_172 = arith.shli %get3A_169, %shift_left3A_171 : vector<100x128xi32>
    %bitcast_convert_type3A_173 = tpu.bitcast %shift_left3A_172 : vector<100x128xi32> -> vector<100x128xf32>
    %and3A_174 = arith.constant -65536 : i32
    %and3A_175 = vector.broadcast %and3A_174 : i32 to vector<100x128xi32>
    %and3A_176 = arith.andi %get3A_169, %and3A_175 : vector<100x128xi32>
    %bitcast_convert_type3A_177 = tpu.bitcast %and3A_176 : vector<100x128xi32> -> vector<100x128xf32>
    %get3A_178 = arith.constant 13 : index
    %get3A_179 = arith.constant 0 : index
    %get3A_180 = arith.constant 0 : index
    %get3A_181 = vector.load %arg1[%get3A_178, %get3A_179, %get3A_180] : memref<64x100x128xi32, #tpu.memory_space<vmem>>, vector<1x100x128xi32>
    %get3A_182 = vector.shape_cast %get3A_181 : vector<1x100x128xi32> to vector<100x128xi32>
    %shift_left3A_183 = arith.constant 16 : i32
    %shift_left3A_184 = vector.broadcast %shift_left3A_183 : i32 to vector<100x128xi32>
    %shift_left3A_185 = arith.shli %get3A_182, %shift_left3A_184 : vector<100x128xi32>
    %bitcast_convert_type3A_186 = tpu.bitcast %shift_left3A_185 : vector<100x128xi32> -> vector<100x128xf32>
    %and3A_187 = arith.constant -65536 : i32
    %and3A_188 = vector.broadcast %and3A_187 : i32 to vector<100x128xi32>
    %and3A_189 = arith.andi %get3A_182, %and3A_188 : vector<100x128xi32>
    %bitcast_convert_type3A_190 = tpu.bitcast %and3A_189 : vector<100x128xi32> -> vector<100x128xf32>
    %get3A_191 = arith.constant 14 : index
    %get3A_192 = arith.constant 0 : index
    %get3A_193 = arith.constant 0 : index
    %get3A_194 = vector.load %arg1[%get3A_191, %get3A_192, %get3A_193] : memref<64x100x128xi32, #tpu.memory_space<vmem>>, vector<1x100x128xi32>
    %get3A_195 = vector.shape_cast %get3A_194 : vector<1x100x128xi32> to vector<100x128xi32>
    %shift_left3A_196 = arith.constant 16 : i32
    %shift_left3A_197 = vector.broadcast %shift_left3A_196 : i32 to vector<100x128xi32>
    %shift_left3A_198 = arith.shli %get3A_195, %shift_left3A_197 : vector<100x128xi32>
    %bitcast_convert_type3A_199 = tpu.bitcast %shift_left3A_198 : vector<100x128xi32> -> vector<100x128xf32>
    %and3A_200 = arith.constant -65536 : i32
    %and3A_201 = vector.broadcast %and3A_200 : i32 to vector<100x128xi32>
    %and3A_202 = arith.andi %get3A_195, %and3A_201 : vector<100x128xi32>
    %bitcast_convert_type3A_203 = tpu.bitcast %and3A_202 : vector<100x128xi32> -> vector<100x128xf32>
    %get3A_204 = arith.constant 15 : index
    %get3A_205 = arith.constant 0 : index
    %get3A_206 = arith.constant 0 : index
    %get3A_207 = vector.load %arg1[%get3A_204, %get3A_205, %get3A_206] : memref<64x100x128xi32, #tpu.memory_space<vmem>>, vector<1x100x128xi32>
    %get3A_208 = vector.shape_cast %get3A_207 : vector<1x100x128xi32> to vector<100x128xi32>
    %shift_left3A_209 = arith.constant 16 : i32
    %shift_left3A_210 = vector.broadcast %shift_left3A_209 : i32 to vector<100x128xi32>
    %shift_left3A_211 = arith.shli %get3A_208, %shift_left3A_210 : vector<100x128xi32>
    %bitcast_convert_type3A_212 = tpu.bitcast %shift_left3A_211 : vector<100x128xi32> -> vector<100x128xf32>
    %and3A_213 = arith.constant -65536 : i32
    %and3A_214 = vector.broadcast %and3A_213 : i32 to vector<100x128xi32>
    %and3A_215 = arith.andi %get3A_208, %and3A_214 : vector<100x128xi32>
    %bitcast_convert_type3A_216 = tpu.bitcast %and3A_215 : vector<100x128xi32> -> vector<100x128xf32>
    %get3A_217 = arith.constant 16 : index
    %get3A_218 = arith.constant 0 : index
    %get3A_219 = arith.constant 0 : index
    %get3A_220 = vector.load %arg1[%get3A_217, %get3A_218, %get3A_219] : memref<64x100x128xi32, #tpu.memory_space<vmem>>, vector<1x100x128xi32>
    %get3A_221 = vector.shape_cast %get3A_220 : vector<1x100x128xi32> to vector<100x128xi32>
    %shift_left3A_222 = arith.constant 16 : i32
    %shift_left3A_223 = vector.broadcast %shift_left3A_222 : i32 to vector<100x128xi32>
    %shift_left3A_224 = arith.shli %get3A_221, %shift_left3A_223 : vector<100x128xi32>
    %bitcast_convert_type3A_225 = tpu.bitcast %shift_left3A_224 : vector<100x128xi32> -> vector<100x128xf32>
    %and3A_226 = arith.constant -65536 : i32
    %and3A_227 = vector.broadcast %and3A_226 : i32 to vector<100x128xi32>
    %and3A_228 = arith.andi %get3A_221, %and3A_227 : vector<100x128xi32>
    %bitcast_convert_type3A_229 = tpu.bitcast %and3A_228 : vector<100x128xi32> -> vector<100x128xf32>
    %get3A_230 = arith.constant 17 : index
    %get3A_231 = arith.constant 0 : index
    %get3A_232 = arith.constant 0 : index
    %get3A_233 = vector.load %arg1[%get3A_230, %get3A_231, %get3A_232] : memref<64x100x128xi32, #tpu.memory_space<vmem>>, vector<1x100x128xi32>
    %get3A_234 = vector.shape_cast %get3A_233 : vector<1x100x128xi32> to vector<100x128xi32>
    %shift_left3A_235 = arith.constant 16 : i32
    %shift_left3A_236 = vector.broadcast %shift_left3A_235 : i32 to vector<100x128xi32>
    %shift_left3A_237 = arith.shli %get3A_234, %shift_left3A_236 : vector<100x128xi32>
    %bitcast_convert_type3A_238 = tpu.bitcast %shift_left3A_237 : vector<100x128xi32> -> vector<100x128xf32>
    %and3A_239 = arith.constant -65536 : i32
    %and3A_240 = vector.broadcast %and3A_239 : i32 to vector<100x128xi32>
    %and3A_241 = arith.andi %get3A_234, %and3A_240 : vector<100x128xi32>
    %bitcast_convert_type3A_242 = tpu.bitcast %and3A_241 : vector<100x128xi32> -> vector<100x128xf32>
    %get3A_243 = arith.constant 18 : index
    %get3A_244 = arith.constant 0 : index
    %get3A_245 = arith.constant 0 : index
    %get3A_246 = vector.load %arg1[%get3A_243, %get3A_244, %get3A_245] : memref<64x100x128xi32, #tpu.memory_space<vmem>>, vector<1x100x128xi32>
    %get3A_247 = vector.shape_cast %get3A_246 : vector<1x100x128xi32> to vector<100x128xi32>
    %shift_left3A_248 = arith.constant 16 : i32
    %shift_left3A_249 = vector.broadcast %shift_left3A_248 : i32 to vector<100x128xi32>
    %shift_left3A_250 = arith.shli %get3A_247, %shift_left3A_249 : vector<100x128xi32>
    %bitcast_convert_type3A_251 = tpu.bitcast %shift_left3A_250 : vector<100x128xi32> -> vector<100x128xf32>
    %and3A_252 = arith.constant -65536 : i32
    %and3A_253 = vector.broadcast %and3A_252 : i32 to vector<100x128xi32>
    %and3A_254 = arith.andi %get3A_247, %and3A_253 : vector<100x128xi32>
    %bitcast_convert_type3A_255 = tpu.bitcast %and3A_254 : vector<100x128xi32> -> vector<100x128xf32>
    %get3A_256 = arith.constant 19 : index
    %get3A_257 = arith.constant 0 : index
    %get3A_258 = arith.constant 0 : index
    %get3A_259 = vector.load %arg1[%get3A_256, %get3A_257, %get3A_258] : memref<64x100x128xi32, #tpu.memory_space<vmem>>, vector<1x100x128xi32>
    %get3A_260 = vector.shape_cast %get3A_259 : vector<1x100x128xi32> to vector<100x128xi32>
    %shift_left3A_261 = arith.constant 16 : i32
    %shift_left3A_262 = vector.broadcast %shift_left3A_261 : i32 to vector<100x128xi32>
    %shift_left3A_263 = arith.shli %get3A_260, %shift_left3A_262 : vector<100x128xi32>
    %bitcast_convert_type3A_264 = tpu.bitcast %shift_left3A_263 : vector<100x128xi32> -> vector<100x128xf32>
    %and3A_265 = arith.constant -65536 : i32
    %and3A_266 = vector.broadcast %and3A_265 : i32 to vector<100x128xi32>
    %and3A_267 = arith.andi %get3A_260, %and3A_266 : vector<100x128xi32>
    %bitcast_convert_type3A_268 = tpu.bitcast %and3A_267 : vector<100x128xi32> -> vector<100x128xf32>
    %get3A_269 = arith.constant 20 : index
    %get3A_270 = arith.constant 0 : index
    %get3A_271 = arith.constant 0 : index
    %get3A_272 = vector.load %arg1[%get3A_269, %get3A_270, %get3A_271] : memref<64x100x128xi32, #tpu.memory_space<vmem>>, vector<1x100x128xi32>
    %get3A_273 = vector.shape_cast %get3A_272 : vector<1x100x128xi32> to vector<100x128xi32>
    %shift_left3A_274 = arith.constant 16 : i32
    %shift_left3A_275 = vector.broadcast %shift_left3A_274 : i32 to vector<100x128xi32>
    %shift_left3A_276 = arith.shli %get3A_273, %shift_left3A_275 : vector<100x128xi32>
    %bitcast_convert_type3A_277 = tpu.bitcast %shift_left3A_276 : vector<100x128xi32> -> vector<100x128xf32>
    %and3A_278 = arith.constant -65536 : i32
    %and3A_279 = vector.broadcast %and3A_278 : i32 to vector<100x128xi32>
    %and3A_280 = arith.andi %get3A_273, %and3A_279 : vector<100x128xi32>
    %bitcast_convert_type3A_281 = tpu.bitcast %and3A_280 : vector<100x128xi32> -> vector<100x128xf32>
    %get3A_282 = arith.constant 21 : index
    %get3A_283 = arith.constant 0 : index
    %get3A_284 = arith.constant 0 : index
    %get3A_285 = vector.load %arg1[%get3A_282, %get3A_283, %get3A_284] : memref<64x100x128xi32, #tpu.memory_space<vmem>>, vector<1x100x128xi32>
    %get3A_286 = vector.shape_cast %get3A_285 : vector<1x100x128xi32> to vector<100x128xi32>
    %shift_left3A_287 = arith.constant 16 : i32
    %shift_left3A_288 = vector.broadcast %shift_left3A_287 : i32 to vector<100x128xi32>
    %shift_left3A_289 = arith.shli %get3A_286, %shift_left3A_288 : vector<100x128xi32>
    %bitcast_convert_type3A_290 = tpu.bitcast %shift_left3A_289 : vector<100x128xi32> -> vector<100x128xf32>
    %and3A_291 = arith.constant -65536 : i32
    %and3A_292 = vector.broadcast %and3A_291 : i32 to vector<100x128xi32>
    %and3A_293 = arith.andi %get3A_286, %and3A_292 : vector<100x128xi32>
    %bitcast_convert_type3A_294 = tpu.bitcast %and3A_293 : vector<100x128xi32> -> vector<100x128xf32>
    %get3A_295 = arith.constant 22 : index
    %get3A_296 = arith.constant 0 : index
    %get3A_297 = arith.constant 0 : index
    %get3A_298 = vector.load %arg1[%get3A_295, %get3A_296, %get3A_297] : memref<64x100x128xi32, #tpu.memory_space<vmem>>, vector<1x100x128xi32>
    %get3A_299 = vector.shape_cast %get3A_298 : vector<1x100x128xi32> to vector<100x128xi32>
    %shift_left3A_300 = arith.constant 16 : i32
    %shift_left3A_301 = vector.broadcast %shift_left3A_300 : i32 to vector<100x128xi32>
    %shift_left3A_302 = arith.shli %get3A_299, %shift_left3A_301 : vector<100x128xi32>
    %bitcast_convert_type3A_303 = tpu.bitcast %shift_left3A_302 : vector<100x128xi32> -> vector<100x128xf32>
    %and3A_304 = arith.constant -65536 : i32
    %and3A_305 = vector.broadcast %and3A_304 : i32 to vector<100x128xi32>
    %and3A_306 = arith.andi %get3A_299, %and3A_305 : vector<100x128xi32>
    %bitcast_convert_type3A_307 = tpu.bitcast %and3A_306 : vector<100x128xi32> -> vector<100x128xf32>
    %get3A_308 = arith.constant 23 : index
    %get3A_309 = arith.constant 0 : index
    %get3A_310 = arith.constant 0 : index
    %get3A_311 = vector.load %arg1[%get3A_308, %get3A_309, %get3A_310] : memref<64x100x128xi32, #tpu.memory_space<vmem>>, vector<1x100x128xi32>
    %get3A_312 = vector.shape_cast %get3A_311 : vector<1x100x128xi32> to vector<100x128xi32>
    %shift_left3A_313 = arith.constant 16 : i32
    %shift_left3A_314 = vector.broadcast %shift_left3A_313 : i32 to vector<100x128xi32>
    %shift_left3A_315 = arith.shli %get3A_312, %shift_left3A_314 : vector<100x128xi32>
    %bitcast_convert_type3A_316 = tpu.bitcast %shift_left3A_315 : vector<100x128xi32> -> vector<100x128xf32>
    %and3A_317 = arith.constant -65536 : i32
    %and3A_318 = vector.broadcast %and3A_317 : i32 to vector<100x128xi32>
    %and3A_319 = arith.andi %get3A_312, %and3A_318 : vector<100x128xi32>
    %bitcast_convert_type3A_320 = tpu.bitcast %and3A_319 : vector<100x128xi32> -> vector<100x128xf32>
    %get3A_321 = arith.constant 24 : index
    %get3A_322 = arith.constant 0 : index
    %get3A_323 = arith.constant 0 : index
    %get3A_324 = vector.load %arg1[%get3A_321, %get3A_322, %get3A_323] : memref<64x100x128xi32, #tpu.memory_space<vmem>>, vector<1x100x128xi32>
    %get3A_325 = vector.shape_cast %get3A_324 : vector<1x100x128xi32> to vector<100x128xi32>
    %shift_left3A_326 = arith.constant 16 : i32
    %shift_left3A_327 = vector.broadcast %shift_left3A_326 : i32 to vector<100x128xi32>
    %shift_left3A_328 = arith.shli %get3A_325, %shift_left3A_327 : vector<100x128xi32>
    %bitcast_convert_type3A_329 = tpu.bitcast %shift_left3A_328 : vector<100x128xi32> -> vector<100x128xf32>
    %and3A_330 = arith.constant -65536 : i32
    %and3A_331 = vector.broadcast %and3A_330 : i32 to vector<100x128xi32>
    %and3A_332 = arith.andi %get3A_325, %and3A_331 : vector<100x128xi32>
    %bitcast_convert_type3A_333 = tpu.bitcast %and3A_332 : vector<100x128xi32> -> vector<100x128xf32>
    %get3A_334 = arith.constant 25 : index
    %get3A_335 = arith.constant 0 : index
    %get3A_336 = arith.constant 0 : index
    %get3A_337 = vector.load %arg1[%get3A_334, %get3A_335, %get3A_336] : memref<64x100x128xi32, #tpu.memory_space<vmem>>, vector<1x100x128xi32>
    %get3A_338 = vector.shape_cast %get3A_337 : vector<1x100x128xi32> to vector<100x128xi32>
    %shift_left3A_339 = arith.constant 16 : i32
    %shift_left3A_340 = vector.broadcast %shift_left3A_339 : i32 to vector<100x128xi32>
    %shift_left3A_341 = arith.shli %get3A_338, %shift_left3A_340 : vector<100x128xi32>
    %bitcast_convert_type3A_342 = tpu.bitcast %shift_left3A_341 : vector<100x128xi32> -> vector<100x128xf32>
    %and3A_343 = arith.constant -65536 : i32
    %and3A_344 = vector.broadcast %and3A_343 : i32 to vector<100x128xi32>
    %and3A_345 = arith.andi %get3A_338, %and3A_344 : vector<100x128xi32>
    %bitcast_convert_type3A_346 = tpu.bitcast %and3A_345 : vector<100x128xi32> -> vector<100x128xf32>
    %get3A_347 = arith.constant 26 : index
    %get3A_348 = arith.constant 0 : index
    %get3A_349 = arith.constant 0 : index
    %get3A_350 = vector.load %arg1[%get3A_347, %get3A_348, %get3A_349] : memref<64x100x128xi32, #tpu.memory_space<vmem>>, vector<1x100x128xi32>
    %get3A_351 = vector.shape_cast %get3A_350 : vector<1x100x128xi32> to vector<100x128xi32>
    %shift_left3A_352 = arith.constant 16 : i32
    %shift_left3A_353 = vector.broadcast %shift_left3A_352 : i32 to vector<100x128xi32>
    %shift_left3A_354 = arith.shli %get3A_351, %shift_left3A_353 : vector<100x128xi32>
    %bitcast_convert_type3A_355 = tpu.bitcast %shift_left3A_354 : vector<100x128xi32> -> vector<100x128xf32>
    %and3A_356 = arith.constant -65536 : i32
    %and3A_357 = vector.broadcast %and3A_356 : i32 to vector<100x128xi32>
    %and3A_358 = arith.andi %get3A_351, %and3A_357 : vector<100x128xi32>
    %bitcast_convert_type3A_359 = tpu.bitcast %and3A_358 : vector<100x128xi32> -> vector<100x128xf32>
    %get3A_360 = arith.constant 27 : index
    %get3A_361 = arith.constant 0 : index
    %get3A_362 = arith.constant 0 : index
    %get3A_363 = vector.load %arg1[%get3A_360, %get3A_361, %get3A_362] : memref<64x100x128xi32, #tpu.memory_space<vmem>>, vector<1x100x128xi32>
    %get3A_364 = vector.shape_cast %get3A_363 : vector<1x100x128xi32> to vector<100x128xi32>
    %shift_left3A_365 = arith.constant 16 : i32
    %shift_left3A_366 = vector.broadcast %shift_left3A_365 : i32 to vector<100x128xi32>
    %shift_left3A_367 = arith.shli %get3A_364, %shift_left3A_366 : vector<100x128xi32>
    %bitcast_convert_type3A_368 = tpu.bitcast %shift_left3A_367 : vector<100x128xi32> -> vector<100x128xf32>
    %and3A_369 = arith.constant -65536 : i32
    %and3A_370 = vector.broadcast %and3A_369 : i32 to vector<100x128xi32>
    %and3A_371 = arith.andi %get3A_364, %and3A_370 : vector<100x128xi32>
    %bitcast_convert_type3A_372 = tpu.bitcast %and3A_371 : vector<100x128xi32> -> vector<100x128xf32>
    %get3A_373 = arith.constant 28 : index
    %get3A_374 = arith.constant 0 : index
    %get3A_375 = arith.constant 0 : index
    %get3A_376 = vector.load %arg1[%get3A_373, %get3A_374, %get3A_375] : memref<64x100x128xi32, #tpu.memory_space<vmem>>, vector<1x100x128xi32>
    %get3A_377 = vector.shape_cast %get3A_376 : vector<1x100x128xi32> to vector<100x128xi32>
    %shift_left3A_378 = arith.constant 16 : i32
    %shift_left3A_379 = vector.broadcast %shift_left3A_378 : i32 to vector<100x128xi32>
    %shift_left3A_380 = arith.shli %get3A_377, %shift_left3A_379 : vector<100x128xi32>
    %bitcast_convert_type3A_381 = tpu.bitcast %shift_left3A_380 : vector<100x128xi32> -> vector<100x128xf32>
    %and3A_382 = arith.constant -65536 : i32
    %and3A_383 = vector.broadcast %and3A_382 : i32 to vector<100x128xi32>
    %and3A_384 = arith.andi %get3A_377, %and3A_383 : vector<100x128xi32>
    %bitcast_convert_type3A_385 = tpu.bitcast %and3A_384 : vector<100x128xi32> -> vector<100x128xf32>
    %get3A_386 = arith.constant 29 : index
    %get3A_387 = arith.constant 0 : index
    %get3A_388 = arith.constant 0 : index
    %get3A_389 = vector.load %arg1[%get3A_386, %get3A_387, %get3A_388] : memref<64x100x128xi32, #tpu.memory_space<vmem>>, vector<1x100x128xi32>
    %get3A_390 = vector.shape_cast %get3A_389 : vector<1x100x128xi32> to vector<100x128xi32>
    %shift_left3A_391 = arith.constant 16 : i32
    %shift_left3A_392 = vector.broadcast %shift_left3A_391 : i32 to vector<100x128xi32>
    %shift_left3A_393 = arith.shli %get3A_390, %shift_left3A_392 : vector<100x128xi32>
    %bitcast_convert_type3A_394 = tpu.bitcast %shift_left3A_393 : vector<100x128xi32> -> vector<100x128xf32>
    %and3A_395 = arith.constant -65536 : i32
    %and3A_396 = vector.broadcast %and3A_395 : i32 to vector<100x128xi32>
    %and3A_397 = arith.andi %get3A_390, %and3A_396 : vector<100x128xi32>
    %bitcast_convert_type3A_398 = tpu.bitcast %and3A_397 : vector<100x128xi32> -> vector<100x128xf32>
    %get3A_399 = arith.constant 30 : index
    %get3A_400 = arith.constant 0 : index
    %get3A_401 = arith.constant 0 : index
    %get3A_402 = vector.load %arg1[%get3A_399, %get3A_400, %get3A_401] : memref<64x100x128xi32, #tpu.memory_space<vmem>>, vector<1x100x128xi32>
    %get3A_403 = vector.shape_cast %get3A_402 : vector<1x100x128xi32> to vector<100x128xi32>
    %shift_left3A_404 = arith.constant 16 : i32
    %shift_left3A_405 = vector.broadcast %shift_left3A_404 : i32 to vector<100x128xi32>
    %shift_left3A_406 = arith.shli %get3A_403, %shift_left3A_405 : vector<100x128xi32>
    %bitcast_convert_type3A_407 = tpu.bitcast %shift_left3A_406 : vector<100x128xi32> -> vector<100x128xf32>
    %and3A_408 = arith.constant -65536 : i32
    %and3A_409 = vector.broadcast %and3A_408 : i32 to vector<100x128xi32>
    %and3A_410 = arith.andi %get3A_403, %and3A_409 : vector<100x128xi32>
    %bitcast_convert_type3A_411 = tpu.bitcast %and3A_410 : vector<100x128xi32> -> vector<100x128xf32>
    %get3A_412 = arith.constant 31 : index
    %get3A_413 = arith.constant 0 : index
    %get3A_414 = arith.constant 0 : index
    %get3A_415 = vector.load %arg1[%get3A_412, %get3A_413, %get3A_414] : memref<64x100x128xi32, #tpu.memory_space<vmem>>, vector<1x100x128xi32>
    %get3A_416 = vector.shape_cast %get3A_415 : vector<1x100x128xi32> to vector<100x128xi32>
    %shift_left3A_417 = arith.constant 16 : i32
    %shift_left3A_418 = vector.broadcast %shift_left3A_417 : i32 to vector<100x128xi32>
    %shift_left3A_419 = arith.shli %get3A_416, %shift_left3A_418 : vector<100x128xi32>
    %bitcast_convert_type3A_420 = tpu.bitcast %shift_left3A_419 : vector<100x128xi32> -> vector<100x128xf32>
    %and3A_421 = arith.constant -65536 : i32
    %and3A_422 = vector.broadcast %and3A_421 : i32 to vector<100x128xi32>
    %and3A_423 = arith.andi %get3A_416, %and3A_422 : vector<100x128xi32>
    %bitcast_convert_type3A_424 = tpu.bitcast %and3A_423 : vector<100x128xi32> -> vector<100x128xf32>
    %get3A_425 = arith.constant 32 : index
    %get3A_426 = arith.constant 0 : index
    %get3A_427 = arith.constant 0 : index
    %get3A_428 = vector.load %arg1[%get3A_425, %get3A_426, %get3A_427] : memref<64x100x128xi32, #tpu.memory_space<vmem>>, vector<1x100x128xi32>
    %get3A_429 = vector.shape_cast %get3A_428 : vector<1x100x128xi32> to vector<100x128xi32>
    %shift_left3A_430 = arith.constant 16 : i32
    %shift_left3A_431 = vector.broadcast %shift_left3A_430 : i32 to vector<100x128xi32>
    %shift_left3A_432 = arith.shli %get3A_429, %shift_left3A_431 : vector<100x128xi32>
    %bitcast_convert_type3A_433 = tpu.bitcast %shift_left3A_432 : vector<100x128xi32> -> vector<100x128xf32>
    %and3A_434 = arith.constant -65536 : i32
    %and3A_435 = vector.broadcast %and3A_434 : i32 to vector<100x128xi32>
    %and3A_436 = arith.andi %get3A_429, %and3A_435 : vector<100x128xi32>
    %bitcast_convert_type3A_437 = tpu.bitcast %and3A_436 : vector<100x128xi32> -> vector<100x128xf32>
    %get3A_438 = arith.constant 33 : index
    %get3A_439 = arith.constant 0 : index
    %get3A_440 = arith.constant 0 : index
    %get3A_441 = vector.load %arg1[%get3A_438, %get3A_439, %get3A_440] : memref<64x100x128xi32, #tpu.memory_space<vmem>>, vector<1x100x128xi32>
    %get3A_442 = vector.shape_cast %get3A_441 : vector<1x100x128xi32> to vector<100x128xi32>
    %shift_left3A_443 = arith.constant 16 : i32
    %shift_left3A_444 = vector.broadcast %shift_left3A_443 : i32 to vector<100x128xi32>
    %shift_left3A_445 = arith.shli %get3A_442, %shift_left3A_444 : vector<100x128xi32>
    %bitcast_convert_type3A_446 = tpu.bitcast %shift_left3A_445 : vector<100x128xi32> -> vector<100x128xf32>
    %and3A_447 = arith.constant -65536 : i32
    %and3A_448 = vector.broadcast %and3A_447 : i32 to vector<100x128xi32>
    %and3A_449 = arith.andi %get3A_442, %and3A_448 : vector<100x128xi32>
    %bitcast_convert_type3A_450 = tpu.bitcast %and3A_449 : vector<100x128xi32> -> vector<100x128xf32>
    %get3A_451 = arith.constant 34 : index
    %get3A_452 = arith.constant 0 : index
    %get3A_453 = arith.constant 0 : index
    %get3A_454 = vector.load %arg1[%get3A_451, %get3A_452, %get3A_453] : memref<64x100x128xi32, #tpu.memory_space<vmem>>, vector<1x100x128xi32>
    %get3A_455 = vector.shape_cast %get3A_454 : vector<1x100x128xi32> to vector<100x128xi32>
    %shift_left3A_456 = arith.constant 16 : i32
    %shift_left3A_457 = vector.broadcast %shift_left3A_456 : i32 to vector<100x128xi32>
    %shift_left3A_458 = arith.shli %get3A_455, %shift_left3A_457 : vector<100x128xi32>
    %bitcast_convert_type3A_459 = tpu.bitcast %shift_left3A_458 : vector<100x128xi32> -> vector<100x128xf32>
    %and3A_460 = arith.constant -65536 : i32
    %and3A_461 = vector.broadcast %and3A_460 : i32 to vector<100x128xi32>
    %and3A_462 = arith.andi %get3A_455, %and3A_461 : vector<100x128xi32>
    %bitcast_convert_type3A_463 = tpu.bitcast %and3A_462 : vector<100x128xi32> -> vector<100x128xf32>
    %get3A_464 = arith.constant 35 : index
    %get3A_465 = arith.constant 0 : index
    %get3A_466 = arith.constant 0 : index
    %get3A_467 = vector.load %arg1[%get3A_464, %get3A_465, %get3A_466] : memref<64x100x128xi32, #tpu.memory_space<vmem>>, vector<1x100x128xi32>
    %get3A_468 = vector.shape_cast %get3A_467 : vector<1x100x128xi32> to vector<100x128xi32>
    %shift_left3A_469 = arith.constant 16 : i32
    %shift_left3A_470 = vector.broadcast %shift_left3A_469 : i32 to vector<100x128xi32>
    %shift_left3A_471 = arith.shli %get3A_468, %shift_left3A_470 : vector<100x128xi32>
    %bitcast_convert_type3A_472 = tpu.bitcast %shift_left3A_471 : vector<100x128xi32> -> vector<100x128xf32>
    %and3A_473 = arith.constant -65536 : i32
    %and3A_474 = vector.broadcast %and3A_473 : i32 to vector<100x128xi32>
    %and3A_475 = arith.andi %get3A_468, %and3A_474 : vector<100x128xi32>
    %bitcast_convert_type3A_476 = tpu.bitcast %and3A_475 : vector<100x128xi32> -> vector<100x128xf32>
    %get3A_477 = arith.constant 36 : index
    %get3A_478 = arith.constant 0 : index
    %get3A_479 = arith.constant 0 : index
    %get3A_480 = vector.load %arg1[%get3A_477, %get3A_478, %get3A_479] : memref<64x100x128xi32, #tpu.memory_space<vmem>>, vector<1x100x128xi32>
    %get3A_481 = vector.shape_cast %get3A_480 : vector<1x100x128xi32> to vector<100x128xi32>
    %shift_left3A_482 = arith.constant 16 : i32
    %shift_left3A_483 = vector.broadcast %shift_left3A_482 : i32 to vector<100x128xi32>
    %shift_left3A_484 = arith.shli %get3A_481, %shift_left3A_483 : vector<100x128xi32>
    %bitcast_convert_type3A_485 = tpu.bitcast %shift_left3A_484 : vector<100x128xi32> -> vector<100x128xf32>
    %and3A_486 = arith.constant -65536 : i32
    %and3A_487 = vector.broadcast %and3A_486 : i32 to vector<100x128xi32>
    %and3A_488 = arith.andi %get3A_481, %and3A_487 : vector<100x128xi32>
    %bitcast_convert_type3A_489 = tpu.bitcast %and3A_488 : vector<100x128xi32> -> vector<100x128xf32>
    %get3A_490 = arith.constant 37 : index
    %get3A_491 = arith.constant 0 : index
    %get3A_492 = arith.constant 0 : index
    %get3A_493 = vector.load %arg1[%get3A_490, %get3A_491, %get3A_492] : memref<64x100x128xi32, #tpu.memory_space<vmem>>, vector<1x100x128xi32>
    %get3A_494 = vector.shape_cast %get3A_493 : vector<1x100x128xi32> to vector<100x128xi32>
    %shift_left3A_495 = arith.constant 16 : i32
    %shift_left3A_496 = vector.broadcast %shift_left3A_495 : i32 to vector<100x128xi32>
    %shift_left3A_497 = arith.shli %get3A_494, %shift_left3A_496 : vector<100x128xi32>
    %bitcast_convert_type3A_498 = tpu.bitcast %shift_left3A_497 : vector<100x128xi32> -> vector<100x128xf32>
    %and3A_499 = arith.constant -65536 : i32
    %and3A_500 = vector.broadcast %and3A_499 : i32 to vector<100x128xi32>
    %and3A_501 = arith.andi %get3A_494, %and3A_500 : vector<100x128xi32>
    %bitcast_convert_type3A_502 = tpu.bitcast %and3A_501 : vector<100x128xi32> -> vector<100x128xf32>
    %get3A_503 = arith.constant 38 : index
    %get3A_504 = arith.constant 0 : index
    %get3A_505 = arith.constant 0 : index
    %get3A_506 = vector.load %arg1[%get3A_503, %get3A_504, %get3A_505] : memref<64x100x128xi32, #tpu.memory_space<vmem>>, vector<1x100x128xi32>
    %get3A_507 = vector.shape_cast %get3A_506 : vector<1x100x128xi32> to vector<100x128xi32>
    %shift_left3A_508 = arith.constant 16 : i32
    %shift_left3A_509 = vector.broadcast %shift_left3A_508 : i32 to vector<100x128xi32>
    %shift_left3A_510 = arith.shli %get3A_507, %shift_left3A_509 : vector<100x128xi32>
    %bitcast_convert_type3A_511 = tpu.bitcast %shift_left3A_510 : vector<100x128xi32> -> vector<100x128xf32>
    %and3A_512 = arith.constant -65536 : i32
    %and3A_513 = vector.broadcast %and3A_512 : i32 to vector<100x128xi32>
    %and3A_514 = arith.andi %get3A_507, %and3A_513 : vector<100x128xi32>
    %bitcast_convert_type3A_515 = tpu.bitcast %and3A_514 : vector<100x128xi32> -> vector<100x128xf32>
    %get3A_516 = arith.constant 39 : index
    %get3A_517 = arith.constant 0 : index
    %get3A_518 = arith.constant 0 : index
    %get3A_519 = vector.load %arg1[%get3A_516, %get3A_517, %get3A_518] : memref<64x100x128xi32, #tpu.memory_space<vmem>>, vector<1x100x128xi32>
    %get3A_520 = vector.shape_cast %get3A_519 : vector<1x100x128xi32> to vector<100x128xi32>
    %shift_left3A_521 = arith.constant 16 : i32
    %shift_left3A_522 = vector.broadcast %shift_left3A_521 : i32 to vector<100x128xi32>
    %shift_left3A_523 = arith.shli %get3A_520, %shift_left3A_522 : vector<100x128xi32>
    %bitcast_convert_type3A_524 = tpu.bitcast %shift_left3A_523 : vector<100x128xi32> -> vector<100x128xf32>
    %and3A_525 = arith.constant -65536 : i32
    %and3A_526 = vector.broadcast %and3A_525 : i32 to vector<100x128xi32>
    %and3A_527 = arith.andi %get3A_520, %and3A_526 : vector<100x128xi32>
    %bitcast_convert_type3A_528 = tpu.bitcast %and3A_527 : vector<100x128xi32> -> vector<100x128xf32>
    %get3A_529 = arith.constant 40 : index
    %get3A_530 = arith.constant 0 : index
    %get3A_531 = arith.constant 0 : index
    %get3A_532 = vector.load %arg1[%get3A_529, %get3A_530, %get3A_531] : memref<64x100x128xi32, #tpu.memory_space<vmem>>, vector<1x100x128xi32>
    %get3A_533 = vector.shape_cast %get3A_532 : vector<1x100x128xi32> to vector<100x128xi32>
    %shift_left3A_534 = arith.constant 16 : i32
    %shift_left3A_535 = vector.broadcast %shift_left3A_534 : i32 to vector<100x128xi32>
    %shift_left3A_536 = arith.shli %get3A_533, %shift_left3A_535 : vector<100x128xi32>
    %bitcast_convert_type3A_537 = tpu.bitcast %shift_left3A_536 : vector<100x128xi32> -> vector<100x128xf32>
    %and3A_538 = arith.constant -65536 : i32
    %and3A_539 = vector.broadcast %and3A_538 : i32 to vector<100x128xi32>
    %and3A_540 = arith.andi %get3A_533, %and3A_539 : vector<100x128xi32>
    %bitcast_convert_type3A_541 = tpu.bitcast %and3A_540 : vector<100x128xi32> -> vector<100x128xf32>
    %get3A_542 = arith.constant 41 : index
    %get3A_543 = arith.constant 0 : index
    %get3A_544 = arith.constant 0 : index
    %get3A_545 = vector.load %arg1[%get3A_542, %get3A_543, %get3A_544] : memref<64x100x128xi32, #tpu.memory_space<vmem>>, vector<1x100x128xi32>
    %get3A_546 = vector.shape_cast %get3A_545 : vector<1x100x128xi32> to vector<100x128xi32>
    %shift_left3A_547 = arith.constant 16 : i32
    %shift_left3A_548 = vector.broadcast %shift_left3A_547 : i32 to vector<100x128xi32>
    %shift_left3A_549 = arith.shli %get3A_546, %shift_left3A_548 : vector<100x128xi32>
    %bitcast_convert_type3A_550 = tpu.bitcast %shift_left3A_549 : vector<100x128xi32> -> vector<100x128xf32>
    %and3A_551 = arith.constant -65536 : i32
    %and3A_552 = vector.broadcast %and3A_551 : i32 to vector<100x128xi32>
    %and3A_553 = arith.andi %get3A_546, %and3A_552 : vector<100x128xi32>
    %bitcast_convert_type3A_554 = tpu.bitcast %and3A_553 : vector<100x128xi32> -> vector<100x128xf32>
    %get3A_555 = arith.constant 42 : index
    %get3A_556 = arith.constant 0 : index
    %get3A_557 = arith.constant 0 : index
    %get3A_558 = vector.load %arg1[%get3A_555, %get3A_556, %get3A_557] : memref<64x100x128xi32, #tpu.memory_space<vmem>>, vector<1x100x128xi32>
    %get3A_559 = vector.shape_cast %get3A_558 : vector<1x100x128xi32> to vector<100x128xi32>
    %shift_left3A_560 = arith.constant 16 : i32
    %shift_left3A_561 = vector.broadcast %shift_left3A_560 : i32 to vector<100x128xi32>
    %shift_left3A_562 = arith.shli %get3A_559, %shift_left3A_561 : vector<100x128xi32>
    %bitcast_convert_type3A_563 = tpu.bitcast %shift_left3A_562 : vector<100x128xi32> -> vector<100x128xf32>
    %and3A_564 = arith.constant -65536 : i32
    %and3A_565 = vector.broadcast %and3A_564 : i32 to vector<100x128xi32>
    %and3A_566 = arith.andi %get3A_559, %and3A_565 : vector<100x128xi32>
    %bitcast_convert_type3A_567 = tpu.bitcast %and3A_566 : vector<100x128xi32> -> vector<100x128xf32>
    %get3A_568 = arith.constant 43 : index
    %get3A_569 = arith.constant 0 : index
    %get3A_570 = arith.constant 0 : index
    %get3A_571 = vector.load %arg1[%get3A_568, %get3A_569, %get3A_570] : memref<64x100x128xi32, #tpu.memory_space<vmem>>, vector<1x100x128xi32>
    %get3A_572 = vector.shape_cast %get3A_571 : vector<1x100x128xi32> to vector<100x128xi32>
    %shift_left3A_573 = arith.constant 16 : i32
    %shift_left3A_574 = vector.broadcast %shift_left3A_573 : i32 to vector<100x128xi32>
    %shift_left3A_575 = arith.shli %get3A_572, %shift_left3A_574 : vector<100x128xi32>
    %bitcast_convert_type3A_576 = tpu.bitcast %shift_left3A_575 : vector<100x128xi32> -> vector<100x128xf32>
    %and3A_577 = arith.constant -65536 : i32
    %and3A_578 = vector.broadcast %and3A_577 : i32 to vector<100x128xi32>
    %and3A_579 = arith.andi %get3A_572, %and3A_578 : vector<100x128xi32>
    %bitcast_convert_type3A_580 = tpu.bitcast %and3A_579 : vector<100x128xi32> -> vector<100x128xf32>
    %get3A_581 = arith.constant 44 : index
    %get3A_582 = arith.constant 0 : index
    %get3A_583 = arith.constant 0 : index
    %get3A_584 = vector.load %arg1[%get3A_581, %get3A_582, %get3A_583] : memref<64x100x128xi32, #tpu.memory_space<vmem>>, vector<1x100x128xi32>
    %get3A_585 = vector.shape_cast %get3A_584 : vector<1x100x128xi32> to vector<100x128xi32>
    %shift_left3A_586 = arith.constant 16 : i32
    %shift_left3A_587 = vector.broadcast %shift_left3A_586 : i32 to vector<100x128xi32>
    %shift_left3A_588 = arith.shli %get3A_585, %shift_left3A_587 : vector<100x128xi32>
    %bitcast_convert_type3A_589 = tpu.bitcast %shift_left3A_588 : vector<100x128xi32> -> vector<100x128xf32>
    %and3A_590 = arith.constant -65536 : i32
    %and3A_591 = vector.broadcast %and3A_590 : i32 to vector<100x128xi32>
    %and3A_592 = arith.andi %get3A_585, %and3A_591 : vector<100x128xi32>
    %bitcast_convert_type3A_593 = tpu.bitcast %and3A_592 : vector<100x128xi32> -> vector<100x128xf32>
    %get3A_594 = arith.constant 45 : index
    %get3A_595 = arith.constant 0 : index
    %get3A_596 = arith.constant 0 : index
    %get3A_597 = vector.load %arg1[%get3A_594, %get3A_595, %get3A_596] : memref<64x100x128xi32, #tpu.memory_space<vmem>>, vector<1x100x128xi32>
    %get3A_598 = vector.shape_cast %get3A_597 : vector<1x100x128xi32> to vector<100x128xi32>
    %shift_left3A_599 = arith.constant 16 : i32
    %shift_left3A_600 = vector.broadcast %shift_left3A_599 : i32 to vector<100x128xi32>
    %shift_left3A_601 = arith.shli %get3A_598, %shift_left3A_600 : vector<100x128xi32>
    %bitcast_convert_type3A_602 = tpu.bitcast %shift_left3A_601 : vector<100x128xi32> -> vector<100x128xf32>
    %and3A_603 = arith.constant -65536 : i32
    %and3A_604 = vector.broadcast %and3A_603 : i32 to vector<100x128xi32>
    %and3A_605 = arith.andi %get3A_598, %and3A_604 : vector<100x128xi32>
    %bitcast_convert_type3A_606 = tpu.bitcast %and3A_605 : vector<100x128xi32> -> vector<100x128xf32>
    %get3A_607 = arith.constant 46 : index
    %get3A_608 = arith.constant 0 : index
    %get3A_609 = arith.constant 0 : index
    %get3A_610 = vector.load %arg1[%get3A_607, %get3A_608, %get3A_609] : memref<64x100x128xi32, #tpu.memory_space<vmem>>, vector<1x100x128xi32>
    %get3A_611 = vector.shape_cast %get3A_610 : vector<1x100x128xi32> to vector<100x128xi32>
    %shift_left3A_612 = arith.constant 16 : i32
    %shift_left3A_613 = vector.broadcast %shift_left3A_612 : i32 to vector<100x128xi32>
    %shift_left3A_614 = arith.shli %get3A_611, %shift_left3A_613 : vector<100x128xi32>
    %bitcast_convert_type3A_615 = tpu.bitcast %shift_left3A_614 : vector<100x128xi32> -> vector<100x128xf32>
    %and3A_616 = arith.constant -65536 : i32
    %and3A_617 = vector.broadcast %and3A_616 : i32 to vector<100x128xi32>
    %and3A_618 = arith.andi %get3A_611, %and3A_617 : vector<100x128xi32>
    %bitcast_convert_type3A_619 = tpu.bitcast %and3A_618 : vector<100x128xi32> -> vector<100x128xf32>
    %get3A_620 = arith.constant 47 : index
    %get3A_621 = arith.constant 0 : index
    %get3A_622 = arith.constant 0 : index
    %get3A_623 = vector.load %arg1[%get3A_620, %get3A_621, %get3A_622] : memref<64x100x128xi32, #tpu.memory_space<vmem>>, vector<1x100x128xi32>
    %get3A_624 = vector.shape_cast %get3A_623 : vector<1x100x128xi32> to vector<100x128xi32>
    %shift_left3A_625 = arith.constant 16 : i32
    %shift_left3A_626 = vector.broadcast %shift_left3A_625 : i32 to vector<100x128xi32>
    %shift_left3A_627 = arith.shli %get3A_624, %shift_left3A_626 : vector<100x128xi32>
    %bitcast_convert_type3A_628 = tpu.bitcast %shift_left3A_627 : vector<100x128xi32> -> vector<100x128xf32>
    %and3A_629 = arith.constant -65536 : i32
    %and3A_630 = vector.broadcast %and3A_629 : i32 to vector<100x128xi32>
    %and3A_631 = arith.andi %get3A_624, %and3A_630 : vector<100x128xi32>
    %bitcast_convert_type3A_632 = tpu.bitcast %and3A_631 : vector<100x128xi32> -> vector<100x128xf32>
    %get3A_633 = arith.constant 48 : index
    %get3A_634 = arith.constant 0 : index
    %get3A_635 = arith.constant 0 : index
    %get3A_636 = vector.load %arg1[%get3A_633, %get3A_634, %get3A_635] : memref<64x100x128xi32, #tpu.memory_space<vmem>>, vector<1x100x128xi32>
    %get3A_637 = vector.shape_cast %get3A_636 : vector<1x100x128xi32> to vector<100x128xi32>
    %shift_left3A_638 = arith.constant 16 : i32
    %shift_left3A_639 = vector.broadcast %shift_left3A_638 : i32 to vector<100x128xi32>
    %shift_left3A_640 = arith.shli %get3A_637, %shift_left3A_639 : vector<100x128xi32>
    %bitcast_convert_type3A_641 = tpu.bitcast %shift_left3A_640 : vector<100x128xi32> -> vector<100x128xf32>
    %and3A_642 = arith.constant -65536 : i32
    %and3A_643 = vector.broadcast %and3A_642 : i32 to vector<100x128xi32>
    %and3A_644 = arith.andi %get3A_637, %and3A_643 : vector<100x128xi32>
    %bitcast_convert_type3A_645 = tpu.bitcast %and3A_644 : vector<100x128xi32> -> vector<100x128xf32>
    %get3A_646 = arith.constant 49 : index
    %get3A_647 = arith.constant 0 : index
    %get3A_648 = arith.constant 0 : index
    %get3A_649 = vector.load %arg1[%get3A_646, %get3A_647, %get3A_648] : memref<64x100x128xi32, #tpu.memory_space<vmem>>, vector<1x100x128xi32>
    %get3A_650 = vector.shape_cast %get3A_649 : vector<1x100x128xi32> to vector<100x128xi32>
    %shift_left3A_651 = arith.constant 16 : i32
    %shift_left3A_652 = vector.broadcast %shift_left3A_651 : i32 to vector<100x128xi32>
    %shift_left3A_653 = arith.shli %get3A_650, %shift_left3A_652 : vector<100x128xi32>
    %bitcast_convert_type3A_654 = tpu.bitcast %shift_left3A_653 : vector<100x128xi32> -> vector<100x128xf32>
    %and3A_655 = arith.constant -65536 : i32
    %and3A_656 = vector.broadcast %and3A_655 : i32 to vector<100x128xi32>
    %and3A_657 = arith.andi %get3A_650, %and3A_656 : vector<100x128xi32>
    %bitcast_convert_type3A_658 = tpu.bitcast %and3A_657 : vector<100x128xi32> -> vector<100x128xf32>
    %get3A_659 = arith.constant 50 : index
    %get3A_660 = arith.constant 0 : index
    %get3A_661 = arith.constant 0 : index
    %get3A_662 = vector.load %arg1[%get3A_659, %get3A_660, %get3A_661] : memref<64x100x128xi32, #tpu.memory_space<vmem>>, vector<1x100x128xi32>
    %get3A_663 = vector.shape_cast %get3A_662 : vector<1x100x128xi32> to vector<100x128xi32>
    %shift_left3A_664 = arith.constant 16 : i32
    %shift_left3A_665 = vector.broadcast %shift_left3A_664 : i32 to vector<100x128xi32>
    %shift_left3A_666 = arith.shli %get3A_663, %shift_left3A_665 : vector<100x128xi32>
    %bitcast_convert_type3A_667 = tpu.bitcast %shift_left3A_666 : vector<100x128xi32> -> vector<100x128xf32>
    %and3A_668 = arith.constant -65536 : i32
    %and3A_669 = vector.broadcast %and3A_668 : i32 to vector<100x128xi32>
    %and3A_670 = arith.andi %get3A_663, %and3A_669 : vector<100x128xi32>
    %bitcast_convert_type3A_671 = tpu.bitcast %and3A_670 : vector<100x128xi32> -> vector<100x128xf32>
    %get3A_672 = arith.constant 51 : index
    %get3A_673 = arith.constant 0 : index
    %get3A_674 = arith.constant 0 : index
    %get3A_675 = vector.load %arg1[%get3A_672, %get3A_673, %get3A_674] : memref<64x100x128xi32, #tpu.memory_space<vmem>>, vector<1x100x128xi32>
    %get3A_676 = vector.shape_cast %get3A_675 : vector<1x100x128xi32> to vector<100x128xi32>
    %shift_left3A_677 = arith.constant 16 : i32
    %shift_left3A_678 = vector.broadcast %shift_left3A_677 : i32 to vector<100x128xi32>
    %shift_left3A_679 = arith.shli %get3A_676, %shift_left3A_678 : vector<100x128xi32>
    %bitcast_convert_type3A_680 = tpu.bitcast %shift_left3A_679 : vector<100x128xi32> -> vector<100x128xf32>
    %and3A_681 = arith.constant -65536 : i32
    %and3A_682 = vector.broadcast %and3A_681 : i32 to vector<100x128xi32>
    %and3A_683 = arith.andi %get3A_676, %and3A_682 : vector<100x128xi32>
    %bitcast_convert_type3A_684 = tpu.bitcast %and3A_683 : vector<100x128xi32> -> vector<100x128xf32>
    %get3A_685 = arith.constant 52 : index
    %get3A_686 = arith.constant 0 : index
    %get3A_687 = arith.constant 0 : index
    %get3A_688 = vector.load %arg1[%get3A_685, %get3A_686, %get3A_687] : memref<64x100x128xi32, #tpu.memory_space<vmem>>, vector<1x100x128xi32>
    %get3A_689 = vector.shape_cast %get3A_688 : vector<1x100x128xi32> to vector<100x128xi32>
    %shift_left3A_690 = arith.constant 16 : i32
    %shift_left3A_691 = vector.broadcast %shift_left3A_690 : i32 to vector<100x128xi32>
    %shift_left3A_692 = arith.shli %get3A_689, %shift_left3A_691 : vector<100x128xi32>
    %bitcast_convert_type3A_693 = tpu.bitcast %shift_left3A_692 : vector<100x128xi32> -> vector<100x128xf32>
    %and3A_694 = arith.constant -65536 : i32
    %and3A_695 = vector.broadcast %and3A_694 : i32 to vector<100x128xi32>
    %and3A_696 = arith.andi %get3A_689, %and3A_695 : vector<100x128xi32>
    %bitcast_convert_type3A_697 = tpu.bitcast %and3A_696 : vector<100x128xi32> -> vector<100x128xf32>
    %get3A_698 = arith.constant 53 : index
    %get3A_699 = arith.constant 0 : index
    %get3A_700 = arith.constant 0 : index
    %get3A_701 = vector.load %arg1[%get3A_698, %get3A_699, %get3A_700] : memref<64x100x128xi32, #tpu.memory_space<vmem>>, vector<1x100x128xi32>
    %get3A_702 = vector.shape_cast %get3A_701 : vector<1x100x128xi32> to vector<100x128xi32>
    %shift_left3A_703 = arith.constant 16 : i32
    %shift_left3A_704 = vector.broadcast %shift_left3A_703 : i32 to vector<100x128xi32>
    %shift_left3A_705 = arith.shli %get3A_702, %shift_left3A_704 : vector<100x128xi32>
    %bitcast_convert_type3A_706 = tpu.bitcast %shift_left3A_705 : vector<100x128xi32> -> vector<100x128xf32>
    %and3A_707 = arith.constant -65536 : i32
    %and3A_708 = vector.broadcast %and3A_707 : i32 to vector<100x128xi32>
    %and3A_709 = arith.andi %get3A_702, %and3A_708 : vector<100x128xi32>
    %bitcast_convert_type3A_710 = tpu.bitcast %and3A_709 : vector<100x128xi32> -> vector<100x128xf32>
    %get3A_711 = arith.constant 54 : index
    %get3A_712 = arith.constant 0 : index
    %get3A_713 = arith.constant 0 : index
    %get3A_714 = vector.load %arg1[%get3A_711, %get3A_712, %get3A_713] : memref<64x100x128xi32, #tpu.memory_space<vmem>>, vector<1x100x128xi32>
    %get3A_715 = vector.shape_cast %get3A_714 : vector<1x100x128xi32> to vector<100x128xi32>
    %shift_left3A_716 = arith.constant 16 : i32
    %shift_left3A_717 = vector.broadcast %shift_left3A_716 : i32 to vector<100x128xi32>
    %shift_left3A_718 = arith.shli %get3A_715, %shift_left3A_717 : vector<100x128xi32>
    %bitcast_convert_type3A_719 = tpu.bitcast %shift_left3A_718 : vector<100x128xi32> -> vector<100x128xf32>
    %and3A_720 = arith.constant -65536 : i32
    %and3A_721 = vector.broadcast %and3A_720 : i32 to vector<100x128xi32>
    %and3A_722 = arith.andi %get3A_715, %and3A_721 : vector<100x128xi32>
    %bitcast_convert_type3A_723 = tpu.bitcast %and3A_722 : vector<100x128xi32> -> vector<100x128xf32>
    %get3A_724 = arith.constant 55 : index
    %get3A_725 = arith.constant 0 : index
    %get3A_726 = arith.constant 0 : index
    %get3A_727 = vector.load %arg1[%get3A_724, %get3A_725, %get3A_726] : memref<64x100x128xi32, #tpu.memory_space<vmem>>, vector<1x100x128xi32>
    %get3A_728 = vector.shape_cast %get3A_727 : vector<1x100x128xi32> to vector<100x128xi32>
    %shift_left3A_729 = arith.constant 16 : i32
    %shift_left3A_730 = vector.broadcast %shift_left3A_729 : i32 to vector<100x128xi32>
    %shift_left3A_731 = arith.shli %get3A_728, %shift_left3A_730 : vector<100x128xi32>
    %bitcast_convert_type3A_732 = tpu.bitcast %shift_left3A_731 : vector<100x128xi32> -> vector<100x128xf32>
    %and3A_733 = arith.constant -65536 : i32
    %and3A_734 = vector.broadcast %and3A_733 : i32 to vector<100x128xi32>
    %and3A_735 = arith.andi %get3A_728, %and3A_734 : vector<100x128xi32>
    %bitcast_convert_type3A_736 = tpu.bitcast %and3A_735 : vector<100x128xi32> -> vector<100x128xf32>
    %get3A_737 = arith.constant 56 : index
    %get3A_738 = arith.constant 0 : index
    %get3A_739 = arith.constant 0 : index
    %get3A_740 = vector.load %arg1[%get3A_737, %get3A_738, %get3A_739] : memref<64x100x128xi32, #tpu.memory_space<vmem>>, vector<1x100x128xi32>
    %get3A_741 = vector.shape_cast %get3A_740 : vector<1x100x128xi32> to vector<100x128xi32>
    %shift_left3A_742 = arith.constant 16 : i32
    %shift_left3A_743 = vector.broadcast %shift_left3A_742 : i32 to vector<100x128xi32>
    %shift_left3A_744 = arith.shli %get3A_741, %shift_left3A_743 : vector<100x128xi32>
    %bitcast_convert_type3A_745 = tpu.bitcast %shift_left3A_744 : vector<100x128xi32> -> vector<100x128xf32>
    %and3A_746 = arith.constant -65536 : i32
    %and3A_747 = vector.broadcast %and3A_746 : i32 to vector<100x128xi32>
    %and3A_748 = arith.andi %get3A_741, %and3A_747 : vector<100x128xi32>
    %bitcast_convert_type3A_749 = tpu.bitcast %and3A_748 : vector<100x128xi32> -> vector<100x128xf32>
    %get3A_750 = arith.constant 57 : index
    %get3A_751 = arith.constant 0 : index
    %get3A_752 = arith.constant 0 : index
    %get3A_753 = vector.load %arg1[%get3A_750, %get3A_751, %get3A_752] : memref<64x100x128xi32, #tpu.memory_space<vmem>>, vector<1x100x128xi32>
    %get3A_754 = vector.shape_cast %get3A_753 : vector<1x100x128xi32> to vector<100x128xi32>
    %shift_left3A_755 = arith.constant 16 : i32
    %shift_left3A_756 = vector.broadcast %shift_left3A_755 : i32 to vector<100x128xi32>
    %shift_left3A_757 = arith.shli %get3A_754, %shift_left3A_756 : vector<100x128xi32>
    %bitcast_convert_type3A_758 = tpu.bitcast %shift_left3A_757 : vector<100x128xi32> -> vector<100x128xf32>
    %and3A_759 = arith.constant -65536 : i32
    %and3A_760 = vector.broadcast %and3A_759 : i32 to vector<100x128xi32>
    %and3A_761 = arith.andi %get3A_754, %and3A_760 : vector<100x128xi32>
    %bitcast_convert_type3A_762 = tpu.bitcast %and3A_761 : vector<100x128xi32> -> vector<100x128xf32>
    %get3A_763 = arith.constant 58 : index
    %get3A_764 = arith.constant 0 : index
    %get3A_765 = arith.constant 0 : index
    %get3A_766 = vector.load %arg1[%get3A_763, %get3A_764, %get3A_765] : memref<64x100x128xi32, #tpu.memory_space<vmem>>, vector<1x100x128xi32>
    %get3A_767 = vector.shape_cast %get3A_766 : vector<1x100x128xi32> to vector<100x128xi32>
    %shift_left3A_768 = arith.constant 16 : i32
    %shift_left3A_769 = vector.broadcast %shift_left3A_768 : i32 to vector<100x128xi32>
    %shift_left3A_770 = arith.shli %get3A_767, %shift_left3A_769 : vector<100x128xi32>
    %bitcast_convert_type3A_771 = tpu.bitcast %shift_left3A_770 : vector<100x128xi32> -> vector<100x128xf32>
    %and3A_772 = arith.constant -65536 : i32
    %and3A_773 = vector.broadcast %and3A_772 : i32 to vector<100x128xi32>
    %and3A_774 = arith.andi %get3A_767, %and3A_773 : vector<100x128xi32>
    %bitcast_convert_type3A_775 = tpu.bitcast %and3A_774 : vector<100x128xi32> -> vector<100x128xf32>
    %get3A_776 = arith.constant 59 : index
    %get3A_777 = arith.constant 0 : index
    %get3A_778 = arith.constant 0 : index
    %get3A_779 = vector.load %arg1[%get3A_776, %get3A_777, %get3A_778] : memref<64x100x128xi32, #tpu.memory_space<vmem>>, vector<1x100x128xi32>
    %get3A_780 = vector.shape_cast %get3A_779 : vector<1x100x128xi32> to vector<100x128xi32>
    %shift_left3A_781 = arith.constant 16 : i32
    %shift_left3A_782 = vector.broadcast %shift_left3A_781 : i32 to vector<100x128xi32>
    %shift_left3A_783 = arith.shli %get3A_780, %shift_left3A_782 : vector<100x128xi32>
    %bitcast_convert_type3A_784 = tpu.bitcast %shift_left3A_783 : vector<100x128xi32> -> vector<100x128xf32>
    %and3A_785 = arith.constant -65536 : i32
    %and3A_786 = vector.broadcast %and3A_785 : i32 to vector<100x128xi32>
    %and3A_787 = arith.andi %get3A_780, %and3A_786 : vector<100x128xi32>
    %bitcast_convert_type3A_788 = tpu.bitcast %and3A_787 : vector<100x128xi32> -> vector<100x128xf32>
    %get3A_789 = arith.constant 60 : index
    %get3A_790 = arith.constant 0 : index
    %get3A_791 = arith.constant 0 : index
    %get3A_792 = vector.load %arg1[%get3A_789, %get3A_790, %get3A_791] : memref<64x100x128xi32, #tpu.memory_space<vmem>>, vector<1x100x128xi32>
    %get3A_793 = vector.shape_cast %get3A_792 : vector<1x100x128xi32> to vector<100x128xi32>
    %shift_left3A_794 = arith.constant 16 : i32
    %shift_left3A_795 = vector.broadcast %shift_left3A_794 : i32 to vector<100x128xi32>
    %shift_left3A_796 = arith.shli %get3A_793, %shift_left3A_795 : vector<100x128xi32>
    %bitcast_convert_type3A_797 = tpu.bitcast %shift_left3A_796 : vector<100x128xi32> -> vector<100x128xf32>
    %and3A_798 = arith.constant -65536 : i32
    %and3A_799 = vector.broadcast %and3A_798 : i32 to vector<100x128xi32>
    %and3A_800 = arith.andi %get3A_793, %and3A_799 : vector<100x128xi32>
    %bitcast_convert_type3A_801 = tpu.bitcast %and3A_800 : vector<100x128xi32> -> vector<100x128xf32>
    %get3A_802 = arith.constant 61 : index
    %get3A_803 = arith.constant 0 : index
    %get3A_804 = arith.constant 0 : index
    %get3A_805 = vector.load %arg1[%get3A_802, %get3A_803, %get3A_804] : memref<64x100x128xi32, #tpu.memory_space<vmem>>, vector<1x100x128xi32>
    %get3A_806 = vector.shape_cast %get3A_805 : vector<1x100x128xi32> to vector<100x128xi32>
    %shift_left3A_807 = arith.constant 16 : i32
    %shift_left3A_808 = vector.broadcast %shift_left3A_807 : i32 to vector<100x128xi32>
    %shift_left3A_809 = arith.shli %get3A_806, %shift_left3A_808 : vector<100x128xi32>
    %bitcast_convert_type3A_810 = tpu.bitcast %shift_left3A_809 : vector<100x128xi32> -> vector<100x128xf32>
    %and3A_811 = arith.constant -65536 : i32
    %and3A_812 = vector.broadcast %and3A_811 : i32 to vector<100x128xi32>
    %and3A_813 = arith.andi %get3A_806, %and3A_812 : vector<100x128xi32>
    %bitcast_convert_type3A_814 = tpu.bitcast %and3A_813 : vector<100x128xi32> -> vector<100x128xf32>
    %get3A_815 = arith.constant 62 : index
    %get3A_816 = arith.constant 0 : index
    %get3A_817 = arith.constant 0 : index
    %get3A_818 = vector.load %arg1[%get3A_815, %get3A_816, %get3A_817] : memref<64x100x128xi32, #tpu.memory_space<vmem>>, vector<1x100x128xi32>
    %get3A_819 = vector.shape_cast %get3A_818 : vector<1x100x128xi32> to vector<100x128xi32>
    %shift_left3A_820 = arith.constant 16 : i32
    %shift_left3A_821 = vector.broadcast %shift_left3A_820 : i32 to vector<100x128xi32>
    %shift_left3A_822 = arith.shli %get3A_819, %shift_left3A_821 : vector<100x128xi32>
    %bitcast_convert_type3A_823 = tpu.bitcast %shift_left3A_822 : vector<100x128xi32> -> vector<100x128xf32>
    %and3A_824 = arith.constant -65536 : i32
    %and3A_825 = vector.broadcast %and3A_824 : i32 to vector<100x128xi32>
    %and3A_826 = arith.andi %get3A_819, %and3A_825 : vector<100x128xi32>
    %bitcast_convert_type3A_827 = tpu.bitcast %and3A_826 : vector<100x128xi32> -> vector<100x128xf32>
    %get3A_828 = arith.constant 63 : index
    %get3A_829 = arith.constant 0 : index
    %get3A_830 = arith.constant 0 : index
    %get3A_831 = vector.load %arg1[%get3A_828, %get3A_829, %get3A_830] : memref<64x100x128xi32, #tpu.memory_space<vmem>>, vector<1x100x128xi32>
    %get3A_832 = vector.shape_cast %get3A_831 : vector<1x100x128xi32> to vector<100x128xi32>
    %shift_left3A_833 = arith.constant 16 : i32
    %shift_left3A_834 = vector.broadcast %shift_left3A_833 : i32 to vector<100x128xi32>
    %shift_left3A_835 = arith.shli %get3A_832, %shift_left3A_834 : vector<100x128xi32>
    %bitcast_convert_type3A_836 = tpu.bitcast %shift_left3A_835 : vector<100x128xi32> -> vector<100x128xf32>
    %and3A_837 = arith.constant -65536 : i32
    %and3A_838 = vector.broadcast %and3A_837 : i32 to vector<100x128xi32>
    %and3A_839 = arith.andi %get3A_832, %and3A_838 : vector<100x128xi32>
    %bitcast_convert_type3A_840 = tpu.bitcast %and3A_839 : vector<100x128xi32> -> vector<100x128xf32>
    %concatenate3A = tpu.concatenate %bitcast_convert_type3A, %bitcast_convert_type3A_21, %bitcast_convert_type3A_30, %bitcast_convert_type3A_34, %bitcast_convert_type3A_43, %bitcast_convert_type3A_47, %bitcast_convert_type3A_56, %bitcast_convert_type3A_60, %bitcast_convert_type3A_69, %bitcast_convert_type3A_73, %bitcast_convert_type3A_82, %bitcast_convert_type3A_86, %bitcast_convert_type3A_95, %bitcast_convert_type3A_99, %bitcast_convert_type3A_108, %bitcast_convert_type3A_112, %bitcast_convert_type3A_121, %bitcast_convert_type3A_125, %bitcast_convert_type3A_134, %bitcast_convert_type3A_138, %bitcast_convert_type3A_147, %bitcast_convert_type3A_151, %bitcast_convert_type3A_160, %bitcast_convert_type3A_164, %bitcast_convert_type3A_173, %bitcast_convert_type3A_177, %bitcast_convert_type3A_186, %bitcast_convert_type3A_190, %bitcast_convert_type3A_199, %bitcast_convert_type3A_203, %bitcast_convert_type3A_212, %bitcast_convert_type3A_216, %bitcast_convert_type3A_225, %bitcast_convert_type3A_229, %bitcast_convert_type3A_238, %bitcast_convert_type3A_242, %bitcast_convert_type3A_251, %bitcast_convert_type3A_255, %bitcast_convert_type3A_264, %bitcast_convert_type3A_268, %bitcast_convert_type3A_277, %bitcast_convert_type3A_281, %bitcast_convert_type3A_290, %bitcast_convert_type3A_294, %bitcast_convert_type3A_303, %bitcast_convert_type3A_307, %bitcast_convert_type3A_316, %bitcast_convert_type3A_320, %bitcast_convert_type3A_329, %bitcast_convert_type3A_333, %bitcast_convert_type3A_342, %bitcast_convert_type3A_346, %bitcast_convert_type3A_355, %bitcast_convert_type3A_359, %bitcast_convert_type3A_368, %bitcast_convert_type3A_372, %bitcast_convert_type3A_381, %bitcast_convert_type3A_385, %bitcast_convert_type3A_394, %bitcast_convert_type3A_398, %bitcast_convert_type3A_407, %bitcast_convert_type3A_411, %bitcast_convert_type3A_420, %bitcast_convert_type3A_424, %bitcast_convert_type3A_433, %bitcast_convert_type3A_437, %bitcast_convert_type3A_446, %bitcast_convert_type3A_450, %bitcast_convert_type3A_459, %bitcast_convert_type3A_463, %bitcast_convert_type3A_472, %bitcast_convert_type3A_476, %bitcast_convert_type3A_485, %bitcast_convert_type3A_489, %bitcast_convert_type3A_498, %bitcast_convert_type3A_502, %bitcast_convert_type3A_511, %bitcast_convert_type3A_515, %bitcast_convert_type3A_524, %bitcast_convert_type3A_528, %bitcast_convert_type3A_537, %bitcast_convert_type3A_541, %bitcast_convert_type3A_550, %bitcast_convert_type3A_554, %bitcast_convert_type3A_563, %bitcast_convert_type3A_567, %bitcast_convert_type3A_576, %bitcast_convert_type3A_580, %bitcast_convert_type3A_589, %bitcast_convert_type3A_593, %bitcast_convert_type3A_602, %bitcast_convert_type3A_606, %bitcast_convert_type3A_615, %bitcast_convert_type3A_619, %bitcast_convert_type3A_628, %bitcast_convert_type3A_632, %bitcast_convert_type3A_641, %bitcast_convert_type3A_645, %bitcast_convert_type3A_654, %bitcast_convert_type3A_658, %bitcast_convert_type3A_667, %bitcast_convert_type3A_671, %bitcast_convert_type3A_680, %bitcast_convert_type3A_684, %bitcast_convert_type3A_693, %bitcast_convert_type3A_697, %bitcast_convert_type3A_706, %bitcast_convert_type3A_710, %bitcast_convert_type3A_719, %bitcast_convert_type3A_723, %bitcast_convert_type3A_732, %bitcast_convert_type3A_736, %bitcast_convert_type3A_745, %bitcast_convert_type3A_749, %bitcast_convert_type3A_758, %bitcast_convert_type3A_762, %bitcast_convert_type3A_771, %bitcast_convert_type3A_775, %bitcast_convert_type3A_784, %bitcast_convert_type3A_788, %bitcast_convert_type3A_797, %bitcast_convert_type3A_801, %bitcast_convert_type3A_810, %bitcast_convert_type3A_814, %bitcast_convert_type3A_823, %bitcast_convert_type3A_827, %bitcast_convert_type3A_836, %bitcast_convert_type3A_840 in 1 : vector<100x128xf32>, vector<100x128xf32>, vector<100x128xf32>, vector<100x128xf32>, vector<100x128xf32>, vector<100x128xf32>, vector<100x128xf32>, vector<100x128xf32>, vector<100x128xf32>, vector<100x128xf32>, vector<100x128xf32>, vector<100x128xf32>, vector<100x128xf32>, vector<100x128xf32>, vector<100x128xf32>, vector<100x128xf32>, vector<100x128xf32>, vector<100x128xf32>, vector<100x128xf32>, vector<100x128xf32>, vector<100x128xf32>, vector<100x128xf32>, vector<100x128xf32>, vector<100x128xf32>, vector<100x128xf32>, vector<100x128xf32>, vector<100x128xf32>, vector<100x128xf32>, vector<100x128xf32>, vector<100x128xf32>, vector<100x128xf32>, vector<100x128xf32>, vector<100x128xf32>, vector<100x128xf32>, vector<100x128xf32>, vector<100x128xf32>, vector<100x128xf32>, vector<100x128xf32>, vector<100x128xf32>, vector<100x128xf32>, vector<100x128xf32>, vector<100x128xf32>, vector<100x128xf32>, vector<100x128xf32>, vector<100x128xf32>, vector<100x128xf32>, vector<100x128xf32>, vector<100x128xf32>, vector<100x128xf32>, vector<100x128xf32>, vector<100x128xf32>, vector<100x128xf32>, vector<100x128xf32>, vector<100x128xf32>, vector<100x128xf32>, vector<100x128xf32>, vector<100x128xf32>, vector<100x128xf32>, vector<100x128xf32>, vector<100x128xf32>, vector<100x128xf32>, vector<100x128xf32>, vector<100x128xf32>, vector<100x128xf32>, vector<100x128xf32>, vector<100x128xf32>, vector<100x128xf32>, vector<100x128xf32>, vector<100x128xf32>, vector<100x128xf32>, vector<100x128xf32>, vector<100x128xf32>, vector<100x128xf32>, vector<100x128xf32>, vector<100x128xf32>, vector<100x128xf32>, vector<100x128xf32>, vector<100x128xf32>, vector<100x128xf32>, vector<100x128xf32>, vector<100x128xf32>, vector<100x128xf32>, vector<100x128xf32>, vector<100x128xf32>, vector<100x128xf32>, vector<100x128xf32>, vector<100x128xf32>, vector<100x128xf32>, vector<100x128xf32>, vector<100x128xf32>, vector<100x128xf32>, vector<100x128xf32>, vector<100x128xf32>, vector<100x128xf32>, vector<100x128xf32>, vector<100x128xf32>, vector<100x128xf32>, vector<100x128xf32>, vector<100x128xf32>, vector<100x128xf32>, vector<100x128xf32>, vector<100x128xf32>, vector<100x128xf32>, vector<100x128xf32>, vector<100x128xf32>, vector<100x128xf32>, vector<100x128xf32>, vector<100x128xf32>, vector<100x128xf32>, vector<100x128xf32>, vector<100x128xf32>, vector<100x128xf32>, vector<100x128xf32>, vector<100x128xf32>, vector<100x128xf32>, vector<100x128xf32>, vector<100x128xf32>, vector<100x128xf32>, vector<100x128xf32>, vector<100x128xf32>, vector<100x128xf32>, vector<100x128xf32>, vector<100x128xf32>, vector<100x128xf32>, vector<100x128xf32>, vector<100x128xf32>, vector<100x128xf32>, vector<100x128xf32> -> vector<100x16384xf32>
    %convert_element_type3A = arith.truncf %concatenate3A : vector<100x16384xf32> to vector<100x16384xbf16>
    %dot_general3A = arith.constant dense<0.000000e+00> : vector<128x16384xf32>
    %dot_general3A_841 = tpu.matmul %get3A_1, %convert_element_type3A, %dot_general3A {dimension_numbers = #tpu.dot_dimension_numbers<[1], [0], [0], [1], [0, 0, 1, 1], [], []>, transpose_lhs_hint = false} : vector<128x100xbf16>, vector<100x16384xbf16>, vector<128x16384xf32> -> vector<128x16384xf32>
    %get3A_842 = arith.constant 0 : index
    %get3A_843 = arith.constant 0 : index
    %get3A_844 = arith.constant 0 : index
    %get3A_845 = vector.load %arg2[%get3A_842, %get3A_843, %get3A_844] : memref<1x128x64xf32, #tpu.memory_space<vmem>>, vector<1x128x1xf32>
    %get3A_846 = vector.shape_cast %get3A_845 : vector<1x128x1xf32> to vector<128xf32>
    %broadcast_in_dim3A_847 = vector.shape_cast %get3A_846 : vector<128xf32> to vector<128x1xf32>
    %broadcast_in_dim3A_848 = vector.shape_cast %broadcast_in_dim3A_847 : vector<128x1xf32> to vector<128x1xf32>
    %broadcast_in_dim3A_849 = vector.broadcast %broadcast_in_dim3A_848 : vector<128x1xf32> to vector<128x256xf32>
    %get3A_850 = arith.constant 0 : index
    %get3A_851 = arith.constant 0 : index
    %get3A_852 = arith.constant 1 : index
    %get3A_853 = vector.load %arg2[%get3A_850, %get3A_851, %get3A_852] : memref<1x128x64xf32, #tpu.memory_space<vmem>>, vector<1x128x1xf32>
    %get3A_854 = vector.shape_cast %get3A_853 : vector<1x128x1xf32> to vector<128xf32>
    %broadcast_in_dim3A_855 = vector.shape_cast %get3A_854 : vector<128xf32> to vector<128x1xf32>
    %broadcast_in_dim3A_856 = vector.shape_cast %broadcast_in_dim3A_855 : vector<128x1xf32> to vector<128x1xf32>
    %broadcast_in_dim3A_857 = vector.broadcast %broadcast_in_dim3A_856 : vector<128x1xf32> to vector<128x256xf32>
    %get3A_858 = arith.constant 0 : index
    %get3A_859 = arith.constant 0 : index
    %get3A_860 = arith.constant 2 : index
    %get3A_861 = vector.load %arg2[%get3A_858, %get3A_859, %get3A_860] : memref<1x128x64xf32, #tpu.memory_space<vmem>>, vector<1x128x1xf32>
    %get3A_862 = vector.shape_cast %get3A_861 : vector<1x128x1xf32> to vector<128xf32>
    %broadcast_in_dim3A_863 = vector.shape_cast %get3A_862 : vector<128xf32> to vector<128x1xf32>
    %broadcast_in_dim3A_864 = vector.shape_cast %broadcast_in_dim3A_863 : vector<128x1xf32> to vector<128x1xf32>
    %broadcast_in_dim3A_865 = vector.broadcast %broadcast_in_dim3A_864 : vector<128x1xf32> to vector<128x256xf32>
    %get3A_866 = arith.constant 0 : index
    %get3A_867 = arith.constant 0 : index
    %get3A_868 = arith.constant 3 : index
    %get3A_869 = vector.load %arg2[%get3A_866, %get3A_867, %get3A_868] : memref<1x128x64xf32, #tpu.memory_space<vmem>>, vector<1x128x1xf32>
    %get3A_870 = vector.shape_cast %get3A_869 : vector<1x128x1xf32> to vector<128xf32>
    %broadcast_in_dim3A_871 = vector.shape_cast %get3A_870 : vector<128xf32> to vector<128x1xf32>
    %broadcast_in_dim3A_872 = vector.shape_cast %broadcast_in_dim3A_871 : vector<128x1xf32> to vector<128x1xf32>
    %broadcast_in_dim3A_873 = vector.broadcast %broadcast_in_dim3A_872 : vector<128x1xf32> to vector<128x256xf32>
    %get3A_874 = arith.constant 0 : index
    %get3A_875 = arith.constant 0 : index
    %get3A_876 = arith.constant 4 : index
    %get3A_877 = vector.load %arg2[%get3A_874, %get3A_875, %get3A_876] : memref<1x128x64xf32, #tpu.memory_space<vmem>>, vector<1x128x1xf32>
    %get3A_878 = vector.shape_cast %get3A_877 : vector<1x128x1xf32> to vector<128xf32>
    %broadcast_in_dim3A_879 = vector.shape_cast %get3A_878 : vector<128xf32> to vector<128x1xf32>
    %broadcast_in_dim3A_880 = vector.shape_cast %broadcast_in_dim3A_879 : vector<128x1xf32> to vector<128x1xf32>
    %broadcast_in_dim3A_881 = vector.broadcast %broadcast_in_dim3A_880 : vector<128x1xf32> to vector<128x256xf32>
    %get3A_882 = arith.constant 0 : index
    %get3A_883 = arith.constant 0 : index
    %get3A_884 = arith.constant 5 : index
    %get3A_885 = vector.load %arg2[%get3A_882, %get3A_883, %get3A_884] : memref<1x128x64xf32, #tpu.memory_space<vmem>>, vector<1x128x1xf32>
    %get3A_886 = vector.shape_cast %get3A_885 : vector<1x128x1xf32> to vector<128xf32>
    %broadcast_in_dim3A_887 = vector.shape_cast %get3A_886 : vector<128xf32> to vector<128x1xf32>
    %broadcast_in_dim3A_888 = vector.shape_cast %broadcast_in_dim3A_887 : vector<128x1xf32> to vector<128x1xf32>
    %broadcast_in_dim3A_889 = vector.broadcast %broadcast_in_dim3A_888 : vector<128x1xf32> to vector<128x256xf32>
    %get3A_890 = arith.constant 0 : index
    %get3A_891 = arith.constant 0 : index
    %get3A_892 = arith.constant 6 : index
    %get3A_893 = vector.load %arg2[%get3A_890, %get3A_891, %get3A_892] : memref<1x128x64xf32, #tpu.memory_space<vmem>>, vector<1x128x1xf32>
    %get3A_894 = vector.shape_cast %get3A_893 : vector<1x128x1xf32> to vector<128xf32>
    %broadcast_in_dim3A_895 = vector.shape_cast %get3A_894 : vector<128xf32> to vector<128x1xf32>
    %broadcast_in_dim3A_896 = vector.shape_cast %broadcast_in_dim3A_895 : vector<128x1xf32> to vector<128x1xf32>
    %broadcast_in_dim3A_897 = vector.broadcast %broadcast_in_dim3A_896 : vector<128x1xf32> to vector<128x256xf32>
    %get3A_898 = arith.constant 0 : index
    %get3A_899 = arith.constant 0 : index
    %get3A_900 = arith.constant 7 : index
    %get3A_901 = vector.load %arg2[%get3A_898, %get3A_899, %get3A_900] : memref<1x128x64xf32, #tpu.memory_space<vmem>>, vector<1x128x1xf32>
    %get3A_902 = vector.shape_cast %get3A_901 : vector<1x128x1xf32> to vector<128xf32>
    %broadcast_in_dim3A_903 = vector.shape_cast %get3A_902 : vector<128xf32> to vector<128x1xf32>
    %broadcast_in_dim3A_904 = vector.shape_cast %broadcast_in_dim3A_903 : vector<128x1xf32> to vector<128x1xf32>
    %broadcast_in_dim3A_905 = vector.broadcast %broadcast_in_dim3A_904 : vector<128x1xf32> to vector<128x256xf32>
    %get3A_906 = arith.constant 0 : index
    %get3A_907 = arith.constant 0 : index
    %get3A_908 = arith.constant 8 : index
    %get3A_909 = vector.load %arg2[%get3A_906, %get3A_907, %get3A_908] : memref<1x128x64xf32, #tpu.memory_space<vmem>>, vector<1x128x1xf32>
    %get3A_910 = vector.shape_cast %get3A_909 : vector<1x128x1xf32> to vector<128xf32>
    %broadcast_in_dim3A_911 = vector.shape_cast %get3A_910 : vector<128xf32> to vector<128x1xf32>
    %broadcast_in_dim3A_912 = vector.shape_cast %broadcast_in_dim3A_911 : vector<128x1xf32> to vector<128x1xf32>
    %broadcast_in_dim3A_913 = vector.broadcast %broadcast_in_dim3A_912 : vector<128x1xf32> to vector<128x256xf32>
    %get3A_914 = arith.constant 0 : index
    %get3A_915 = arith.constant 0 : index
    %get3A_916 = arith.constant 9 : index
    %get3A_917 = vector.load %arg2[%get3A_914, %get3A_915, %get3A_916] : memref<1x128x64xf32, #tpu.memory_space<vmem>>, vector<1x128x1xf32>
    %get3A_918 = vector.shape_cast %get3A_917 : vector<1x128x1xf32> to vector<128xf32>
    %broadcast_in_dim3A_919 = vector.shape_cast %get3A_918 : vector<128xf32> to vector<128x1xf32>
    %broadcast_in_dim3A_920 = vector.shape_cast %broadcast_in_dim3A_919 : vector<128x1xf32> to vector<128x1xf32>
    %broadcast_in_dim3A_921 = vector.broadcast %broadcast_in_dim3A_920 : vector<128x1xf32> to vector<128x256xf32>
    %get3A_922 = arith.constant 0 : index
    %get3A_923 = arith.constant 0 : index
    %get3A_924 = arith.constant 10 : index
    %get3A_925 = vector.load %arg2[%get3A_922, %get3A_923, %get3A_924] : memref<1x128x64xf32, #tpu.memory_space<vmem>>, vector<1x128x1xf32>
    %get3A_926 = vector.shape_cast %get3A_925 : vector<1x128x1xf32> to vector<128xf32>
    %broadcast_in_dim3A_927 = vector.shape_cast %get3A_926 : vector<128xf32> to vector<128x1xf32>
    %broadcast_in_dim3A_928 = vector.shape_cast %broadcast_in_dim3A_927 : vector<128x1xf32> to vector<128x1xf32>
    %broadcast_in_dim3A_929 = vector.broadcast %broadcast_in_dim3A_928 : vector<128x1xf32> to vector<128x256xf32>
    %get3A_930 = arith.constant 0 : index
    %get3A_931 = arith.constant 0 : index
    %get3A_932 = arith.constant 11 : index
    %get3A_933 = vector.load %arg2[%get3A_930, %get3A_931, %get3A_932] : memref<1x128x64xf32, #tpu.memory_space<vmem>>, vector<1x128x1xf32>
    %get3A_934 = vector.shape_cast %get3A_933 : vector<1x128x1xf32> to vector<128xf32>
    %broadcast_in_dim3A_935 = vector.shape_cast %get3A_934 : vector<128xf32> to vector<128x1xf32>
    %broadcast_in_dim3A_936 = vector.shape_cast %broadcast_in_dim3A_935 : vector<128x1xf32> to vector<128x1xf32>
    %broadcast_in_dim3A_937 = vector.broadcast %broadcast_in_dim3A_936 : vector<128x1xf32> to vector<128x256xf32>
    %get3A_938 = arith.constant 0 : index
    %get3A_939 = arith.constant 0 : index
    %get3A_940 = arith.constant 12 : index
    %get3A_941 = vector.load %arg2[%get3A_938, %get3A_939, %get3A_940] : memref<1x128x64xf32, #tpu.memory_space<vmem>>, vector<1x128x1xf32>
    %get3A_942 = vector.shape_cast %get3A_941 : vector<1x128x1xf32> to vector<128xf32>
    %broadcast_in_dim3A_943 = vector.shape_cast %get3A_942 : vector<128xf32> to vector<128x1xf32>
    %broadcast_in_dim3A_944 = vector.shape_cast %broadcast_in_dim3A_943 : vector<128x1xf32> to vector<128x1xf32>
    %broadcast_in_dim3A_945 = vector.broadcast %broadcast_in_dim3A_944 : vector<128x1xf32> to vector<128x256xf32>
    %get3A_946 = arith.constant 0 : index
    %get3A_947 = arith.constant 0 : index
    %get3A_948 = arith.constant 13 : index
    %get3A_949 = vector.load %arg2[%get3A_946, %get3A_947, %get3A_948] : memref<1x128x64xf32, #tpu.memory_space<vmem>>, vector<1x128x1xf32>
    %get3A_950 = vector.shape_cast %get3A_949 : vector<1x128x1xf32> to vector<128xf32>
    %broadcast_in_dim3A_951 = vector.shape_cast %get3A_950 : vector<128xf32> to vector<128x1xf32>
    %broadcast_in_dim3A_952 = vector.shape_cast %broadcast_in_dim3A_951 : vector<128x1xf32> to vector<128x1xf32>
    %broadcast_in_dim3A_953 = vector.broadcast %broadcast_in_dim3A_952 : vector<128x1xf32> to vector<128x256xf32>
    %get3A_954 = arith.constant 0 : index
    %get3A_955 = arith.constant 0 : index
    %get3A_956 = arith.constant 14 : index
    %get3A_957 = vector.load %arg2[%get3A_954, %get3A_955, %get3A_956] : memref<1x128x64xf32, #tpu.memory_space<vmem>>, vector<1x128x1xf32>
    %get3A_958 = vector.shape_cast %get3A_957 : vector<1x128x1xf32> to vector<128xf32>
    %broadcast_in_dim3A_959 = vector.shape_cast %get3A_958 : vector<128xf32> to vector<128x1xf32>
    %broadcast_in_dim3A_960 = vector.shape_cast %broadcast_in_dim3A_959 : vector<128x1xf32> to vector<128x1xf32>
    %broadcast_in_dim3A_961 = vector.broadcast %broadcast_in_dim3A_960 : vector<128x1xf32> to vector<128x256xf32>
    %get3A_962 = arith.constant 0 : index
    %get3A_963 = arith.constant 0 : index
    %get3A_964 = arith.constant 15 : index
    %get3A_965 = vector.load %arg2[%get3A_962, %get3A_963, %get3A_964] : memref<1x128x64xf32, #tpu.memory_space<vmem>>, vector<1x128x1xf32>
    %get3A_966 = vector.shape_cast %get3A_965 : vector<1x128x1xf32> to vector<128xf32>
    %broadcast_in_dim3A_967 = vector.shape_cast %get3A_966 : vector<128xf32> to vector<128x1xf32>
    %broadcast_in_dim3A_968 = vector.shape_cast %broadcast_in_dim3A_967 : vector<128x1xf32> to vector<128x1xf32>
    %broadcast_in_dim3A_969 = vector.broadcast %broadcast_in_dim3A_968 : vector<128x1xf32> to vector<128x256xf32>
    %get3A_970 = arith.constant 0 : index
    %get3A_971 = arith.constant 0 : index
    %get3A_972 = arith.constant 16 : index
    %get3A_973 = vector.load %arg2[%get3A_970, %get3A_971, %get3A_972] : memref<1x128x64xf32, #tpu.memory_space<vmem>>, vector<1x128x1xf32>
    %get3A_974 = vector.shape_cast %get3A_973 : vector<1x128x1xf32> to vector<128xf32>
    %broadcast_in_dim3A_975 = vector.shape_cast %get3A_974 : vector<128xf32> to vector<128x1xf32>
    %broadcast_in_dim3A_976 = vector.shape_cast %broadcast_in_dim3A_975 : vector<128x1xf32> to vector<128x1xf32>
    %broadcast_in_dim3A_977 = vector.broadcast %broadcast_in_dim3A_976 : vector<128x1xf32> to vector<128x256xf32>
    %get3A_978 = arith.constant 0 : index
    %get3A_979 = arith.constant 0 : index
    %get3A_980 = arith.constant 17 : index
    %get3A_981 = vector.load %arg2[%get3A_978, %get3A_979, %get3A_980] : memref<1x128x64xf32, #tpu.memory_space<vmem>>, vector<1x128x1xf32>
    %get3A_982 = vector.shape_cast %get3A_981 : vector<1x128x1xf32> to vector<128xf32>
    %broadcast_in_dim3A_983 = vector.shape_cast %get3A_982 : vector<128xf32> to vector<128x1xf32>
    %broadcast_in_dim3A_984 = vector.shape_cast %broadcast_in_dim3A_983 : vector<128x1xf32> to vector<128x1xf32>
    %broadcast_in_dim3A_985 = vector.broadcast %broadcast_in_dim3A_984 : vector<128x1xf32> to vector<128x256xf32>
    %get3A_986 = arith.constant 0 : index
    %get3A_987 = arith.constant 0 : index
    %get3A_988 = arith.constant 18 : index
    %get3A_989 = vector.load %arg2[%get3A_986, %get3A_987, %get3A_988] : memref<1x128x64xf32, #tpu.memory_space<vmem>>, vector<1x128x1xf32>
    %get3A_990 = vector.shape_cast %get3A_989 : vector<1x128x1xf32> to vector<128xf32>
    %broadcast_in_dim3A_991 = vector.shape_cast %get3A_990 : vector<128xf32> to vector<128x1xf32>
    %broadcast_in_dim3A_992 = vector.shape_cast %broadcast_in_dim3A_991 : vector<128x1xf32> to vector<128x1xf32>
    %broadcast_in_dim3A_993 = vector.broadcast %broadcast_in_dim3A_992 : vector<128x1xf32> to vector<128x256xf32>
    %get3A_994 = arith.constant 0 : index
    %get3A_995 = arith.constant 0 : index
    %get3A_996 = arith.constant 19 : index
    %get3A_997 = vector.load %arg2[%get3A_994, %get3A_995, %get3A_996] : memref<1x128x64xf32, #tpu.memory_space<vmem>>, vector<1x128x1xf32>
    %get3A_998 = vector.shape_cast %get3A_997 : vector<1x128x1xf32> to vector<128xf32>
    %broadcast_in_dim3A_999 = vector.shape_cast %get3A_998 : vector<128xf32> to vector<128x1xf32>
    %broadcast_in_dim3A_1000 = vector.shape_cast %broadcast_in_dim3A_999 : vector<128x1xf32> to vector<128x1xf32>
    %broadcast_in_dim3A_1001 = vector.broadcast %broadcast_in_dim3A_1000 : vector<128x1xf32> to vector<128x256xf32>
    %get3A_1002 = arith.constant 0 : index
    %get3A_1003 = arith.constant 0 : index
    %get3A_1004 = arith.constant 20 : index
    %get3A_1005 = vector.load %arg2[%get3A_1002, %get3A_1003, %get3A_1004] : memref<1x128x64xf32, #tpu.memory_space<vmem>>, vector<1x128x1xf32>
    %get3A_1006 = vector.shape_cast %get3A_1005 : vector<1x128x1xf32> to vector<128xf32>
    %broadcast_in_dim3A_1007 = vector.shape_cast %get3A_1006 : vector<128xf32> to vector<128x1xf32>
    %broadcast_in_dim3A_1008 = vector.shape_cast %broadcast_in_dim3A_1007 : vector<128x1xf32> to vector<128x1xf32>
    %broadcast_in_dim3A_1009 = vector.broadcast %broadcast_in_dim3A_1008 : vector<128x1xf32> to vector<128x256xf32>
    %get3A_1010 = arith.constant 0 : index
    %get3A_1011 = arith.constant 0 : index
    %get3A_1012 = arith.constant 21 : index
    %get3A_1013 = vector.load %arg2[%get3A_1010, %get3A_1011, %get3A_1012] : memref<1x128x64xf32, #tpu.memory_space<vmem>>, vector<1x128x1xf32>
    %get3A_1014 = vector.shape_cast %get3A_1013 : vector<1x128x1xf32> to vector<128xf32>
    %broadcast_in_dim3A_1015 = vector.shape_cast %get3A_1014 : vector<128xf32> to vector<128x1xf32>
    %broadcast_in_dim3A_1016 = vector.shape_cast %broadcast_in_dim3A_1015 : vector<128x1xf32> to vector<128x1xf32>
    %broadcast_in_dim3A_1017 = vector.broadcast %broadcast_in_dim3A_1016 : vector<128x1xf32> to vector<128x256xf32>
    %get3A_1018 = arith.constant 0 : index
    %get3A_1019 = arith.constant 0 : index
    %get3A_1020 = arith.constant 22 : index
    %get3A_1021 = vector.load %arg2[%get3A_1018, %get3A_1019, %get3A_1020] : memref<1x128x64xf32, #tpu.memory_space<vmem>>, vector<1x128x1xf32>
    %get3A_1022 = vector.shape_cast %get3A_1021 : vector<1x128x1xf32> to vector<128xf32>
    %broadcast_in_dim3A_1023 = vector.shape_cast %get3A_1022 : vector<128xf32> to vector<128x1xf32>
    %broadcast_in_dim3A_1024 = vector.shape_cast %broadcast_in_dim3A_1023 : vector<128x1xf32> to vector<128x1xf32>
    %broadcast_in_dim3A_1025 = vector.broadcast %broadcast_in_dim3A_1024 : vector<128x1xf32> to vector<128x256xf32>
    %get3A_1026 = arith.constant 0 : index
    %get3A_1027 = arith.constant 0 : index
    %get3A_1028 = arith.constant 23 : index
    %get3A_1029 = vector.load %arg2[%get3A_1026, %get3A_1027, %get3A_1028] : memref<1x128x64xf32, #tpu.memory_space<vmem>>, vector<1x128x1xf32>
    %get3A_1030 = vector.shape_cast %get3A_1029 : vector<1x128x1xf32> to vector<128xf32>
    %broadcast_in_dim3A_1031 = vector.shape_cast %get3A_1030 : vector<128xf32> to vector<128x1xf32>
    %broadcast_in_dim3A_1032 = vector.shape_cast %broadcast_in_dim3A_1031 : vector<128x1xf32> to vector<128x1xf32>
    %broadcast_in_dim3A_1033 = vector.broadcast %broadcast_in_dim3A_1032 : vector<128x1xf32> to vector<128x256xf32>
    %get3A_1034 = arith.constant 0 : index
    %get3A_1035 = arith.constant 0 : index
    %get3A_1036 = arith.constant 24 : index
    %get3A_1037 = vector.load %arg2[%get3A_1034, %get3A_1035, %get3A_1036] : memref<1x128x64xf32, #tpu.memory_space<vmem>>, vector<1x128x1xf32>
    %get3A_1038 = vector.shape_cast %get3A_1037 : vector<1x128x1xf32> to vector<128xf32>
    %broadcast_in_dim3A_1039 = vector.shape_cast %get3A_1038 : vector<128xf32> to vector<128x1xf32>
    %broadcast_in_dim3A_1040 = vector.shape_cast %broadcast_in_dim3A_1039 : vector<128x1xf32> to vector<128x1xf32>
    %broadcast_in_dim3A_1041 = vector.broadcast %broadcast_in_dim3A_1040 : vector<128x1xf32> to vector<128x256xf32>
    %get3A_1042 = arith.constant 0 : index
    %get3A_1043 = arith.constant 0 : index
    %get3A_1044 = arith.constant 25 : index
    %get3A_1045 = vector.load %arg2[%get3A_1042, %get3A_1043, %get3A_1044] : memref<1x128x64xf32, #tpu.memory_space<vmem>>, vector<1x128x1xf32>
    %get3A_1046 = vector.shape_cast %get3A_1045 : vector<1x128x1xf32> to vector<128xf32>
    %broadcast_in_dim3A_1047 = vector.shape_cast %get3A_1046 : vector<128xf32> to vector<128x1xf32>
    %broadcast_in_dim3A_1048 = vector.shape_cast %broadcast_in_dim3A_1047 : vector<128x1xf32> to vector<128x1xf32>
    %broadcast_in_dim3A_1049 = vector.broadcast %broadcast_in_dim3A_1048 : vector<128x1xf32> to vector<128x256xf32>
    %get3A_1050 = arith.constant 0 : index
    %get3A_1051 = arith.constant 0 : index
    %get3A_1052 = arith.constant 26 : index
    %get3A_1053 = vector.load %arg2[%get3A_1050, %get3A_1051, %get3A_1052] : memref<1x128x64xf32, #tpu.memory_space<vmem>>, vector<1x128x1xf32>
    %get3A_1054 = vector.shape_cast %get3A_1053 : vector<1x128x1xf32> to vector<128xf32>
    %broadcast_in_dim3A_1055 = vector.shape_cast %get3A_1054 : vector<128xf32> to vector<128x1xf32>
    %broadcast_in_dim3A_1056 = vector.shape_cast %broadcast_in_dim3A_1055 : vector<128x1xf32> to vector<128x1xf32>
    %broadcast_in_dim3A_1057 = vector.broadcast %broadcast_in_dim3A_1056 : vector<128x1xf32> to vector<128x256xf32>
    %get3A_1058 = arith.constant 0 : index
    %get3A_1059 = arith.constant 0 : index
    %get3A_1060 = arith.constant 27 : index
    %get3A_1061 = vector.load %arg2[%get3A_1058, %get3A_1059, %get3A_1060] : memref<1x128x64xf32, #tpu.memory_space<vmem>>, vector<1x128x1xf32>
    %get3A_1062 = vector.shape_cast %get3A_1061 : vector<1x128x1xf32> to vector<128xf32>
    %broadcast_in_dim3A_1063 = vector.shape_cast %get3A_1062 : vector<128xf32> to vector<128x1xf32>
    %broadcast_in_dim3A_1064 = vector.shape_cast %broadcast_in_dim3A_1063 : vector<128x1xf32> to vector<128x1xf32>
    %broadcast_in_dim3A_1065 = vector.broadcast %broadcast_in_dim3A_1064 : vector<128x1xf32> to vector<128x256xf32>
    %get3A_1066 = arith.constant 0 : index
    %get3A_1067 = arith.constant 0 : index
    %get3A_1068 = arith.constant 28 : index
    %get3A_1069 = vector.load %arg2[%get3A_1066, %get3A_1067, %get3A_1068] : memref<1x128x64xf32, #tpu.memory_space<vmem>>, vector<1x128x1xf32>
    %get3A_1070 = vector.shape_cast %get3A_1069 : vector<1x128x1xf32> to vector<128xf32>
    %broadcast_in_dim3A_1071 = vector.shape_cast %get3A_1070 : vector<128xf32> to vector<128x1xf32>
    %broadcast_in_dim3A_1072 = vector.shape_cast %broadcast_in_dim3A_1071 : vector<128x1xf32> to vector<128x1xf32>
    %broadcast_in_dim3A_1073 = vector.broadcast %broadcast_in_dim3A_1072 : vector<128x1xf32> to vector<128x256xf32>
    %get3A_1074 = arith.constant 0 : index
    %get3A_1075 = arith.constant 0 : index
    %get3A_1076 = arith.constant 29 : index
    %get3A_1077 = vector.load %arg2[%get3A_1074, %get3A_1075, %get3A_1076] : memref<1x128x64xf32, #tpu.memory_space<vmem>>, vector<1x128x1xf32>
    %get3A_1078 = vector.shape_cast %get3A_1077 : vector<1x128x1xf32> to vector<128xf32>
    %broadcast_in_dim3A_1079 = vector.shape_cast %get3A_1078 : vector<128xf32> to vector<128x1xf32>
    %broadcast_in_dim3A_1080 = vector.shape_cast %broadcast_in_dim3A_1079 : vector<128x1xf32> to vector<128x1xf32>
    %broadcast_in_dim3A_1081 = vector.broadcast %broadcast_in_dim3A_1080 : vector<128x1xf32> to vector<128x256xf32>
    %get3A_1082 = arith.constant 0 : index
    %get3A_1083 = arith.constant 0 : index
    %get3A_1084 = arith.constant 30 : index
    %get3A_1085 = vector.load %arg2[%get3A_1082, %get3A_1083, %get3A_1084] : memref<1x128x64xf32, #tpu.memory_space<vmem>>, vector<1x128x1xf32>
    %get3A_1086 = vector.shape_cast %get3A_1085 : vector<1x128x1xf32> to vector<128xf32>
    %broadcast_in_dim3A_1087 = vector.shape_cast %get3A_1086 : vector<128xf32> to vector<128x1xf32>
    %broadcast_in_dim3A_1088 = vector.shape_cast %broadcast_in_dim3A_1087 : vector<128x1xf32> to vector<128x1xf32>
    %broadcast_in_dim3A_1089 = vector.broadcast %broadcast_in_dim3A_1088 : vector<128x1xf32> to vector<128x256xf32>
    %get3A_1090 = arith.constant 0 : index
    %get3A_1091 = arith.constant 0 : index
    %get3A_1092 = arith.constant 31 : index
    %get3A_1093 = vector.load %arg2[%get3A_1090, %get3A_1091, %get3A_1092] : memref<1x128x64xf32, #tpu.memory_space<vmem>>, vector<1x128x1xf32>
    %get3A_1094 = vector.shape_cast %get3A_1093 : vector<1x128x1xf32> to vector<128xf32>
    %broadcast_in_dim3A_1095 = vector.shape_cast %get3A_1094 : vector<128xf32> to vector<128x1xf32>
    %broadcast_in_dim3A_1096 = vector.shape_cast %broadcast_in_dim3A_1095 : vector<128x1xf32> to vector<128x1xf32>
    %broadcast_in_dim3A_1097 = vector.broadcast %broadcast_in_dim3A_1096 : vector<128x1xf32> to vector<128x256xf32>
    %get3A_1098 = arith.constant 0 : index
    %get3A_1099 = arith.constant 0 : index
    %get3A_1100 = arith.constant 32 : index
    %get3A_1101 = vector.load %arg2[%get3A_1098, %get3A_1099, %get3A_1100] : memref<1x128x64xf32, #tpu.memory_space<vmem>>, vector<1x128x1xf32>
    %get3A_1102 = vector.shape_cast %get3A_1101 : vector<1x128x1xf32> to vector<128xf32>
    %broadcast_in_dim3A_1103 = vector.shape_cast %get3A_1102 : vector<128xf32> to vector<128x1xf32>
    %broadcast_in_dim3A_1104 = vector.shape_cast %broadcast_in_dim3A_1103 : vector<128x1xf32> to vector<128x1xf32>
    %broadcast_in_dim3A_1105 = vector.broadcast %broadcast_in_dim3A_1104 : vector<128x1xf32> to vector<128x256xf32>
    %get3A_1106 = arith.constant 0 : index
    %get3A_1107 = arith.constant 0 : index
    %get3A_1108 = arith.constant 33 : index
    %get3A_1109 = vector.load %arg2[%get3A_1106, %get3A_1107, %get3A_1108] : memref<1x128x64xf32, #tpu.memory_space<vmem>>, vector<1x128x1xf32>
    %get3A_1110 = vector.shape_cast %get3A_1109 : vector<1x128x1xf32> to vector<128xf32>
    %broadcast_in_dim3A_1111 = vector.shape_cast %get3A_1110 : vector<128xf32> to vector<128x1xf32>
    %broadcast_in_dim3A_1112 = vector.shape_cast %broadcast_in_dim3A_1111 : vector<128x1xf32> to vector<128x1xf32>
    %broadcast_in_dim3A_1113 = vector.broadcast %broadcast_in_dim3A_1112 : vector<128x1xf32> to vector<128x256xf32>
    %get3A_1114 = arith.constant 0 : index
    %get3A_1115 = arith.constant 0 : index
    %get3A_1116 = arith.constant 34 : index
    %get3A_1117 = vector.load %arg2[%get3A_1114, %get3A_1115, %get3A_1116] : memref<1x128x64xf32, #tpu.memory_space<vmem>>, vector<1x128x1xf32>
    %get3A_1118 = vector.shape_cast %get3A_1117 : vector<1x128x1xf32> to vector<128xf32>
    %broadcast_in_dim3A_1119 = vector.shape_cast %get3A_1118 : vector<128xf32> to vector<128x1xf32>
    %broadcast_in_dim3A_1120 = vector.shape_cast %broadcast_in_dim3A_1119 : vector<128x1xf32> to vector<128x1xf32>
    %broadcast_in_dim3A_1121 = vector.broadcast %broadcast_in_dim3A_1120 : vector<128x1xf32> to vector<128x256xf32>
    %get3A_1122 = arith.constant 0 : index
    %get3A_1123 = arith.constant 0 : index
    %get3A_1124 = arith.constant 35 : index
    %get3A_1125 = vector.load %arg2[%get3A_1122, %get3A_1123, %get3A_1124] : memref<1x128x64xf32, #tpu.memory_space<vmem>>, vector<1x128x1xf32>
    %get3A_1126 = vector.shape_cast %get3A_1125 : vector<1x128x1xf32> to vector<128xf32>
    %broadcast_in_dim3A_1127 = vector.shape_cast %get3A_1126 : vector<128xf32> to vector<128x1xf32>
    %broadcast_in_dim3A_1128 = vector.shape_cast %broadcast_in_dim3A_1127 : vector<128x1xf32> to vector<128x1xf32>
    %broadcast_in_dim3A_1129 = vector.broadcast %broadcast_in_dim3A_1128 : vector<128x1xf32> to vector<128x256xf32>
    %get3A_1130 = arith.constant 0 : index
    %get3A_1131 = arith.constant 0 : index
    %get3A_1132 = arith.constant 36 : index
    %get3A_1133 = vector.load %arg2[%get3A_1130, %get3A_1131, %get3A_1132] : memref<1x128x64xf32, #tpu.memory_space<vmem>>, vector<1x128x1xf32>
    %get3A_1134 = vector.shape_cast %get3A_1133 : vector<1x128x1xf32> to vector<128xf32>
    %broadcast_in_dim3A_1135 = vector.shape_cast %get3A_1134 : vector<128xf32> to vector<128x1xf32>
    %broadcast_in_dim3A_1136 = vector.shape_cast %broadcast_in_dim3A_1135 : vector<128x1xf32> to vector<128x1xf32>
    %broadcast_in_dim3A_1137 = vector.broadcast %broadcast_in_dim3A_1136 : vector<128x1xf32> to vector<128x256xf32>
    %get3A_1138 = arith.constant 0 : index
    %get3A_1139 = arith.constant 0 : index
    %get3A_1140 = arith.constant 37 : index
    %get3A_1141 = vector.load %arg2[%get3A_1138, %get3A_1139, %get3A_1140] : memref<1x128x64xf32, #tpu.memory_space<vmem>>, vector<1x128x1xf32>
    %get3A_1142 = vector.shape_cast %get3A_1141 : vector<1x128x1xf32> to vector<128xf32>
    %broadcast_in_dim3A_1143 = vector.shape_cast %get3A_1142 : vector<128xf32> to vector<128x1xf32>
    %broadcast_in_dim3A_1144 = vector.shape_cast %broadcast_in_dim3A_1143 : vector<128x1xf32> to vector<128x1xf32>
    %broadcast_in_dim3A_1145 = vector.broadcast %broadcast_in_dim3A_1144 : vector<128x1xf32> to vector<128x256xf32>
    %get3A_1146 = arith.constant 0 : index
    %get3A_1147 = arith.constant 0 : index
    %get3A_1148 = arith.constant 38 : index
    %get3A_1149 = vector.load %arg2[%get3A_1146, %get3A_1147, %get3A_1148] : memref<1x128x64xf32, #tpu.memory_space<vmem>>, vector<1x128x1xf32>
    %get3A_1150 = vector.shape_cast %get3A_1149 : vector<1x128x1xf32> to vector<128xf32>
    %broadcast_in_dim3A_1151 = vector.shape_cast %get3A_1150 : vector<128xf32> to vector<128x1xf32>
    %broadcast_in_dim3A_1152 = vector.shape_cast %broadcast_in_dim3A_1151 : vector<128x1xf32> to vector<128x1xf32>
    %broadcast_in_dim3A_1153 = vector.broadcast %broadcast_in_dim3A_1152 : vector<128x1xf32> to vector<128x256xf32>
    %get3A_1154 = arith.constant 0 : index
    %get3A_1155 = arith.constant 0 : index
    %get3A_1156 = arith.constant 39 : index
    %get3A_1157 = vector.load %arg2[%get3A_1154, %get3A_1155, %get3A_1156] : memref<1x128x64xf32, #tpu.memory_space<vmem>>, vector<1x128x1xf32>
    %get3A_1158 = vector.shape_cast %get3A_1157 : vector<1x128x1xf32> to vector<128xf32>
    %broadcast_in_dim3A_1159 = vector.shape_cast %get3A_1158 : vector<128xf32> to vector<128x1xf32>
    %broadcast_in_dim3A_1160 = vector.shape_cast %broadcast_in_dim3A_1159 : vector<128x1xf32> to vector<128x1xf32>
    %broadcast_in_dim3A_1161 = vector.broadcast %broadcast_in_dim3A_1160 : vector<128x1xf32> to vector<128x256xf32>
    %get3A_1162 = arith.constant 0 : index
    %get3A_1163 = arith.constant 0 : index
    %get3A_1164 = arith.constant 40 : index
    %get3A_1165 = vector.load %arg2[%get3A_1162, %get3A_1163, %get3A_1164] : memref<1x128x64xf32, #tpu.memory_space<vmem>>, vector<1x128x1xf32>
    %get3A_1166 = vector.shape_cast %get3A_1165 : vector<1x128x1xf32> to vector<128xf32>
    %broadcast_in_dim3A_1167 = vector.shape_cast %get3A_1166 : vector<128xf32> to vector<128x1xf32>
    %broadcast_in_dim3A_1168 = vector.shape_cast %broadcast_in_dim3A_1167 : vector<128x1xf32> to vector<128x1xf32>
    %broadcast_in_dim3A_1169 = vector.broadcast %broadcast_in_dim3A_1168 : vector<128x1xf32> to vector<128x256xf32>
    %get3A_1170 = arith.constant 0 : index
    %get3A_1171 = arith.constant 0 : index
    %get3A_1172 = arith.constant 41 : index
    %get3A_1173 = vector.load %arg2[%get3A_1170, %get3A_1171, %get3A_1172] : memref<1x128x64xf32, #tpu.memory_space<vmem>>, vector<1x128x1xf32>
    %get3A_1174 = vector.shape_cast %get3A_1173 : vector<1x128x1xf32> to vector<128xf32>
    %broadcast_in_dim3A_1175 = vector.shape_cast %get3A_1174 : vector<128xf32> to vector<128x1xf32>
    %broadcast_in_dim3A_1176 = vector.shape_cast %broadcast_in_dim3A_1175 : vector<128x1xf32> to vector<128x1xf32>
    %broadcast_in_dim3A_1177 = vector.broadcast %broadcast_in_dim3A_1176 : vector<128x1xf32> to vector<128x256xf32>
    %get3A_1178 = arith.constant 0 : index
    %get3A_1179 = arith.constant 0 : index
    %get3A_1180 = arith.constant 42 : index
    %get3A_1181 = vector.load %arg2[%get3A_1178, %get3A_1179, %get3A_1180] : memref<1x128x64xf32, #tpu.memory_space<vmem>>, vector<1x128x1xf32>
    %get3A_1182 = vector.shape_cast %get3A_1181 : vector<1x128x1xf32> to vector<128xf32>
    %broadcast_in_dim3A_1183 = vector.shape_cast %get3A_1182 : vector<128xf32> to vector<128x1xf32>
    %broadcast_in_dim3A_1184 = vector.shape_cast %broadcast_in_dim3A_1183 : vector<128x1xf32> to vector<128x1xf32>
    %broadcast_in_dim3A_1185 = vector.broadcast %broadcast_in_dim3A_1184 : vector<128x1xf32> to vector<128x256xf32>
    %get3A_1186 = arith.constant 0 : index
    %get3A_1187 = arith.constant 0 : index
    %get3A_1188 = arith.constant 43 : index
    %get3A_1189 = vector.load %arg2[%get3A_1186, %get3A_1187, %get3A_1188] : memref<1x128x64xf32, #tpu.memory_space<vmem>>, vector<1x128x1xf32>
    %get3A_1190 = vector.shape_cast %get3A_1189 : vector<1x128x1xf32> to vector<128xf32>
    %broadcast_in_dim3A_1191 = vector.shape_cast %get3A_1190 : vector<128xf32> to vector<128x1xf32>
    %broadcast_in_dim3A_1192 = vector.shape_cast %broadcast_in_dim3A_1191 : vector<128x1xf32> to vector<128x1xf32>
    %broadcast_in_dim3A_1193 = vector.broadcast %broadcast_in_dim3A_1192 : vector<128x1xf32> to vector<128x256xf32>
    %get3A_1194 = arith.constant 0 : index
    %get3A_1195 = arith.constant 0 : index
    %get3A_1196 = arith.constant 44 : index
    %get3A_1197 = vector.load %arg2[%get3A_1194, %get3A_1195, %get3A_1196] : memref<1x128x64xf32, #tpu.memory_space<vmem>>, vector<1x128x1xf32>
    %get3A_1198 = vector.shape_cast %get3A_1197 : vector<1x128x1xf32> to vector<128xf32>
    %broadcast_in_dim3A_1199 = vector.shape_cast %get3A_1198 : vector<128xf32> to vector<128x1xf32>
    %broadcast_in_dim3A_1200 = vector.shape_cast %broadcast_in_dim3A_1199 : vector<128x1xf32> to vector<128x1xf32>
    %broadcast_in_dim3A_1201 = vector.broadcast %broadcast_in_dim3A_1200 : vector<128x1xf32> to vector<128x256xf32>
    %get3A_1202 = arith.constant 0 : index
    %get3A_1203 = arith.constant 0 : index
    %get3A_1204 = arith.constant 45 : index
    %get3A_1205 = vector.load %arg2[%get3A_1202, %get3A_1203, %get3A_1204] : memref<1x128x64xf32, #tpu.memory_space<vmem>>, vector<1x128x1xf32>
    %get3A_1206 = vector.shape_cast %get3A_1205 : vector<1x128x1xf32> to vector<128xf32>
    %broadcast_in_dim3A_1207 = vector.shape_cast %get3A_1206 : vector<128xf32> to vector<128x1xf32>
    %broadcast_in_dim3A_1208 = vector.shape_cast %broadcast_in_dim3A_1207 : vector<128x1xf32> to vector<128x1xf32>
    %broadcast_in_dim3A_1209 = vector.broadcast %broadcast_in_dim3A_1208 : vector<128x1xf32> to vector<128x256xf32>
    %get3A_1210 = arith.constant 0 : index
    %get3A_1211 = arith.constant 0 : index
    %get3A_1212 = arith.constant 46 : index
    %get3A_1213 = vector.load %arg2[%get3A_1210, %get3A_1211, %get3A_1212] : memref<1x128x64xf32, #tpu.memory_space<vmem>>, vector<1x128x1xf32>
    %get3A_1214 = vector.shape_cast %get3A_1213 : vector<1x128x1xf32> to vector<128xf32>
    %broadcast_in_dim3A_1215 = vector.shape_cast %get3A_1214 : vector<128xf32> to vector<128x1xf32>
    %broadcast_in_dim3A_1216 = vector.shape_cast %broadcast_in_dim3A_1215 : vector<128x1xf32> to vector<128x1xf32>
    %broadcast_in_dim3A_1217 = vector.broadcast %broadcast_in_dim3A_1216 : vector<128x1xf32> to vector<128x256xf32>
    %get3A_1218 = arith.constant 0 : index
    %get3A_1219 = arith.constant 0 : index
    %get3A_1220 = arith.constant 47 : index
    %get3A_1221 = vector.load %arg2[%get3A_1218, %get3A_1219, %get3A_1220] : memref<1x128x64xf32, #tpu.memory_space<vmem>>, vector<1x128x1xf32>
    %get3A_1222 = vector.shape_cast %get3A_1221 : vector<1x128x1xf32> to vector<128xf32>
    %broadcast_in_dim3A_1223 = vector.shape_cast %get3A_1222 : vector<128xf32> to vector<128x1xf32>
    %broadcast_in_dim3A_1224 = vector.shape_cast %broadcast_in_dim3A_1223 : vector<128x1xf32> to vector<128x1xf32>
    %broadcast_in_dim3A_1225 = vector.broadcast %broadcast_in_dim3A_1224 : vector<128x1xf32> to vector<128x256xf32>
    %get3A_1226 = arith.constant 0 : index
    %get3A_1227 = arith.constant 0 : index
    %get3A_1228 = arith.constant 48 : index
    %get3A_1229 = vector.load %arg2[%get3A_1226, %get3A_1227, %get3A_1228] : memref<1x128x64xf32, #tpu.memory_space<vmem>>, vector<1x128x1xf32>
    %get3A_1230 = vector.shape_cast %get3A_1229 : vector<1x128x1xf32> to vector<128xf32>
    %broadcast_in_dim3A_1231 = vector.shape_cast %get3A_1230 : vector<128xf32> to vector<128x1xf32>
    %broadcast_in_dim3A_1232 = vector.shape_cast %broadcast_in_dim3A_1231 : vector<128x1xf32> to vector<128x1xf32>
    %broadcast_in_dim3A_1233 = vector.broadcast %broadcast_in_dim3A_1232 : vector<128x1xf32> to vector<128x256xf32>
    %get3A_1234 = arith.constant 0 : index
    %get3A_1235 = arith.constant 0 : index
    %get3A_1236 = arith.constant 49 : index
    %get3A_1237 = vector.load %arg2[%get3A_1234, %get3A_1235, %get3A_1236] : memref<1x128x64xf32, #tpu.memory_space<vmem>>, vector<1x128x1xf32>
    %get3A_1238 = vector.shape_cast %get3A_1237 : vector<1x128x1xf32> to vector<128xf32>
    %broadcast_in_dim3A_1239 = vector.shape_cast %get3A_1238 : vector<128xf32> to vector<128x1xf32>
    %broadcast_in_dim3A_1240 = vector.shape_cast %broadcast_in_dim3A_1239 : vector<128x1xf32> to vector<128x1xf32>
    %broadcast_in_dim3A_1241 = vector.broadcast %broadcast_in_dim3A_1240 : vector<128x1xf32> to vector<128x256xf32>
    %get3A_1242 = arith.constant 0 : index
    %get3A_1243 = arith.constant 0 : index
    %get3A_1244 = arith.constant 50 : index
    %get3A_1245 = vector.load %arg2[%get3A_1242, %get3A_1243, %get3A_1244] : memref<1x128x64xf32, #tpu.memory_space<vmem>>, vector<1x128x1xf32>
    %get3A_1246 = vector.shape_cast %get3A_1245 : vector<1x128x1xf32> to vector<128xf32>
    %broadcast_in_dim3A_1247 = vector.shape_cast %get3A_1246 : vector<128xf32> to vector<128x1xf32>
    %broadcast_in_dim3A_1248 = vector.shape_cast %broadcast_in_dim3A_1247 : vector<128x1xf32> to vector<128x1xf32>
    %broadcast_in_dim3A_1249 = vector.broadcast %broadcast_in_dim3A_1248 : vector<128x1xf32> to vector<128x256xf32>
    %get3A_1250 = arith.constant 0 : index
    %get3A_1251 = arith.constant 0 : index
    %get3A_1252 = arith.constant 51 : index
    %get3A_1253 = vector.load %arg2[%get3A_1250, %get3A_1251, %get3A_1252] : memref<1x128x64xf32, #tpu.memory_space<vmem>>, vector<1x128x1xf32>
    %get3A_1254 = vector.shape_cast %get3A_1253 : vector<1x128x1xf32> to vector<128xf32>
    %broadcast_in_dim3A_1255 = vector.shape_cast %get3A_1254 : vector<128xf32> to vector<128x1xf32>
    %broadcast_in_dim3A_1256 = vector.shape_cast %broadcast_in_dim3A_1255 : vector<128x1xf32> to vector<128x1xf32>
    %broadcast_in_dim3A_1257 = vector.broadcast %broadcast_in_dim3A_1256 : vector<128x1xf32> to vector<128x256xf32>
    %get3A_1258 = arith.constant 0 : index
    %get3A_1259 = arith.constant 0 : index
    %get3A_1260 = arith.constant 52 : index
    %get3A_1261 = vector.load %arg2[%get3A_1258, %get3A_1259, %get3A_1260] : memref<1x128x64xf32, #tpu.memory_space<vmem>>, vector<1x128x1xf32>
    %get3A_1262 = vector.shape_cast %get3A_1261 : vector<1x128x1xf32> to vector<128xf32>
    %broadcast_in_dim3A_1263 = vector.shape_cast %get3A_1262 : vector<128xf32> to vector<128x1xf32>
    %broadcast_in_dim3A_1264 = vector.shape_cast %broadcast_in_dim3A_1263 : vector<128x1xf32> to vector<128x1xf32>
    %broadcast_in_dim3A_1265 = vector.broadcast %broadcast_in_dim3A_1264 : vector<128x1xf32> to vector<128x256xf32>
    %get3A_1266 = arith.constant 0 : index
    %get3A_1267 = arith.constant 0 : index
    %get3A_1268 = arith.constant 53 : index
    %get3A_1269 = vector.load %arg2[%get3A_1266, %get3A_1267, %get3A_1268] : memref<1x128x64xf32, #tpu.memory_space<vmem>>, vector<1x128x1xf32>
    %get3A_1270 = vector.shape_cast %get3A_1269 : vector<1x128x1xf32> to vector<128xf32>
    %broadcast_in_dim3A_1271 = vector.shape_cast %get3A_1270 : vector<128xf32> to vector<128x1xf32>
    %broadcast_in_dim3A_1272 = vector.shape_cast %broadcast_in_dim3A_1271 : vector<128x1xf32> to vector<128x1xf32>
    %broadcast_in_dim3A_1273 = vector.broadcast %broadcast_in_dim3A_1272 : vector<128x1xf32> to vector<128x256xf32>
    %get3A_1274 = arith.constant 0 : index
    %get3A_1275 = arith.constant 0 : index
    %get3A_1276 = arith.constant 54 : index
    %get3A_1277 = vector.load %arg2[%get3A_1274, %get3A_1275, %get3A_1276] : memref<1x128x64xf32, #tpu.memory_space<vmem>>, vector<1x128x1xf32>
    %get3A_1278 = vector.shape_cast %get3A_1277 : vector<1x128x1xf32> to vector<128xf32>
    %broadcast_in_dim3A_1279 = vector.shape_cast %get3A_1278 : vector<128xf32> to vector<128x1xf32>
    %broadcast_in_dim3A_1280 = vector.shape_cast %broadcast_in_dim3A_1279 : vector<128x1xf32> to vector<128x1xf32>
    %broadcast_in_dim3A_1281 = vector.broadcast %broadcast_in_dim3A_1280 : vector<128x1xf32> to vector<128x256xf32>
    %get3A_1282 = arith.constant 0 : index
    %get3A_1283 = arith.constant 0 : index
    %get3A_1284 = arith.constant 55 : index
    %get3A_1285 = vector.load %arg2[%get3A_1282, %get3A_1283, %get3A_1284] : memref<1x128x64xf32, #tpu.memory_space<vmem>>, vector<1x128x1xf32>
    %get3A_1286 = vector.shape_cast %get3A_1285 : vector<1x128x1xf32> to vector<128xf32>
    %broadcast_in_dim3A_1287 = vector.shape_cast %get3A_1286 : vector<128xf32> to vector<128x1xf32>
    %broadcast_in_dim3A_1288 = vector.shape_cast %broadcast_in_dim3A_1287 : vector<128x1xf32> to vector<128x1xf32>
    %broadcast_in_dim3A_1289 = vector.broadcast %broadcast_in_dim3A_1288 : vector<128x1xf32> to vector<128x256xf32>
    %get3A_1290 = arith.constant 0 : index
    %get3A_1291 = arith.constant 0 : index
    %get3A_1292 = arith.constant 56 : index
    %get3A_1293 = vector.load %arg2[%get3A_1290, %get3A_1291, %get3A_1292] : memref<1x128x64xf32, #tpu.memory_space<vmem>>, vector<1x128x1xf32>
    %get3A_1294 = vector.shape_cast %get3A_1293 : vector<1x128x1xf32> to vector<128xf32>
    %broadcast_in_dim3A_1295 = vector.shape_cast %get3A_1294 : vector<128xf32> to vector<128x1xf32>
    %broadcast_in_dim3A_1296 = vector.shape_cast %broadcast_in_dim3A_1295 : vector<128x1xf32> to vector<128x1xf32>
    %broadcast_in_dim3A_1297 = vector.broadcast %broadcast_in_dim3A_1296 : vector<128x1xf32> to vector<128x256xf32>
    %get3A_1298 = arith.constant 0 : index
    %get3A_1299 = arith.constant 0 : index
    %get3A_1300 = arith.constant 57 : index
    %get3A_1301 = vector.load %arg2[%get3A_1298, %get3A_1299, %get3A_1300] : memref<1x128x64xf32, #tpu.memory_space<vmem>>, vector<1x128x1xf32>
    %get3A_1302 = vector.shape_cast %get3A_1301 : vector<1x128x1xf32> to vector<128xf32>
    %broadcast_in_dim3A_1303 = vector.shape_cast %get3A_1302 : vector<128xf32> to vector<128x1xf32>
    %broadcast_in_dim3A_1304 = vector.shape_cast %broadcast_in_dim3A_1303 : vector<128x1xf32> to vector<128x1xf32>
    %broadcast_in_dim3A_1305 = vector.broadcast %broadcast_in_dim3A_1304 : vector<128x1xf32> to vector<128x256xf32>
    %get3A_1306 = arith.constant 0 : index
    %get3A_1307 = arith.constant 0 : index
    %get3A_1308 = arith.constant 58 : index
    %get3A_1309 = vector.load %arg2[%get3A_1306, %get3A_1307, %get3A_1308] : memref<1x128x64xf32, #tpu.memory_space<vmem>>, vector<1x128x1xf32>
    %get3A_1310 = vector.shape_cast %get3A_1309 : vector<1x128x1xf32> to vector<128xf32>
    %broadcast_in_dim3A_1311 = vector.shape_cast %get3A_1310 : vector<128xf32> to vector<128x1xf32>
    %broadcast_in_dim3A_1312 = vector.shape_cast %broadcast_in_dim3A_1311 : vector<128x1xf32> to vector<128x1xf32>
    %broadcast_in_dim3A_1313 = vector.broadcast %broadcast_in_dim3A_1312 : vector<128x1xf32> to vector<128x256xf32>
    %get3A_1314 = arith.constant 0 : index
    %get3A_1315 = arith.constant 0 : index
    %get3A_1316 = arith.constant 59 : index
    %get3A_1317 = vector.load %arg2[%get3A_1314, %get3A_1315, %get3A_1316] : memref<1x128x64xf32, #tpu.memory_space<vmem>>, vector<1x128x1xf32>
    %get3A_1318 = vector.shape_cast %get3A_1317 : vector<1x128x1xf32> to vector<128xf32>
    %broadcast_in_dim3A_1319 = vector.shape_cast %get3A_1318 : vector<128xf32> to vector<128x1xf32>
    %broadcast_in_dim3A_1320 = vector.shape_cast %broadcast_in_dim3A_1319 : vector<128x1xf32> to vector<128x1xf32>
    %broadcast_in_dim3A_1321 = vector.broadcast %broadcast_in_dim3A_1320 : vector<128x1xf32> to vector<128x256xf32>
    %get3A_1322 = arith.constant 0 : index
    %get3A_1323 = arith.constant 0 : index
    %get3A_1324 = arith.constant 60 : index
    %get3A_1325 = vector.load %arg2[%get3A_1322, %get3A_1323, %get3A_1324] : memref<1x128x64xf32, #tpu.memory_space<vmem>>, vector<1x128x1xf32>
    %get3A_1326 = vector.shape_cast %get3A_1325 : vector<1x128x1xf32> to vector<128xf32>
    %broadcast_in_dim3A_1327 = vector.shape_cast %get3A_1326 : vector<128xf32> to vector<128x1xf32>
    %broadcast_in_dim3A_1328 = vector.shape_cast %broadcast_in_dim3A_1327 : vector<128x1xf32> to vector<128x1xf32>
    %broadcast_in_dim3A_1329 = vector.broadcast %broadcast_in_dim3A_1328 : vector<128x1xf32> to vector<128x256xf32>
    %get3A_1330 = arith.constant 0 : index
    %get3A_1331 = arith.constant 0 : index
    %get3A_1332 = arith.constant 61 : index
    %get3A_1333 = vector.load %arg2[%get3A_1330, %get3A_1331, %get3A_1332] : memref<1x128x64xf32, #tpu.memory_space<vmem>>, vector<1x128x1xf32>
    %get3A_1334 = vector.shape_cast %get3A_1333 : vector<1x128x1xf32> to vector<128xf32>
    %broadcast_in_dim3A_1335 = vector.shape_cast %get3A_1334 : vector<128xf32> to vector<128x1xf32>
    %broadcast_in_dim3A_1336 = vector.shape_cast %broadcast_in_dim3A_1335 : vector<128x1xf32> to vector<128x1xf32>
    %broadcast_in_dim3A_1337 = vector.broadcast %broadcast_in_dim3A_1336 : vector<128x1xf32> to vector<128x256xf32>
    %get3A_1338 = arith.constant 0 : index
    %get3A_1339 = arith.constant 0 : index
    %get3A_1340 = arith.constant 62 : index
    %get3A_1341 = vector.load %arg2[%get3A_1338, %get3A_1339, %get3A_1340] : memref<1x128x64xf32, #tpu.memory_space<vmem>>, vector<1x128x1xf32>
    %get3A_1342 = vector.shape_cast %get3A_1341 : vector<1x128x1xf32> to vector<128xf32>
    %broadcast_in_dim3A_1343 = vector.shape_cast %get3A_1342 : vector<128xf32> to vector<128x1xf32>
    %broadcast_in_dim3A_1344 = vector.shape_cast %broadcast_in_dim3A_1343 : vector<128x1xf32> to vector<128x1xf32>
    %broadcast_in_dim3A_1345 = vector.broadcast %broadcast_in_dim3A_1344 : vector<128x1xf32> to vector<128x256xf32>
    %get3A_1346 = arith.constant 0 : index
    %get3A_1347 = arith.constant 0 : index
    %get3A_1348 = arith.constant 63 : index
    %get3A_1349 = vector.load %arg2[%get3A_1346, %get3A_1347, %get3A_1348] : memref<1x128x64xf32, #tpu.memory_space<vmem>>, vector<1x128x1xf32>
    %get3A_1350 = vector.shape_cast %get3A_1349 : vector<1x128x1xf32> to vector<128xf32>
    %broadcast_in_dim3A_1351 = vector.shape_cast %get3A_1350 : vector<128xf32> to vector<128x1xf32>
    %broadcast_in_dim3A_1352 = vector.shape_cast %broadcast_in_dim3A_1351 : vector<128x1xf32> to vector<128x1xf32>
    %broadcast_in_dim3A_1353 = vector.broadcast %broadcast_in_dim3A_1352 : vector<128x1xf32> to vector<128x256xf32>
    %concatenate3A_1354 = tpu.concatenate %broadcast_in_dim3A_849, %broadcast_in_dim3A_857, %broadcast_in_dim3A_865, %broadcast_in_dim3A_873, %broadcast_in_dim3A_881, %broadcast_in_dim3A_889, %broadcast_in_dim3A_897, %broadcast_in_dim3A_905, %broadcast_in_dim3A_913, %broadcast_in_dim3A_921, %broadcast_in_dim3A_929, %broadcast_in_dim3A_937, %broadcast_in_dim3A_945, %broadcast_in_dim3A_953, %broadcast_in_dim3A_961, %broadcast_in_dim3A_969, %broadcast_in_dim3A_977, %broadcast_in_dim3A_985, %broadcast_in_dim3A_993, %broadcast_in_dim3A_1001, %broadcast_in_dim3A_1009, %broadcast_in_dim3A_1017, %broadcast_in_dim3A_1025, %broadcast_in_dim3A_1033, %broadcast_in_dim3A_1041, %broadcast_in_dim3A_1049, %broadcast_in_dim3A_1057, %broadcast_in_dim3A_1065, %broadcast_in_dim3A_1073, %broadcast_in_dim3A_1081, %broadcast_in_dim3A_1089, %broadcast_in_dim3A_1097, %broadcast_in_dim3A_1105, %broadcast_in_dim3A_1113, %broadcast_in_dim3A_1121, %broadcast_in_dim3A_1129, %broadcast_in_dim3A_1137, %broadcast_in_dim3A_1145, %broadcast_in_dim3A_1153, %broadcast_in_dim3A_1161, %broadcast_in_dim3A_1169, %broadcast_in_dim3A_1177, %broadcast_in_dim3A_1185, %broadcast_in_dim3A_1193, %broadcast_in_dim3A_1201, %broadcast_in_dim3A_1209, %broadcast_in_dim3A_1217, %broadcast_in_dim3A_1225, %broadcast_in_dim3A_1233, %broadcast_in_dim3A_1241, %broadcast_in_dim3A_1249, %broadcast_in_dim3A_1257, %broadcast_in_dim3A_1265, %broadcast_in_dim3A_1273, %broadcast_in_dim3A_1281, %broadcast_in_dim3A_1289, %broadcast_in_dim3A_1297, %broadcast_in_dim3A_1305, %broadcast_in_dim3A_1313, %broadcast_in_dim3A_1321, %broadcast_in_dim3A_1329, %broadcast_in_dim3A_1337, %broadcast_in_dim3A_1345, %broadcast_in_dim3A_1353 in 1 : vector<128x256xf32>, vector<128x256xf32>, vector<128x256xf32>, vector<128x256xf32>, vector<128x256xf32>, vector<128x256xf32>, vector<128x256xf32>, vector<128x256xf32>, vector<128x256xf32>, vector<128x256xf32>, vector<128x256xf32>, vector<128x256xf32>, vector<128x256xf32>, vector<128x256xf32>, vector<128x256xf32>, vector<128x256xf32>, vector<128x256xf32>, vector<128x256xf32>, vector<128x256xf32>, vector<128x256xf32>, vector<128x256xf32>, vector<128x256xf32>, vector<128x256xf32>, vector<128x256xf32>, vector<128x256xf32>, vector<128x256xf32>, vector<128x256xf32>, vector<128x256xf32>, vector<128x256xf32>, vector<128x256xf32>, vector<128x256xf32>, vector<128x256xf32>, vector<128x256xf32>, vector<128x256xf32>, vector<128x256xf32>, vector<128x256xf32>, vector<128x256xf32>, vector<128x256xf32>, vector<128x256xf32>, vector<128x256xf32>, vector<128x256xf32>, vector<128x256xf32>, vector<128x256xf32>, vector<128x256xf32>, vector<128x256xf32>, vector<128x256xf32>, vector<128x256xf32>, vector<128x256xf32>, vector<128x256xf32>, vector<128x256xf32>, vector<128x256xf32>, vector<128x256xf32>, vector<128x256xf32>, vector<128x256xf32>, vector<128x256xf32>, vector<128x256xf32>, vector<128x256xf32>, vector<128x256xf32>, vector<128x256xf32>, vector<128x256xf32>, vector<128x256xf32>, vector<128x256xf32>, vector<128x256xf32>, vector<128x256xf32> -> vector<128x16384xf32>
    %add3A = arith.addf %dot_general3A_841, %concatenate3A_1354 : vector<128x16384xf32>
    %max3A = arith.constant 0.000000e+00 : f32
    %max3A_1355 = vector.broadcast %max3A : f32 to vector<128x16384xf32>
    %max3A_1356 = arith.maximumf %add3A, %max3A_1355 : vector<128x16384xf32>
    %convert_element_type3A_1357 = arith.truncf %max3A_1356 : vector<128x16384xf32> to vector<128x16384xbf16>
    %dot_general3A_1358 = arith.constant dense<0.000000e+00> : vector<64x16384xf32>
    %dot_general3A_1359 = tpu.matmul %get3A_4, %convert_element_type3A_1357, %dot_general3A_1358 {dimension_numbers = #tpu.dot_dimension_numbers<[1], [0], [0], [1], [0, 0, 1, 1], [], []>, transpose_lhs_hint = false} : vector<64x128xbf16>, vector<128x16384xbf16>, vector<64x16384xf32> -> vector<64x16384xf32>
    %add3A_1360 = vector.broadcast %broadcast_in_dim3A : vector<64x1xf32> to vector<64x16384xf32>
    %add3A_1361 = arith.addf %dot_general3A_1359, %add3A_1360 : vector<64x16384xf32>
    %max3A_1362 = arith.constant 0.000000e+00 : f32
    %max3A_1363 = vector.broadcast %max3A_1362 : f32 to vector<64x16384xf32>
    %max3A_1364 = arith.maximumf %add3A_1361, %max3A_1363 : vector<64x16384xf32>
    %dot_general3A_1365 = arith.constant dense<0.000000e+00> : vector<1x16384xf32>
    %dot_general3A_1366 = tpu.matmul %get3A_9, %max3A_1364, %dot_general3A_1365 {dimension_numbers = #tpu.dot_dimension_numbers<[1], [0], [0], [1], [0, 0, 1, 1], [], []>, transpose_lhs_hint = false} : vector<1x64xf32>, vector<64x16384xf32>, vector<1x16384xf32> -> vector<1x16384xf32>
    %add3A_1367 = vector.broadcast %get3A_11 : f32 to vector<1x16384xf32>
    %add3A_1368 = arith.addf %dot_general3A_1366, %add3A_1367 : vector<1x16384xf32>
    %swap3A = arith.constant 0 : index
    %swap3A_1369 = arith.constant 0 : index
    %swap3A_1370 = arith.constant 0 : index
    %swap3A_1371 = vector.load %arg8[%swap3A, %swap3A_1369, %swap3A_1370] : memref<1x1x16384xf32, #tpu.memory_space<vmem>>, vector<1x1x16384xf32>
    %swap3A_1372 = vector.shape_cast %swap3A_1371 : vector<1x1x16384xf32> to vector<1x16384xf32>
    %swap3A_1373 = vector.shape_cast %add3A_1368 : vector<1x16384xf32> to vector<1x1x16384xf32>
    tpu.vector_store %arg8[%swap3A, %swap3A_1369, %swap3A_1370], %swap3A_1373 {strides = array<i32>} : memref<1x1x16384xf32, #tpu.memory_space<vmem>>, vector<1x1x16384xf32>,
    return
  }
  func.func @transform_0(%arg0: i32) -> (i32, i32, i32) {
    %c0_i32 = arith.constant 0 : i32
    %c0_i32_0 = arith.constant 0 : i32
    %c0_i32_1 = arith.constant 0 : i32
    return %arg0, %c0_i32, %c0_i32_0 : i32, i32, i32
  }
  func.func @transform_1(%arg0: i32) -> (i32, i32, i32) {
    %c0_i32 = arith.constant 0 : i32
    %c0_i32_0 = arith.constant 0 : i32
    %c0_i32_1 = arith.constant 0 : i32
    return %arg0, %c0_i32, %c0_i32_0 : i32, i32, i32
  }
  func.func @transform_2(%arg0: i32) -> (i32, i32) {
    %c0_i32 = arith.constant 0 : i32
    %c0_i32_0 = arith.constant 0 : i32
    %c0_i32_1 = arith.constant 0 : i32
    return %c0_i32, %c0_i32_0 : i32, i32
  }
  func.func @transform_3(%arg0: i32) -> (i32, i32) {
    %c0_i32 = arith.constant 0 : i32
    %c0_i32_0 = arith.constant 0 : i32
    %c0_i32_1 = arith.constant 0 : i32
    return %c0_i32, %c0_i32_0 : i32, i32
  }
  func.func @transform_4(%arg0: i32) -> i32 {
    %c0_i32 = arith.constant 0 : i32
    %c0_i32_0 = arith.constant 0 : i32
    return %c0_i32 : i32
  }
  func.func @transform_5(%arg0: i32) -> (i32, i32) {
    %c0_i32 = arith.constant 0 : i32
    %c0_i32_0 = arith.constant 0 : i32
    %c0_i32_1 = arith.constant 0 : i32
    return %c0_i32, %c0_i32_0 : i32, i32
  }
  func.func @transform_6(%arg0: i32) -> i32 {
    %c0_i32 = arith.constant 0 : i32
    %c0_i32_0 = arith.constant 0 : i32
    return %c0_i32 : i32
  }
  func.func @transform_7(%arg0: i32) -> (i32, i32, i32) {
    %c0_i32 = arith.constant 0 : i32
    %c0_i32_0 = arith.constant 0 : i32
    %c0_i32_1 = arith.constant 0 : i32
    return %arg0, %c0_i32, %c0_i32_0 : i32, i32, i32
  }
}

</mosaic_0001>

<sc_bundles>
// kernel: kernel.5.cloned.1.call-start
scs
__scs_entry_jumppad:
0x0: {  	(pc) =	sbr.rel $0x88, $3  }
0x1: {  	(tag) =	ssettag $0x0;
	lr =	simm.s32 $0x1  }
0x2: {  	[smem:$0x3F99] =	sst lr;
	_ =	strace $0xD0000000  }
0x3: {  	_ = 	snop  }
0x4: {  	_ = 	snop  }
0x5: {  	_ = 	snop  }
0x6: {  	_ = 	snop  }
0x7: {  	_ = 	snop  }
__scs_overlays_trampoline_lowered:
0x8: {  	[smem:$0x3FA8] =	sst s0  }
0x9: {  	[smem:$0x3FA9] =	sst s1  }
0xa: {  	[smem:$0x3FAA] =	sst s2  }
0xb: {  	[smem:$0x3FAB] =	sst s3  }
0xc: {  	[smem:$0x3FAC] =	sst s4  }
0xd: {  	[smem:$0x3FAD] =	sst s5  }
0xe: {  	[smem:$0x3FAE] =	sst s6  }
0xf: {  	[smem:$0x3FAF] =	sst s7  }
0x10: {  	[smem:$0x3FB0] =	sst s8  }
0x11: {  	[smem:$0x3FB1] =	sst s9;
	s0 =	simm.s32 @!p0 $0x0  }
0x12: {  	s1 =	sld [smem:$0x3F97];
	s0 =	simm.s32 @p0 $0x1  }
0x13: {  	[smem:$0x3FB2] =	sst s0;
	s0 =	simm.s32 @!p1 $0x0  }
0x14: {  	s2 =	sld [smem:$0x3F96];
	s0 =	simm.s32 @p1 $0x1  }
0x15: {  	[smem:$0x3FB3] =	sst s0;
	s0 =	simm.s32 @!p2 $0x0  }
0x16: {  	s3 =	sld [smem:$0x3FDB];
	s0 =	simm.s32 @p2 $0x1  }
0x17: {  	s4 =	simm.s32 $0x1BF5;
	[smem:$0x3FB5] =	sst s0  }
0x18: {  	s0 =	sld [smem:$0x3F98];
	_ =	swait.ge [sflag:s4], $0x0  }
0x19: {  	s7 =	sld [smem:$0x3F99]  }
0x1a: {  	s8 =	sadd.s32 $0xFFFFE003, lr  }
0x1b: {  	s9 =	sadd.s32 $0xFFFFFEF7, lr;
	s5 =	simm.s32 $0xFFFFFFFF;
	p2 =	slt.u32 s8, $0xFFFFF086  }
0x1c: {  	p1 =	slt.u32 s9, $0xF7A;
	s5 =	simm.s32 @!p2 $0x0  }
0x1d: {  	s5 =	simm.s32 @p1 $0x1;
	p0 =	seq.s32 s7, s2  }
0x1e: {  	s7 =	smul.u32 @!p0 $0xF7A, s2;
	p2 =	seq.s32 @!p0 s5, $0x0  }
0x1f: {  	s9 =	smul.u32 $0xF7A, s1;
	s8 =	simm.s32 @!p0 $0x1BF5;
	p2 =	por !p2, p0  }
0x20: {  	[sflag:s8] =	ssyncset.s32 @!p0 $0xFFFFF086;
	s6 =	sadd.s32 @!p0 s3, s7;
	s7 =	simm.s32 @!p0 $0x108  }
0x21: {  	s3 =	sadd.s32 s3, s9;
	s6 =	sadd.s32 @!p0 $0x88, s6;
	s7 =	simm.s32 @p2 $0x1082  }
0x22: {  	[simem:s7], [sflag:s8] =	dma.local @!p0 [hbm:s6], $0xF7A  }
0x23: {  	s9 =	sor.u32 $0xD0000000, s2;
	s6 =	simm.s32 $0x108;
	_ =	swait.ge @!p0 [sflag:s8], $0x0  }
0x24: {  	s3 =	sadd.s32 $0x88, s3;
	s6 =	simm.s32 @!p1 $0x1082;
	[sflag:s4] =	ssyncset.s32 $0xFFFFF086  }
0x25: {  	[simem:s6], [sflag:s4] =	dma.local [hbm:s3], $0xF7A  }
0x26: {  	[smem:$0x3F99] =	sst s1;
	(tag) =	ssettag s2;
	_ =	strace s9  }
0x27: {  	s1 =	sld [smem:$0x3FA9]  }
0x28: {  	s2 =	sld [smem:$0x3FAA]  }
0x29: {  	s4 =	sld [smem:$0x3FAC]  }
0x2a: {  	p0 =	seq.s32 s5, $0x0;
	s5 =	sld [smem:$0x3FAD]  }
0x2b: {  	s6 =	sld [smem:$0x3FAE]  }
0x2c: {  	s7 =	sld [smem:$0x3FAF]  }
0x2d: {  	s3 =	simm.s32 $0x108;
	s8 =	sld [smem:$0x3FB0]  }
0x2e: {  	s3 =	simm.s32 @!p0 $0x1082;
	s9 =	sld [smem:$0x3FB1]  }
0x2f: {  	lr =	sadd.s32 s0, s3;
	s0 =	sld [smem:$0x3FA8]  }
0x30: {  	s3 =	sld [smem:$0x3FAB]  }
0x31: {  	[smem:$0x3FB4] =	sst s10  }
0x32: {  	s10 =	sld [smem:$0x3FB2];
	_ =	sdelay $0x3  }
0x33: {  	p0 =	seq.s32 s10, $0x1;
	s10 =	sld [smem:$0x3FB4];
	_ =	sdelay $0x3  }
0x34: {  	[smem:$0x3FB4] =	sst s10  }
0x35: {  	s10 =	sld [smem:$0x3FB3];
	_ =	sdelay $0x3  }
0x36: {  	p1 =	seq.s32 s10, $0x1;
	s10 =	sld [smem:$0x3FB4];
	_ =	sdelay $0x3  }
0x37: {  	[smem:$0x3FB4] =	sst s10  }
0x38: {  	s10 =	sld [smem:$0x3FB5]  }
0x39: {  	_ = 	snop;
	(pc) =	sbr.ind lr, $3  }
0x3a: {  	_ = 	snop  }
0x3b: {  	_ = 	snop  }
0x3c: {  	p2 =	seq.s32 s10, $0x1;
	s10 =	sld [smem:$0x3FB4]  }
0x3d: {  	_ =	shalt  }
0x3e: {  	_ =	shalt  }
0x3f: {  	_ =	shalt  }
0x40: {  	_ =	shalt  }
0x41: {  	_ =	shalt  }
0x42: {  	_ =	shalt  }
0x43: {  	_ =	shalt  }
0x44: {  	_ =	shalt  }
0x45: {  	_ =	shalt  }
0x46: {  	_ =	shalt  }
0x47: {  	_ =	shalt  }
0x48: {  	_ =	shalt  }
0x49: {  	_ =	shalt  }
0x4a: {  	_ =	shalt  }
0x4b: {  	_ =	shalt  }
0x4c: {  	_ =	shalt  }
0x4d: {  	_ =	shalt  }
0x4e: {  	_ =	shalt  }
0x4f: {  	_ =	shalt  }
0x50: {  	_ =	shalt  }
0x51: {  	_ =	shalt  }
0x52: {  	_ =	shalt  }
0x53: {  	_ =	shalt  }
0x54: {  	_ =	shalt  }
0x55: {  	_ =	shalt  }
0x56: {  	_ =	shalt  }
0x57: {  	_ =	shalt  }
0x58: {  	_ =	shalt  }
0x59: {  	_ =	shalt  }
0x5a: {  	_ =	shalt  }
0x5b: {  	_ =	shalt  }
0x5c: {  	_ =	shalt  }
0x5d: {  	_ =	shalt  }
0x5e: {  	_ =	shalt  }
0x5f: {  	_ =	shalt  }
0x60: {  	_ =	shalt  }
0x61: {  	_ =	shalt  }
0x62: {  	_ =	shalt  }
0x63: {  	_ =	shalt  }
0x64: {  	_ =	shalt  }
0x65: {  	_ =	shalt  }
0x66: {  	_ =	shalt  }
0x67: {  	_ =	shalt  }
0x68: {  	_ =	shalt  }
0x69: {  	_ =	shalt  }
0x6a: {  	_ =	shalt  }
0x6b: {  	_ =	shalt  }
0x6c: {  	_ =	shalt  }
0x6d: {  	_ =	shalt  }
0x6e: {  	_ =	shalt  }
0x6f: {  	_ =	shalt  }
0x70: {  	_ =	shalt  }
0x71: {  	_ =	shalt  }
0x72: {  	_ =	shalt  }
0x73: {  	_ =	shalt  }
0x74: {  	_ =	shalt  }
0x75: {  	_ =	shalt  }
0x76: {  	_ =	shalt  }
0x77: {  	_ =	shalt  }
0x78: {  	_ =	shalt  }
0x79: {  	_ =	shalt  }
0x7a: {  	_ =	shalt  }
0x7b: {  	_ =	shalt  }
0x7c: {  	_ =	shalt  }
0x7d: {  	_ =	shalt  }
0x7e: {  	_ =	shalt  }
0x7f: {  	_ =	shalt  }
0x80: {  	_ =	shalt  }
0x81: {  	_ =	shalt  }
0x82: {  	_ =	shalt  }
0x83: {  	_ =	shalt  }
0x84: {  	_ =	shalt  }
0x85: {  	_ =	shalt  }
0x86: {  	_ =	shalt  }
0x87: {  	_ =	shalt  }
.Lfunc_end0:
.L_simem_size_0:
called_computation_lowered:
.L_overlay_start_0:
0x88: {  	s2 =	sld [smem:$0x3FD9]  }
0x89: {  	s3 =	sld [smem:$0x3FFE];
	_ =	sdelay $0x1  }
0x8a: {  	s1 =	srdreg.scid  }
0x8b: {  	s0 =	sand.u32 $0x1, s1  }
0x8c: {  	s17 =	sshll.u32 s0, $0xA;
	s2 =	sadd.s32 s3, s2  }
0x8d: {  	s2 =	sadd.s32 s2, s17  }
0x8e: {  	[smem:$0x3FC0] =	sst s2  }
0x8f: {  	_ = 	snop  }
0x90: {  	s2 =	sld [smem:$0x3FD0];
	(tm) =	ssettm $0x1  }
0x91: {  	s18 =	sld [smem:$0x3FFB];
	_ =	sdelay $0x3  }
0x92: {  	_ =	strace s18  }
0x93: {  	s3 =	sld [smem:$0x3FFC];
	_ =	sdelay $0x3  }
0x94: {  	_ =	strace s3  }
0x95: {  	s3 =	sld [smem:$0x3FFD];
	_ =	sdelay $0x3  }
0x96: {  	_ =	strace s3  }
0x97: {  	_ =	strace $0x8FFFFFFF  }
0x98: {  	s19 =	sld [smem:$0x3FDB];
	_ =	sdelay $0x1  }
0x99: {  	s4 =	simm.s32 $_scs_section_size  }
0x9a: {  	s5 =	simm.s32 $_size__tile_overlayer_lowered;
	s6 =	simm.s32 $_tile_overlayer_lowered  }
0x9b: {  	s22 =	simm.s32 $0x1BFF;
	s21 =	sshll.u32 s6, $0x1;
	s3 =	sadd.s32 s4, s19  }
0x9c: {  	s7 =	simm.s32 $0x0;
	s20 =	sshll.u32 s5, $0x1;
	s5 =	sadd.s32 s21, s3  }
0x9d: {  	[timem:s7], [sflag:s22] =	dma.local [hbm:s5], s20  }
0x9e: {  	_ =	swait.ge [sflag:s22], s20  }
0x9f: {  	s4 =	ssub.s32 $0x0, s20;
	[sflag:s22] =	ssyncset.done $0x0  }
0xa0: {  	[sflag:s22] =	ssyncadd.s32 s4;
	_ =	sdelay $0x1  }
0xa1: {  	s23 =	simm.s32 $0x1B8B  }
0xa2: {  	_ =	swait.ge [sflag:s23], $0x1  }
0xa3: {  	[sflag:s23] =	ssyncset.done $0x0  }
0xa4: {  	s25 =	simm.s32 $0x1B8E;
	s24 =	sld [smem:$0x3FFE];
	[sflag:s23] =	ssyncadd.s32 $0xFFFFFFFF  }
0xa5: {  	s26 =	simm.s32 $execute0_lowered;
	[smem:$0x3FD2] =	sst s25  }
0xa6: {  	s5 =	sshll.u32 s26, $0x1;
	_ =	strace $0x80000046;
	[dreg:$0x1] =	wrdreg $0xFFFFFFFF  }
0xa7: {  	s28 =	simm.s32 $_size_execute0_lowered;
	s3 =	sadd.s32 s3, s5;
	[dreg:$0x0] =	wrdreg $0x0  }
0xa8: {  	s5 =	sshll.u32 s28, $0x1;
	[dreg:$0x2] =	wrdreg s3  }
0xa9: {  	[dreg:$0x3] =	wrdreg s5  }
0xaa: {  	[dreg:$0x4] =	wrdreg $0xC0  }
0xab: {  	_ =	task [dreg:s7], $0x5FFFF  }
0xac: {  	[dreg:$0x1] =	wrdreg $0xFFFFFFFF  }
0xad: {  	[dreg:$0x0] =	wrdreg $0x60  }
0xae: {  	[dreg:$0x2] =	wrdreg s24  }
0xaf: {  	[dreg:$0x3] =	wrdreg s2  }
0xb0: {  	[dreg:$0x4] =	wrdreg $0x9  }
0xb1: {  	_ =	task.clear_ibuf [dreg:s7], $0x5FFFF;
	_ =	strace $0x90000046  }
0xb2: {  	s29 =	simm.s32 $0x9;
	_ =	strace $0x80000048  }
0xb3: {  	_ =	swait.ge [sflag:s29], $0x1  }
0xb4: {  	[sflag:s29] =	ssyncadd.s32 $0xFFFFFFFF  }
0xb5: {  	_ =	strace $0x90000048  }
0xb6: {  	_ =	sfence  }
0xb7: {  	s30 =	sld [smem:$0x0];
	_ =	sdelay $0x2  }
0xb8: {  	s31 =	sshll.u32 s1, $0xD;
	s1 =	sshrl.u32 s1, $0x2  }
0xb9: {  	s3 =	sand.u32 $0x4000, s31;
	s1 =	sadd.s32 s1, s30  }
0xba: {  	s0 =	sor.u32 s3, s0;
	s1 =	sshll.u32 s1, $0x11  }
0xbb: {  	s0 =	sor.u32 s1, s0  }
0xbc: {  	s0 =	sadd.s32 $0x8F2B, s0  }
0xbd: {  	[sflag:s0] =	ssyncadd.remote.s32 $0x1  }
0xbe: {  	_ =	sfence.sel $0xFFFF  }
0xbf: {  	[dreg:$0x0] =	wrdreg $0xFFFFFFFF;
	(pc) =	sbr.abs _section_cstart, $3  }
0xc0: {  	[dreg:$0x1] =	wrdreg $0xFFFFFFFF  }
0xc1: {  	_ =	task.clear_ibuf [dreg:s7], $0x2FFFF;
	_ =	strace $0x9FFFFFFF  }
0xc2: {  	(tm) =	ssettm $0x7FFFFFFF  }
0xc3: {  	_ =	shalt  }
tec
execute0_lowered:
.L_overlay_start_1:
0x0: {  	(tag) =	ssettag $0x1  }
0x1: {  	s0 =	srdreg.scid;
	s2 =	stileid.u32  }
0x2: {  	s1 =	sand.u32 $0x1, s0;
	s26 =	sshll.u32 s2, $0x1  }
0x3: {  	s4 =	rddreg [dreg:$0x1];
	s2 =	sor.u32 s1, s26  }
0x4: {  	s0 =	rddreg [dreg:$0x0];
	s3 =	smul.u32 $0x280, s2;
	s2 =	simm.s32 $0x0  }
0x5: {  	s21 =	simm.s32 $0x80;
	[smem:$0x7FF] =	sst s2  }
0x6: {  	s22 =	simm.s32 $0x100;
	_ =	strace $0x80000047;
	[dreg:$0x15] =	wrdreg s21  }
0x7: {  	s23 =	simm.s32 $0x180;
	[dreg:$0x16] =	wrdreg s22  }
0x8: {  	s24 =	simm.s32 $0x200;
	[dreg:$0x17] =	wrdreg s23  }
0x9: {  	s25 =	simm.s32 $0x280;
	s3 =	sshrl.u32 s3, $0x3;
	[dreg:$0x18] =	wrdreg s24  }
0xa: {  	[dreg:$0x19] =	wrdreg s25;
	s5 =	sor.u32 $0x8, s3;
	s7 =	sadd.s32 s4, s3  }
0xb: {  	s4 =	sadd.s32 s4, s5;
	[dreg:$0x1e] =	wrdreg s7  }
0xc: {  	s28 =	sadd.s32 $0x10, s7;
	[dreg:$0x3] =	wrdreg s4  }
0xd: {  	s29 =	sadd.s32 $0x18, s7;
	[dreg:$0x4] =	wrdreg s28  }
0xe: {  	s30 =	sadd.s32 $0x20, s7;
	[dreg:$0x5] =	wrdreg s29  }
0xf: {  	s31 =	sadd.s32 $0x28, s7;
	[dreg:$0x6] =	wrdreg s30  }
0x10: {  	s6 =	sadd.s32 $0x30, s7;
	[dreg:$0x7] =	wrdreg s31  }
0x11: {  	s8 =	sadd.s32 $0x38, s7;
	[dreg:$0x8] =	wrdreg s6  }
0x12: {  	s9 =	sadd.s32 $0x40, s7;
	[dreg:$0x9] =	wrdreg s8  }
0x13: {  	s10 =	sadd.s32 $0x48, s7;
	[dreg:$0xa] =	wrdreg s9  }
0x14: {  	[dreg:$0xb] =	wrdreg s10;
	s28 =	simm.s32 $0x300  }
0x15: {  	s3 =	smul.u32 $0x280, s3;
	s29 =	simm.s32 $0x380;
	[dreg:$0x1a] =	wrdreg s28  }
0x16: {  	s5 =	smul.u32 $0x280, s5;
	s30 =	simm.s32 $0x400;
	[dreg:$0x1b] =	wrdreg s29  }
0x17: {  	s6 =	sadd.s32 $0x14800, s0;
	s31 =	simm.s32 $0x480;
	[dreg:$0x1c] =	wrdreg s30  }
0x18: {  	s12 =	sadd.s32 s6, s5;
	[dreg:$0x1d] =	wrdreg s31  }
0x19: {  	s11 =	sadd.s32 s6, s3;
	[dreg:$0xc] =	wrdreg s12  }
0x1a: {  	s13 =	sadd.s32 $0x2800, s11;
	[dreg:$0x1f] =	wrdreg s11  }
0x1b: {  	s1 =	ssub.s32 $0x2, s1;
	s14 =	sadd.s32 $0x3C00, s11;
	[dreg:$0xd] =	wrdreg s13  }
0x1c: {  	s26 =	sshrl.u32 s1, $0x1;
	s15 =	sadd.s32 $0x5000, s11;
	[dreg:$0xe] =	wrdreg s14  }
0x1d: {  	s1 =	ssub.s32 s1, s26;
	s16 =	sadd.s32 $0x6400, s11;
	[dreg:$0xf] =	wrdreg s15  }
0x1e: {  	s7 =	sadd.s32 $0xA00, s0;
	s17 =	sadd.s32 $0x7800, s11;
	[dreg:$0x10] =	wrdreg s16  }
0x1f: {  	s8 =	smax.u32 s1, $0x1;
	s18 =	sadd.s32 $0x8C00, s11;
	[dreg:$0x11] =	wrdreg s17  }
0x20: {  	s9 =	simm.s32 $0x7;
	s19 =	sadd.s32 $0xA000, s11;
	[dreg:$0x12] =	wrdreg s18  }
0x21: {  	v2 =	vlaneseq.u32;
	s5 =	sadd.s32 $0x800, s0;
	s20 =	sadd.s32 $0xB400, s11;
	[dreg:$0x13] =	wrdreg s19  }
0x22: {  	vm0 =	vmmov $0xffff;
	vm1 =	vmmov $0xff;
	v1 =	vshrl.u32 v2, $0x3;
	s6 =	sadd.s32 $0x900, s0;
	s11 =	simm.s32 $0x1;
	[dreg:$0x14] =	wrdreg s20  }
0x23: {  	v0 =	vand.u32 $0x7, v2;
	v2 =	vor.u32 $0x8, v2;
	v1 =	vmul.u32 $0x8, v1;
	s14 =	simm.s32 $0x4;
	s13 =	simm.s32 $0x800;
	s15 =	simm.s32 $0x2  }
.LBB2_1:
0x24: {  	s18 =	rddreg [dreg:$0x1e]  }
0x25: {  	[tilespmem:s2], [sflag:$0x7] =	stream.linear.gather [hbm4b:s18+s2], $0x40, $0x38;
	[tilespmem:$0x1E800] =	vst v63  }
0x26: {  	_ =	swait.ge [sflag:s9], $0x40  }
0x27: {  	s24 =	rddreg [dreg:$0x3];
	[sflag:s9] =	ssyncset.done $0x0  }
0x28: {  	s19 =	rddreg [dreg:$0x15];
	[sflag:s9] =	ssyncadd.s32 $0xFFFFFFC0  }
0x29: {  	[tilespmem:s19], [sflag:$0x7] =	stream.linear.gather [hbm4b:s24+s2], $0x40, $0x38;
	[tilespmem:$0x1E800] =	vst v63  }
0x2a: {  	_ =	swait.ge [sflag:s9], $0x40  }
0x2b: {  	s25 =	rddreg [dreg:$0x4];
	[sflag:s9] =	ssyncset.done $0x0  }
0x2c: {  	s26 =	rddreg [dreg:$0x16];
	[sflag:s9] =	ssyncadd.s32 $0xFFFFFFC0  }
0x2d: {  	[tilespmem:s26], [sflag:$0x7] =	stream.linear.gather [hbm4b:s25+s2], $0x40, $0x38;
	[tilespmem:$0x1E800] =	vst v63  }
0x2e: {  	_ =	swait.ge [sflag:s9], $0x40  }
0x2f: {  	s28 =	rddreg [dreg:$0x5];
	[sflag:s9] =	ssyncset.done $0x0  }
0x30: {  	s29 =	rddreg [dreg:$0x17];
	[sflag:s9] =	ssyncadd.s32 $0xFFFFFFC0  }
0x31: {  	[tilespmem:s29], [sflag:$0x7] =	stream.linear.gather [hbm4b:s28+s2], $0x40, $0x38;
	[tilespmem:$0x1E800] =	vst v63  }
0x32: {  	_ =	swait.ge [sflag:s9], $0x40  }
0x33: {  	s30 =	rddreg [dreg:$0x6];
	[sflag:s9] =	ssyncset.done $0x0  }
0x34: {  	s31 =	rddreg [dreg:$0x18];
	[sflag:s9] =	ssyncadd.s32 $0xFFFFFFC0  }
0x35: {  	[tilespmem:s31], [sflag:$0x7] =	stream.linear.gather [hbm4b:s30+s2], $0x40, $0x38;
	[tilespmem:$0x1E800] =	vst v63  }
0x36: {  	_ =	swait.ge [sflag:s9], $0x40  }
0x37: {  	s0 =	rddreg [dreg:$0x7];
	[sflag:s9] =	ssyncset.done $0x0  }
0x38: {  	s1 =	rddreg [dreg:$0x19];
	[sflag:s9] =	ssyncadd.s32 $0xFFFFFFC0  }
0x39: {  	[tilespmem:s1], [sflag:$0x7] =	stream.linear.gather [hbm4b:s0+s2], $0x40, $0x38;
	[tilespmem:$0x1E800] =	vst v63  }
0x3a: {  	_ =	swait.ge [sflag:s9], $0x40  }
0x3b: {  	s3 =	rddreg [dreg:$0x8];
	[sflag:s9] =	ssyncset.done $0x0  }
0x3c: {  	s4 =	rddreg [dreg:$0x1a];
	[sflag:s9] =	ssyncadd.s32 $0xFFFFFFC0  }
0x3d: {  	[tilespmem:s4], [sflag:$0x7] =	stream.linear.gather [hbm4b:s3+s2], $0x40, $0x38;
	[tilespmem:$0x1E800] =	vst v63  }
0x3e: {  	_ =	swait.ge [sflag:s9], $0x40  }
0x3f: {  	s10 =	rddreg [dreg:$0x9];
	[sflag:s9] =	ssyncset.done $0x0  }
0x40: {  	s12 =	rddreg [dreg:$0x1b];
	[sflag:s9] =	ssyncadd.s32 $0xFFFFFFC0  }
0x41: {  	[tilespmem:s12], [sflag:$0x7] =	stream.linear.gather [hbm4b:s10+s2], $0x40, $0x38;
	[tilespmem:$0x1E800] =	vst v63  }
0x42: {  	_ =	swait.ge [sflag:s9], $0x40  }
0x43: {  	s16 =	rddreg [dreg:$0xa];
	[sflag:s9] =	ssyncset.done $0x0  }
0x44: {  	s17 =	rddreg [dreg:$0x1c];
	[sflag:s9] =	ssyncadd.s32 $0xFFFFFFC0  }
0x45: {  	[tilespmem:s17], [sflag:$0x7] =	stream.linear.gather [hbm4b:s16+s2], $0x40, $0x38;
	[tilespmem:$0x1E800] =	vst v63  }
0x46: {  	_ =	swait.ge [sflag:s9], $0x40  }
0x47: {  	s19 =	rddreg [dreg:$0xb];
	[sflag:s9] =	ssyncset.done $0x0  }
0x48: {  	s20 =	rddreg [dreg:$0x1d];
	[sflag:s9] =	ssyncadd.s32 $0xFFFFFFC0  }
0x49: {  	[tilespmem:s20], [sflag:$0x7] =	stream.linear.gather [hbm4b:s19+s2], $0x40, $0x38;
	[tilespmem:$0x1E800] =	vst v63  }
0x4a: {  	_ =	swait.ge [sflag:s9], $0x40  }
0x4b: {  	[sflag:s9] =	ssyncset.done $0x0  }
0x4c: {  	[sflag:s9] =	ssyncadd.s32 $0xFFFFFFC0  }
0x4d: {  	v3 =	vld [tilespmem:$0x0];
	_ =	sdelay $0x4  }
0x4e: {  	v4 =	vshrl.u32 v3, $0x3  }
0x4f: {  	v4 =	vmul.u32 $0x28, v4  }
0x50: {  	v3 =	vand.u32 $0x7, v3  }
0x51: {  	v3 =	vor.u32 v3, v4  }
0x52: {  	v4 =	vperm.xlane v3, v0;
	_ =	sdelay $0x1  }
0x53: {  	v4 =	vadd.s32 v1, v4;
	_ =	sdelay $0x3  }
0x54: {  	v3 =	vperm.xlane v3, v2  }
0x55: {  	[tilespmem:s13], [sflag:$0x1] =	stream.indirect_vreg.gather [hbm4b:s5+s2], $0x80, v4, vm0, $0xb8;
	[tilespmem:$0x1E800] =	vst v63  }
0x56: {  	s0 =	simm.s32 $0x1000;
	v3 =	vadd.s32 v1, v3  }
0x57: {  	[tilespmem:s0], [sflag:$0x1] =	stream.indirect_vreg.gather [hbm4b:s6+s2], $0x80, v4, vm0, $0xb8;
	[tilespmem:$0x1E800] =	vst v63  }
0x58: {  	s21 =	simm.s32 $0x1800  }
0x59: {  	[tilespmem:s21], [sflag:$0x1] =	stream.indirect_vreg.gather [hbm4b:s7+s2], $0x80, v4, vm1, $0xb8;
	[tilespmem:$0x1E800] =	vst v63  }
0x5a: {  	s22 =	simm.s32 $0x1C00  }
0x5b: {  	[tilespmem:s22], [sflag:$0x1] =	stream.indirect_vreg.gather [hbm4b:s5+s2], $0x80, v3, vm0, $0xb8;
	[tilespmem:$0x1E800] =	vst v63  }
0x5c: {  	s23 =	simm.s32 $0x2400  }
0x5d: {  	[tilespmem:s23], [sflag:$0x1] =	stream.indirect_vreg.gather [hbm4b:s6+s2], $0x80, v3, vm0, $0xb8;
	[tilespmem:$0x1E800] =	vst v63  }
0x5e: {  	s24 =	simm.s32 $0x2C00  }
0x5f: {  	[tilespmem:s24], [sflag:$0x1] =	stream.indirect_vreg.gather [hbm4b:s7+s2], $0x80, v3, vm1, $0xb8;
	[tilespmem:$0x1E800] =	vst v63  }
0x60: {  	v3 =	vld [tilespmem:$0x10];
	_ =	sdelay $0x4  }
0x61: {  	v25 =	vshrl.u32 v3, $0x3  }
0x62: {  	v4 =	vmul.u32 $0x28, v25  }
0x63: {  	v3 =	vand.u32 $0x7, v3  }
0x64: {  	v3 =	vor.u32 v3, v4  }
0x65: {  	v4 =	vperm.xlane v3, v0;
	_ =	sdelay $0x1  }
0x66: {  	v4 =	vadd.s32 v1, v4;
	_ =	sdelay $0x3  }
0x67: {  	s25 =	simm.s32 $0x3000;
	v3 =	vperm.xlane v3, v2  }
0x68: {  	[tilespmem:s25], [sflag:$0x1] =	stream.indirect_vreg.gather [hbm4b:s5+s2], $0x80, v4, vm0, $0xb8;
	[tilespmem:$0x1E800] =	vst v63  }
0x69: {  	s26 =	simm.s32 $0x3800;
	v3 =	vadd.s32 v1, v3  }
0x6a: {  	[tilespmem:s26], [sflag:$0x1] =	stream.indirect_vreg.gather [hbm4b:s6+s2], $0x80, v4, vm0, $0xb8;
	[tilespmem:$0x1E800] =	vst v63  }
0x6b: {  	s28 =	simm.s32 $0x4000  }
0x6c: {  	[tilespmem:s28], [sflag:$0x1] =	stream.indirect_vreg.gather [hbm4b:s7+s2], $0x80, v4, vm1, $0xb8;
	[tilespmem:$0x1E800] =	vst v63  }
0x6d: {  	s29 =	simm.s32 $0x4400  }
0x6e: {  	[tilespmem:s29], [sflag:$0x1] =	stream.indirect_vreg.gather [hbm4b:s5+s2], $0x80, v3, vm0, $0xb8;
	[tilespmem:$0x1E800] =	vst v63  }
0x6f: {  	s30 =	simm.s32 $0x4C00  }
0x70: {  	[tilespmem:s30], [sflag:$0x1] =	stream.indirect_vreg.gather [hbm4b:s6+s2], $0x80, v3, vm0, $0xb8;
	[tilespmem:$0x1E800] =	vst v63  }
0x71: {  	s31 =	simm.s32 $0x5400  }
0x72: {  	[tilespmem:s31], [sflag:$0x1] =	stream.indirect_vreg.gather [hbm4b:s7+s2], $0x80, v3, vm1, $0xb8;
	[tilespmem:$0x1E800] =	vst v63  }
0x73: {  	v3 =	vld [tilespmem:$0x20];
	_ =	sdelay $0x4  }
0x74: {  	v26 =	vshrl.u32 v3, $0x3  }
0x75: {  	v4 =	vmul.u32 $0x28, v26  }
0x76: {  	v3 =	vand.u32 $0x7, v3  }
0x77: {  	v3 =	vor.u32 v3, v4  }
0x78: {  	v4 =	vperm.xlane v3, v0;
	_ =	sdelay $0x1  }
0x79: {  	v4 =	vadd.s32 v1, v4;
	_ =	sdelay $0x3  }
0x7a: {  	s1 =	simm.s32 $0x5800;
	v3 =	vperm.xlane v3, v2  }
0x7b: {  	[tilespmem:s1], [sflag:$0x1] =	stream.indirect_vreg.gather [hbm4b:s5+s2], $0x80, v4, vm0, $0xb8;
	[tilespmem:$0x1E800] =	vst v63  }
0x7c: {  	s3 =	simm.s32 $0x6000;
	v3 =	vadd.s32 v1, v3  }
0x7d: {  	[tilespmem:s3], [sflag:$0x1] =	stream.indirect_vreg.gather [hbm4b:s6+s2], $0x80, v4, vm0, $0xb8;
	[tilespmem:$0x1E800] =	vst v63  }
0x7e: {  	s4 =	simm.s32 $0x6800  }
0x7f: {  	[tilespmem:s4], [sflag:$0x1] =	stream.indirect_vreg.gather [hbm4b:s7+s2], $0x80, v4, vm1, $0xb8;
	[tilespmem:$0x1E800] =	vst v63  }
0x80: {  	s10 =	simm.s32 $0x6C00  }
0x81: {  	[tilespmem:s10], [sflag:$0x1] =	stream.indirect_vreg.gather [hbm4b:s5+s2], $0x80, v3, vm0, $0xb8;
	[tilespmem:$0x1E800] =	vst v63  }
0x82: {  	s12 =	simm.s32 $0x7400  }
0x83: {  	[tilespmem:s12], [sflag:$0x1] =	stream.indirect_vreg.gather [hbm4b:s6+s2], $0x80, v3, vm0, $0xb8;
	[tilespmem:$0x1E800] =	vst v63  }
0x84: {  	s16 =	simm.s32 $0x7C00  }
0x85: {  	[tilespmem:s16], [sflag:$0x1] =	stream.indirect_vreg.gather [hbm4b:s7+s2], $0x80, v3, vm1, $0xb8;
	[tilespmem:$0x1E800] =	vst v63  }
0x86: {  	v3 =	vld [tilespmem:$0x30];
	_ =	sdelay $0x4  }
0x87: {  	v27 =	vshrl.u32 v3, $0x3  }
0x88: {  	v4 =	vmul.u32 $0x28, v27  }
0x89: {  	v3 =	vand.u32 $0x7, v3  }
0x8a: {  	v3 =	vor.u32 v3, v4  }
0x8b: {  	v4 =	vperm.xlane v3, v0;
	_ =	sdelay $0x1  }
0x8c: {  	v4 =	vadd.s32 v1, v4;
	_ =	sdelay $0x3  }
0x8d: {  	s18 =	simm.s32 $0x8000;
	v3 =	vperm.xlane v3, v2  }
0x8e: {  	[tilespmem:s18], [sflag:$0x1] =	stream.indirect_vreg.gather [hbm4b:s5+s2], $0x80, v4, vm0, $0xb8;
	[tilespmem:$0x1E800] =	vst v63  }
0x8f: {  	s19 =	simm.s32 $0x8800;
	v3 =	vadd.s32 v1, v3  }
0x90: {  	[tilespmem:s19], [sflag:$0x1] =	stream.indirect_vreg.gather [hbm4b:s6+s2], $0x80, v4, vm0, $0xb8;
	[tilespmem:$0x1E800] =	vst v63  }
0x91: {  	s21 =	simm.s32 $0x9000  }
0x92: {  	[tilespmem:s21], [sflag:$0x1] =	stream.indirect_vreg.gather [hbm4b:s7+s2], $0x80, v4, vm1, $0xb8;
	[tilespmem:$0x1E800] =	vst v63  }
0x93: {  	s22 =	simm.s32 $0x9400  }
0x94: {  	[tilespmem:s22], [sflag:$0x1] =	stream.indirect_vreg.gather [hbm4b:s5+s2], $0x80, v3, vm0, $0xb8;
	[tilespmem:$0x1E800] =	vst v63  }
0x95: {  	s23 =	simm.s32 $0x9C00  }
0x96: {  	[tilespmem:s23], [sflag:$0x1] =	stream.indirect_vreg.gather [hbm4b:s6+s2], $0x80, v3, vm0, $0xb8;
	[tilespmem:$0x1E800] =	vst v63  }
0x97: {  	s26 =	simm.s32 $0xA400  }
0x98: {  	[tilespmem:s26], [sflag:$0x1] =	stream.indirect_vreg.gather [hbm4b:s7+s2], $0x80, v3, vm1, $0xb8;
	[tilespmem:$0x1E800] =	vst v63  }
0x99: {  	v3 =	vld [tilespmem:$0x80];
	_ =	sdelay $0x4  }
0x9a: {  	v28 =	vshrl.u32 v3, $0x3  }
0x9b: {  	v4 =	vmul.u32 $0x28, v28  }
0x9c: {  	v3 =	vand.u32 $0x7, v3  }
0x9d: {  	v3 =	vor.u32 v3, v4  }
0x9e: {  	v4 =	vperm.xlane v3, v0;
	_ =	sdelay $0x1  }
0x9f: {  	v4 =	vadd.s32 v1, v4;
	_ =	sdelay $0x3  }
0xa0: {  	s1 =	simm.s32 $0xA800;
	v3 =	vperm.xlane v3, v2  }
0xa1: {  	[tilespmem:s1], [sflag:$0x2] =	stream.indirect_vreg.gather [hbm4b:s5+s2], $0x80, v4, vm0, $0xb8;
	[tilespmem:$0x1E800] =	vst v63  }
0xa2: {  	s3 =	simm.s32 $0xB000;
	v3 =	vadd.s32 v1, v3  }
0xa3: {  	[tilespmem:s3], [sflag:$0x2] =	stream.indirect_vreg.gather [hbm4b:s6+s2], $0x80, v4, vm0, $0xb8;
	[tilespmem:$0x1E800] =	vst v63  }
0xa4: {  	s28 =	simm.s32 $0xB800  }
0xa5: {  	[tilespmem:s28], [sflag:$0x2] =	stream.indirect_vreg.gather [hbm4b:s7+s2], $0x80, v4, vm1, $0xb8;
	[tilespmem:$0x1E800] =	vst v63  }
0xa6: {  	s31 =	simm.s32 $0xBC00  }
0xa7: {  	[tilespmem:s31], [sflag:$0x2] =	stream.indirect_vreg.gather [hbm4b:s5+s2], $0x80, v3, vm0, $0xb8;
	[tilespmem:$0x1E800] =	vst v63  }
0xa8: {  	s4 =	simm.s32 $0xC400  }
0xa9: {  	[tilespmem:s4], [sflag:$0x2] =	stream.indirect_vreg.gather [hbm4b:s6+s2], $0x80, v3, vm0, $0xb8;
	[tilespmem:$0x1E800] =	vst v63  }
0xaa: {  	s10 =	simm.s32 $0xCC00  }
0xab: {  	[tilespmem:s10], [sflag:$0x2] =	stream.indirect_vreg.gather [hbm4b:s7+s2], $0x80, v3, vm1, $0xb8;
	[tilespmem:$0x1E800] =	vst v63  }
0xac: {  	v3 =	vld [tilespmem:$0x90];
	_ =	sdelay $0x4  }
0xad: {  	v29 =	vshrl.u32 v3, $0x3  }
0xae: {  	v4 =	vmul.u32 $0x28, v29  }
0xaf: {  	v3 =	vand.u32 $0x7, v3  }
0xb0: {  	v3 =	vor.u32 v3, v4  }
0xb1: {  	v4 =	vperm.xlane v3, v0;
	_ =	sdelay $0x1  }
0xb2: {  	v4 =	vadd.s32 v1, v4;
	_ =	sdelay $0x3  }
0xb3: {  	s12 =	simm.s32 $0xD000;
	v3 =	vperm.xlane v3, v2  }
0xb4: {  	[tilespmem:s12], [sflag:$0x2] =	stream.indirect_vreg.gather [hbm4b:s5+s2], $0x80, v4, vm0, $0xb8;
	[tilespmem:$0x1E800] =	vst v63  }
0xb5: {  	s18 =	simm.s32 $0xD800;
	v3 =	vadd.s32 v1, v3  }
0xb6: {  	[tilespmem:s18], [sflag:$0x2] =	stream.indirect_vreg.gather [hbm4b:s6+s2], $0x80, v4, vm0, $0xb8;
	[tilespmem:$0x1E800] =	vst v63  }
0xb7: {  	s19 =	simm.s32 $0xE000  }
0xb8: {  	[tilespmem:s19], [sflag:$0x2] =	stream.indirect_vreg.gather [hbm4b:s7+s2], $0x80, v4, vm1, $0xb8;
	[tilespmem:$0x1E800] =	vst v63  }
0xb9: {  	s21 =	simm.s32 $0xE400  }
0xba: {  	[tilespmem:s21], [sflag:$0x2] =	stream.indirect_vreg.gather [hbm4b:s5+s2], $0x80, v3, vm0, $0xb8;
	[tilespmem:$0x1E800] =	vst v63  }
0xbb: {  	s22 =	simm.s32 $0xEC00  }
0xbc: {  	[tilespmem:s22], [sflag:$0x2] =	stream.indirect_vreg.gather [hbm4b:s6+s2], $0x80, v3, vm0, $0xb8;
	[tilespmem:$0x1E800] =	vst v63  }
0xbd: {  	s23 =	simm.s32 $0xF400  }
0xbe: {  	[tilespmem:s23], [sflag:$0x2] =	stream.indirect_vreg.gather [hbm4b:s7+s2], $0x80, v3, vm1, $0xb8;
	[tilespmem:$0x1E800] =	vst v63  }
0xbf: {  	v3 =	vld [tilespmem:$0xA0];
	_ =	sdelay $0x4  }
0xc0: {  	v30 =	vshrl.u32 v3, $0x3  }
0xc1: {  	v4 =	vmul.u32 $0x28, v30  }
0xc2: {  	v3 =	vand.u32 $0x7, v3  }
0xc3: {  	v3 =	vor.u32 v3, v4  }
0xc4: {  	v4 =	vperm.xlane v3, v0;
	_ =	sdelay $0x1  }
0xc5: {  	v4 =	vadd.s32 v1, v4;
	_ =	sdelay $0x3  }
0xc6: {  	s26 =	simm.s32 $0xF800;
	v3 =	vperm.xlane v3, v2  }
0xc7: {  	[tilespmem:s26], [sflag:$0x2] =	stream.indirect_vreg.gather [hbm4b:s5+s2], $0x80, v4, vm0, $0xb8;
	[tilespmem:$0x1E800] =	vst v63  }
0xc8: {  	s28 =	simm.s32 $0x10000;
	v3 =	vadd.s32 v1, v3  }
0xc9: {  	[tilespmem:s28], [sflag:$0x2] =	stream.indirect_vreg.gather [hbm4b:s6+s2], $0x80, v4, vm0, $0xb8;
	[tilespmem:$0x1E800] =	vst v63  }
0xca: {  	s31 =	simm.s32 $0x10800  }
0xcb: {  	[tilespmem:s31], [sflag:$0x2] =	stream.indirect_vreg.gather [hbm4b:s7+s2], $0x80, v4, vm1, $0xb8;
	[tilespmem:$0x1E800] =	vst v63  }
0xcc: {  	s4 =	simm.s32 $0x10C00  }
0xcd: {  	[tilespmem:s4], [sflag:$0x2] =	stream.indirect_vreg.gather [hbm4b:s5+s2], $0x80, v3, vm0, $0xb8;
	[tilespmem:$0x1E800] =	vst v63  }
0xce: {  	s10 =	simm.s32 $0x11400  }
0xcf: {  	[tilespmem:s10], [sflag:$0x2] =	stream.indirect_vreg.gather [hbm4b:s6+s2], $0x80, v3, vm0, $0xb8;
	[tilespmem:$0x1E800] =	vst v63  }
0xd0: {  	s12 =	simm.s32 $0x11C00  }
0xd1: {  	[tilespmem:s12], [sflag:$0x2] =	stream.indirect_vreg.gather [hbm4b:s7+s2], $0x80, v3, vm1, $0xb8;
	[tilespmem:$0x1E800] =	vst v63  }
0xd2: {  	v3 =	vld [tilespmem:$0xB0];
	_ =	sdelay $0x4  }
0xd3: {  	v31 =	vshrl.u32 v3, $0x3  }
0xd4: {  	v4 =	vmul.u32 $0x28, v31  }
0xd5: {  	v3 =	vand.u32 $0x7, v3  }
0xd6: {  	v3 =	vor.u32 v3, v4  }
0xd7: {  	v4 =	vperm.xlane v3, v0;
	_ =	sdelay $0x1  }
0xd8: {  	v4 =	vadd.s32 v1, v4;
	_ =	sdelay $0x3  }
0xd9: {  	s18 =	simm.s32 $0x12000;
	v3 =	vperm.xlane v3, v2  }
0xda: {  	[tilespmem:s18], [sflag:$0x2] =	stream.indirect_vreg.gather [hbm4b:s5+s2], $0x80, v4, vm0, $0xb8;
	[tilespmem:$0x1E800] =	vst v63  }
0xdb: {  	s19 =	simm.s32 $0x12800;
	v3 =	vadd.s32 v1, v3  }
0xdc: {  	[tilespmem:s19], [sflag:$0x2] =	stream.indirect_vreg.gather [hbm4b:s6+s2], $0x80, v4, vm0, $0xb8;
	[tilespmem:$0x1E800] =	vst v63  }
0xdd: {  	s21 =	simm.s32 $0x13000  }
0xde: {  	[tilespmem:s21], [sflag:$0x2] =	stream.indirect_vreg.gather [hbm4b:s7+s2], $0x80, v4, vm1, $0xb8;
	[tilespmem:$0x1E800] =	vst v63  }
0xdf: {  	s22 =	simm.s32 $0x13400  }
0xe0: {  	[tilespmem:s22], [sflag:$0x2] =	stream.indirect_vreg.gather [hbm4b:s5+s2], $0x80, v3, vm0, $0xb8;
	[tilespmem:$0x1E800] =	vst v63  }
0xe1: {  	s23 =	simm.s32 $0x13C00  }
0xe2: {  	[tilespmem:s23], [sflag:$0x2] =	stream.indirect_vreg.gather [hbm4b:s6+s2], $0x80, v3, vm0, $0xb8;
	[tilespmem:$0x1E800] =	vst v63  }
0xe3: {  	s26 =	simm.s32 $0x14400  }
0xe4: {  	[tilespmem:s26], [sflag:$0x2] =	stream.indirect_vreg.gather [hbm4b:s7+s2], $0x80, v3, vm1, $0xb8;
	[tilespmem:$0x1E800] =	vst v63  }
0xe5: {  	_ =	swait.ge [sflag:s11], $0xA000  }
0xe6: {  	[sflag:s11] =	ssyncset.done $0x0  }
0xe7: {  	s28 =	rddreg [dreg:$0x1f];
	[sflag:s11] =	ssyncadd.s32 $0xFFFF6000  }
0xe8: {  	[hbm4b:s28+s2] =	stream.linear.scatter [tilespmem:s13], [sflag:$0x4], $0xA000, $0x38;
	[tilespmem:$0x1E800] =	vst v63  }
0xe9: {  	v3 =	vld [tilespmem:$0x100];
	_ =	sdelay $0x4  }
0xea: {  	v32 =	vshrl.u32 v3, $0x3  }
0xeb: {  	v4 =	vmul.u32 $0x28, v32  }
0xec: {  	v3 =	vand.u32 $0x7, v3  }
0xed: {  	v3 =	vor.u32 v3, v4  }
0xee: {  	v4 =	vperm.xlane v3, v0;
	_ =	sdelay $0x1  }
0xef: {  	v4 =	vadd.s32 v1, v4;
	_ =	sdelay $0x3  }
0xf0: {  	s19 =	simm.s32 $0x14800;
	v3 =	vperm.xlane v3, v2  }
0xf1: {  	[tilespmem:s19], [sflag:$0x3] =	stream.indirect_vreg.gather [hbm4b:s5+s2], $0x80, v4, vm0, $0xb8;
	[tilespmem:$0x1E800] =	vst v63  }
0xf2: {  	s31 =	simm.s32 $0x15000;
	v3 =	vadd.s32 v1, v3  }
0xf3: {  	[tilespmem:s31], [sflag:$0x3] =	stream.indirect_vreg.gather [hbm4b:s6+s2], $0x80, v4, vm0, $0xb8;
	[tilespmem:$0x1E800] =	vst v63  }
0xf4: {  	s4 =	simm.s32 $0x15800  }
0xf5: {  	[tilespmem:s4], [sflag:$0x3] =	stream.indirect_vreg.gather [hbm4b:s7+s2], $0x80, v4, vm1, $0xb8;
	[tilespmem:$0x1E800] =	vst v63  }
0xf6: {  	s10 =	simm.s32 $0x15C00  }
0xf7: {  	[tilespmem:s10], [sflag:$0x3] =	stream.indirect_vreg.gather [hbm4b:s5+s2], $0x80, v3, vm0, $0xb8;
	[tilespmem:$0x1E800] =	vst v63  }
0xf8: {  	s12 =	simm.s32 $0x16400  }
0xf9: {  	[tilespmem:s12], [sflag:$0x3] =	stream.indirect_vreg.gather [hbm4b:s6+s2], $0x80, v3, vm0, $0xb8;
	[tilespmem:$0x1E800] =	vst v63  }
0xfa: {  	s18 =	simm.s32 $0x16C00  }
0xfb: {  	[tilespmem:s18], [sflag:$0x3] =	stream.indirect_vreg.gather [hbm4b:s7+s2], $0x80, v3, vm1, $0xb8;
	[tilespmem:$0x1E800] =	vst v63  }
0xfc: {  	v3 =	vld [tilespmem:$0x110];
	_ =	sdelay $0x4  }
0xfd: {  	v33 =	vshrl.u32 v3, $0x3  }
0xfe: {  	v4 =	vmul.u32 $0x28, v33  }
0xff: {  	v3 =	vand.u32 $0x7, v3  }
0x100: {  	v3 =	vor.u32 v3, v4  }
0x101: {  	v4 =	vperm.xlane v3, v0;
	_ =	sdelay $0x1  }
0x102: {  	v4 =	vadd.s32 v1, v4;
	_ =	sdelay $0x3  }
0x103: {  	s21 =	simm.s32 $0x17000;
	v3 =	vperm.xlane v3, v2  }
0x104: {  	[tilespmem:s21], [sflag:$0x3] =	stream.indirect_vreg.gather [hbm4b:s5+s2], $0x80, v4, vm0, $0xb8;
	[tilespmem:$0x1E800] =	vst v63  }
0x105: {  	s22 =	simm.s32 $0x17800;
	v3 =	vadd.s32 v1, v3  }
0x106: {  	[tilespmem:s22], [sflag:$0x3] =	stream.indirect_vreg.gather [hbm4b:s6+s2], $0x80, v4, vm0, $0xb8;
	[tilespmem:$0x1E800] =	vst v63  }
0x107: {  	s23 =	simm.s32 $0x18000  }
0x108: {  	[tilespmem:s23], [sflag:$0x3] =	stream.indirect_vreg.gather [hbm4b:s7+s2], $0x80, v4, vm1, $0xb8;
	[tilespmem:$0x1E800] =	vst v63  }
0x109: {  	s26 =	simm.s32 $0x18400  }
0x10a: {  	[tilespmem:s26], [sflag:$0x3] =	stream.indirect_vreg.gather [hbm4b:s5+s2], $0x80, v3, vm0, $0xb8;
	[tilespmem:$0x1E800] =	vst v63  }
0x10b: {  	s28 =	simm.s32 $0x18C00  }
0x10c: {  	[tilespmem:s28], [sflag:$0x3] =	stream.indirect_vreg.gather [hbm4b:s6+s2], $0x80, v3, vm0, $0xb8;
	[tilespmem:$0x1E800] =	vst v63  }
0x10d: {  	s31 =	simm.s32 $0x19400  }
0x10e: {  	[tilespmem:s31], [sflag:$0x3] =	stream.indirect_vreg.gather [hbm4b:s7+s2], $0x80, v3, vm1, $0xb8;
	[tilespmem:$0x1E800] =	vst v63  }
0x10f: {  	v3 =	vld [tilespmem:$0x120];
	_ =	sdelay $0x4  }
0x110: {  	v34 =	vshrl.u32 v3, $0x3  }
0x111: {  	v4 =	vmul.u32 $0x28, v34  }
0x112: {  	v3 =	vand.u32 $0x7, v3  }
0x113: {  	v3 =	vor.u32 v3, v4  }
0x114: {  	v4 =	vperm.xlane v3, v0;
	_ =	sdelay $0x1  }
0x115: {  	v4 =	vadd.s32 v1, v4;
	_ =	sdelay $0x3  }
0x116: {  	s4 =	simm.s32 $0x19800;
	v3 =	vperm.xlane v3, v2  }
0x117: {  	[tilespmem:s4], [sflag:$0x3] =	stream.indirect_vreg.gather [hbm4b:s5+s2], $0x80, v4, vm0, $0xb8;
	[tilespmem:$0x1E800] =	vst v63  }
0x118: {  	s10 =	simm.s32 $0x1A000;
	v3 =	vadd.s32 v1, v3  }
0x119: {  	[tilespmem:s10], [sflag:$0x3] =	stream.indirect_vreg.gather [hbm4b:s6+s2], $0x80, v4, vm0, $0xb8;
	[tilespmem:$0x1E800] =	vst v63  }
0x11a: {  	s12 =	simm.s32 $0x1A800  }
0x11b: {  	[tilespmem:s12], [sflag:$0x3] =	stream.indirect_vreg.gather [hbm4b:s7+s2], $0x80, v4, vm1, $0xb8;
	[tilespmem:$0x1E800] =	vst v63  }
0x11c: {  	s18 =	simm.s32 $0x1AC00  }
0x11d: {  	[tilespmem:s18], [sflag:$0x3] =	stream.indirect_vreg.gather [hbm4b:s5+s2], $0x80, v3, vm0, $0xb8;
	[tilespmem:$0x1E800] =	vst v63  }
0x11e: {  	s21 =	simm.s32 $0x1B400  }
0x11f: {  	[tilespmem:s21], [sflag:$0x3] =	stream.indirect_vreg.gather [hbm4b:s6+s2], $0x80, v3, vm0, $0xb8;
	[tilespmem:$0x1E800] =	vst v63  }
0x120: {  	s22 =	simm.s32 $0x1BC00  }
0x121: {  	[tilespmem:s22], [sflag:$0x3] =	stream.indirect_vreg.gather [hbm4b:s7+s2], $0x80, v3, vm1, $0xb8;
	[tilespmem:$0x1E800] =	vst v63  }
0x122: {  	v3 =	vld [tilespmem:$0x130];
	_ =	sdelay $0x4  }
0x123: {  	v35 =	vshrl.u32 v3, $0x3  }
0x124: {  	v4 =	vmul.u32 $0x28, v35  }
0x125: {  	v3 =	vand.u32 $0x7, v3  }
0x126: {  	v3 =	vor.u32 v3, v4  }
0x127: {  	v4 =	vperm.xlane v3, v0;
	_ =	sdelay $0x1  }
0x128: {  	v4 =	vadd.s32 v1, v4;
	_ =	sdelay $0x3  }
0x129: {  	s23 =	simm.s32 $0x1C000;
	v3 =	vperm.xlane v3, v2  }
0x12a: {  	[tilespmem:s23], [sflag:$0x3] =	stream.indirect_vreg.gather [hbm4b:s5+s2], $0x80, v4, vm0, $0xb8;
	[tilespmem:$0x1E800] =	vst v63  }
0x12b: {  	s26 =	simm.s32 $0x1C800;
	v3 =	vadd.s32 v1, v3  }
0x12c: {  	[tilespmem:s26], [sflag:$0x3] =	stream.indirect_vreg.gather [hbm4b:s6+s2], $0x80, v4, vm0, $0xb8;
	[tilespmem:$0x1E800] =	vst v63  }
0x12d: {  	s28 =	simm.s32 $0x1D000  }
0x12e: {  	[tilespmem:s28], [sflag:$0x3] =	stream.indirect_vreg.gather [hbm4b:s7+s2], $0x80, v4, vm1, $0xb8;
	[tilespmem:$0x1E800] =	vst v63  }
0x12f: {  	s31 =	simm.s32 $0x1D400  }
0x130: {  	[tilespmem:s31], [sflag:$0x3] =	stream.indirect_vreg.gather [hbm4b:s5+s2], $0x80, v3, vm0, $0xb8;
	[tilespmem:$0x1E800] =	vst v63  }
0x131: {  	s4 =	simm.s32 $0x1DC00  }
0x132: {  	[tilespmem:s4], [sflag:$0x3] =	stream.indirect_vreg.gather [hbm4b:s6+s2], $0x80, v3, vm0, $0xb8;
	[tilespmem:$0x1E800] =	vst v63  }
0x133: {  	s10 =	simm.s32 $0x1E400  }
0x134: {  	[tilespmem:s10], [sflag:$0x3] =	stream.indirect_vreg.gather [hbm4b:s7+s2], $0x80, v3, vm1, $0xb8;
	[tilespmem:$0x1E800] =	vst v63  }
0x135: {  	_ =	swait.ge [sflag:s15], $0xA000  }
0x136: {  	[sflag:s15] =	ssyncset.done $0x0  }
0x137: {  	s12 =	rddreg [dreg:$0xc];
	[sflag:s15] =	ssyncadd.s32 $0xFFFF6000  }
0x138: {  	[hbm4b:s12+s2] =	stream.linear.scatter [tilespmem:s1], [sflag:$0x5], $0xA000, $0x38;
	[tilespmem:$0x1E800] =	vst v63  }
0x139: {  	_ =	swait.ge [sflag:s14], $0xA000  }
0x13a: {  	[sflag:s14] =	ssyncset.done $0x0  }
0x13b: {  	[sflag:s14] =	ssyncadd.s32 $0xFFFF6000  }
0x13c: {  	v3 =	vld [tilespmem:$0x180];
	_ =	sdelay $0x4  }
0x13d: {  	v36 =	vshrl.u32 v3, $0x3  }
0x13e: {  	v4 =	vmul.u32 $0x28, v36  }
0x13f: {  	v3 =	vand.u32 $0x7, v3  }
0x140: {  	v3 =	vor.u32 v3, v4  }
0x141: {  	v4 =	vperm.xlane v3, v0;
	_ =	sdelay $0x1  }
0x142: {  	v4 =	vadd.s32 v1, v4;
	_ =	sdelay $0x3  }
0x143: {  	v3 =	vperm.xlane v3, v2  }
0x144: {  	[tilespmem:s13], [sflag:$0x1] =	stream.indirect_vreg.gather [hbm4b:s5+s2], $0x80, v4, vm0, $0xb8;
	[tilespmem:$0x1E800] =	vst v63  }
0x145: {  	s10 =	simm.s32 $0x1000;
	v3 =	vadd.s32 v1, v3  }
0x146: {  	[tilespmem:s10], [sflag:$0x1] =	stream.indirect_vreg.gather [hbm4b:s6+s2], $0x80, v4, vm0, $0xb8;
	[tilespmem:$0x1E800] =	vst v63  }
0x147: {  	s3 =	simm.s32 $0x1800  }
0x148: {  	[tilespmem:s3], [sflag:$0x1] =	stream.indirect_vreg.gather [hbm4b:s7+s2], $0x80, v4, vm1, $0xb8;
	[tilespmem:$0x1E800] =	vst v63  }
0x149: {  	s4 =	simm.s32 $0x1C00  }
0x14a: {  	[tilespmem:s4], [sflag:$0x1] =	stream.indirect_vreg.gather [hbm4b:s5+s2], $0x80, v3, vm0, $0xb8;
	[tilespmem:$0x1E800] =	vst v63  }
0x14b: {  	s12 =	simm.s32 $0x2400  }
0x14c: {  	[tilespmem:s12], [sflag:$0x1] =	stream.indirect_vreg.gather [hbm4b:s6+s2], $0x80, v3, vm0, $0xb8;
	[tilespmem:$0x1E800] =	vst v63  }
0x14d: {  	s17 =	simm.s32 $0x2C00  }
0x14e: {  	[tilespmem:s17], [sflag:$0x1] =	stream.indirect_vreg.gather [hbm4b:s7+s2], $0x80, v3, vm1, $0xb8;
	[tilespmem:$0x1E800] =	vst v63  }
0x14f: {  	v3 =	vld [tilespmem:$0x190];
	_ =	sdelay $0x4  }
0x150: {  	v37 =	vshrl.u32 v3, $0x3  }
0x151: {  	v4 =	vmul.u32 $0x28, v37  }
0x152: {  	v3 =	vand.u32 $0x7, v3  }
0x153: {  	v3 =	vor.u32 v3, v4  }
0x154: {  	v4 =	vperm.xlane v3, v0;
	_ =	sdelay $0x1  }
0x155: {  	v4 =	vadd.s32 v1, v4;
	_ =	sdelay $0x3  }
0x156: {  	s20 =	simm.s32 $0x3000;
	v3 =	vperm.xlane v3, v2  }
0x157: {  	[tilespmem:s20], [sflag:$0x1] =	stream.indirect_vreg.gather [hbm4b:s5+s2], $0x80, v4, vm0, $0xb8;
	[tilespmem:$0x1E800] =	vst v63  }
0x158: {  	v3 =	vadd.s32 v1, v3;
	s20 =	simm.s32 $0x3800  }
0x159: {  	[tilespmem:s20], [sflag:$0x1] =	stream.indirect_vreg.gather [hbm4b:s6+s2], $0x80, v4, vm0, $0xb8;
	[tilespmem:$0x1E800] =	vst v63  }
0x15a: {  	s21 =	simm.s32 $0x4000  }
0x15b: {  	[tilespmem:s21], [sflag:$0x1] =	stream.indirect_vreg.gather [hbm4b:s7+s2], $0x80, v4, vm1, $0xb8;
	[tilespmem:$0x1E800] =	vst v63  }
0x15c: {  	s22 =	simm.s32 $0x4400  }
0x15d: {  	[tilespmem:s22], [sflag:$0x1] =	stream.indirect_vreg.gather [hbm4b:s5+s2], $0x80, v3, vm0, $0xb8;
	[tilespmem:$0x1E800] =	vst v63  }
0x15e: {  	s23 =	simm.s32 $0x4C00  }
0x15f: {  	[tilespmem:s23], [sflag:$0x1] =	stream.indirect_vreg.gather [hbm4b:s6+s2], $0x80, v3, vm0, $0xb8;
	[tilespmem:$0x1E800] =	vst v63  }
0x160: {  	s24 =	simm.s32 $0x5400  }
0x161: {  	[tilespmem:s24], [sflag:$0x1] =	stream.indirect_vreg.gather [hbm4b:s7+s2], $0x80, v3, vm1, $0xb8;
	[tilespmem:$0x1E800] =	vst v63  }
0x162: {  	v3 =	vld [tilespmem:$0x1A0];
	_ =	sdelay $0x4  }
0x163: {  	v38 =	vshrl.u32 v3, $0x3  }
0x164: {  	v4 =	vmul.u32 $0x28, v38  }
0x165: {  	v3 =	vand.u32 $0x7, v3  }
0x166: {  	v3 =	vor.u32 v3, v4  }
0x167: {  	v4 =	vperm.xlane v3, v0;
	_ =	sdelay $0x1  }
0x168: {  	v4 =	vadd.s32 v1, v4;
	_ =	sdelay $0x3  }
0x169: {  	s25 =	simm.s32 $0x5800;
	v3 =	vperm.xlane v3, v2  }
0x16a: {  	[tilespmem:s25], [sflag:$0x1] =	stream.indirect_vreg.gather [hbm4b:s5+s2], $0x80, v4, vm0, $0xb8;
	[tilespmem:$0x1E800] =	vst v63  }
0x16b: {  	s24 =	simm.s32 $0x6000;
	v3 =	vadd.s32 v1, v3  }
0x16c: {  	[tilespmem:s24], [sflag:$0x1] =	stream.indirect_vreg.gather [hbm4b:s6+s2], $0x80, v4, vm0, $0xb8;
	[tilespmem:$0x1E800] =	vst v63  }
0x16d: {  	s25 =	simm.s32 $0x6800  }
0x16e: {  	[tilespmem:s25], [sflag:$0x1] =	stream.indirect_vreg.gather [hbm4b:s7+s2], $0x80, v4, vm1, $0xb8;
	[tilespmem:$0x1E800] =	vst v63  }
0x16f: {  	s26 =	simm.s32 $0x6C00  }
0x170: {  	[tilespmem:s26], [sflag:$0x1] =	stream.indirect_vreg.gather [hbm4b:s5+s2], $0x80, v3, vm0, $0xb8;
	[tilespmem:$0x1E800] =	vst v63  }
0x171: {  	s28 =	simm.s32 $0x7400  }
0x172: {  	[tilespmem:s28], [sflag:$0x1] =	stream.indirect_vreg.gather [hbm4b:s6+s2], $0x80, v3, vm0, $0xb8;
	[tilespmem:$0x1E800] =	vst v63  }
0x173: {  	s29 =	simm.s32 $0x7C00  }
0x174: {  	[tilespmem:s29], [sflag:$0x1] =	stream.indirect_vreg.gather [hbm4b:s7+s2], $0x80, v3, vm1, $0xb8;
	[tilespmem:$0x1E800] =	vst v63  }
0x175: {  	v3 =	vld [tilespmem:$0x1B0];
	_ =	sdelay $0x4  }
0x176: {  	v39 =	vshrl.u32 v3, $0x3  }
0x177: {  	v4 =	vmul.u32 $0x28, v39  }
0x178: {  	v3 =	vand.u32 $0x7, v3  }
0x179: {  	v3 =	vor.u32 v3, v4  }
0x17a: {  	v4 =	vperm.xlane v3, v0;
	_ =	sdelay $0x1  }
0x17b: {  	v4 =	vadd.s32 v1, v4;
	_ =	sdelay $0x3  }
0x17c: {  	s30 =	simm.s32 $0x8000;
	v3 =	vperm.xlane v3, v2  }
0x17d: {  	[tilespmem:s30], [sflag:$0x1] =	stream.indirect_vreg.gather [hbm4b:s5+s2], $0x80, v4, vm0, $0xb8;
	[tilespmem:$0x1E800] =	vst v63  }
0x17e: {  	s29 =	simm.s32 $0x8800;
	v3 =	vadd.s32 v1, v3  }
0x17f: {  	[tilespmem:s29], [sflag:$0x1] =	stream.indirect_vreg.gather [hbm4b:s6+s2], $0x80, v4, vm0, $0xb8;
	[tilespmem:$0x1E800] =	vst v63  }
0x180: {  	s30 =	simm.s32 $0x9000  }
0x181: {  	[tilespmem:s30], [sflag:$0x1] =	stream.indirect_vreg.gather [hbm4b:s7+s2], $0x80, v4, vm1, $0xb8;
	[tilespmem:$0x1E800] =	vst v63  }
0x182: {  	s31 =	simm.s32 $0x9400  }
0x183: {  	[tilespmem:s31], [sflag:$0x1] =	stream.indirect_vreg.gather [hbm4b:s5+s2], $0x80, v3, vm0, $0xb8;
	[tilespmem:$0x1E800] =	vst v63  }
0x184: {  	s16 =	simm.s32 $0x9C00  }
0x185: {  	[tilespmem:s16], [sflag:$0x1] =	stream.indirect_vreg.gather [hbm4b:s6+s2], $0x80, v3, vm0, $0xb8;
	[tilespmem:$0x1E800] =	vst v63  }
0x186: {  	s0 =	simm.s32 $0xA400;
	s16 =	simm.s32 $0x3  }
0x187: {  	[tilespmem:s0], [sflag:$0x1] =	stream.indirect_vreg.gather [hbm4b:s7+s2], $0x80, v3, vm1, $0xb8;
	[tilespmem:$0x1E800] =	vst v63  }
0x188: {  	_ =	swait.ge [sflag:s16], $0xA000  }
0x189: {  	[sflag:s16] =	ssyncset.done $0x0  }
0x18a: {  	s17 =	rddreg [dreg:$0xd];
	[sflag:s16] =	ssyncadd.s32 $0xFFFF6000  }
0x18b: {  	[hbm4b:s17+s2] =	stream.linear.scatter [tilespmem:s19], [sflag:$0x6], $0xA000, $0x38;
	[tilespmem:$0x1E800] =	vst v63  }
0x18c: {  	s17 =	simm.s32 $0x5  }
0x18d: {  	_ =	swait.ge [sflag:s17], $0xA000  }
0x18e: {  	[sflag:s17] =	ssyncset.done $0x0  }
0x18f: {  	[sflag:s17] =	ssyncadd.s32 $0xFFFF6000  }
0x190: {  	v3 =	vld [tilespmem:$0x200];
	_ =	sdelay $0x4  }
0x191: {  	v40 =	vshrl.u32 v3, $0x3  }
0x192: {  	v4 =	vmul.u32 $0x28, v40  }
0x193: {  	v3 =	vand.u32 $0x7, v3  }
0x194: {  	v3 =	vor.u32 v3, v4  }
0x195: {  	v4 =	vperm.xlane v3, v0;
	_ =	sdelay $0x1  }
0x196: {  	v4 =	vadd.s32 v1, v4;
	_ =	sdelay $0x3  }
0x197: {  	v3 =	vperm.xlane v3, v2  }
0x198: {  	[tilespmem:s1], [sflag:$0x2] =	stream.indirect_vreg.gather [hbm4b:s5+s2], $0x80, v4, vm0, $0xb8;
	[tilespmem:$0x1E800] =	vst v63  }
0x199: {  	s18 =	simm.s32 $0xB000;
	v3 =	vadd.s32 v1, v3  }
0x19a: {  	[tilespmem:s18], [sflag:$0x2] =	stream.indirect_vreg.gather [hbm4b:s6+s2], $0x80, v4, vm0, $0xb8;
	[tilespmem:$0x1E800] =	vst v63  }
0x19b: {  	s18 =	simm.s32 $0xB800  }
0x19c: {  	[tilespmem:s18], [sflag:$0x2] =	stream.indirect_vreg.gather [hbm4b:s7+s2], $0x80, v4, vm1, $0xb8;
	[tilespmem:$0x1E800] =	vst v63  }
0x19d: {  	s18 =	simm.s32 $0xBC00  }
0x19e: {  	[tilespmem:s18], [sflag:$0x2] =	stream.indirect_vreg.gather [hbm4b:s5+s2], $0x80, v3, vm0, $0xb8;
	[tilespmem:$0x1E800] =	vst v63  }
0x19f: {  	s18 =	simm.s32 $0xC400  }
0x1a0: {  	[tilespmem:s18], [sflag:$0x2] =	stream.indirect_vreg.gather [hbm4b:s6+s2], $0x80, v3, vm0, $0xb8;
	[tilespmem:$0x1E800] =	vst v63  }
0x1a1: {  	s18 =	simm.s32 $0xCC00  }
0x1a2: {  	[tilespmem:s18], [sflag:$0x2] =	stream.indirect_vreg.gather [hbm4b:s7+s2], $0x80, v3, vm1, $0xb8;
	[tilespmem:$0x1E800] =	vst v63  }
0x1a3: {  	v3 =	vld [tilespmem:$0x210];
	_ =	sdelay $0x4  }
0x1a4: {  	v41 =	vshrl.u32 v3, $0x3  }
0x1a5: {  	v4 =	vmul.u32 $0x28, v41  }
0x1a6: {  	v3 =	vand.u32 $0x7, v3  }
0x1a7: {  	v3 =	vor.u32 v3, v4  }
0x1a8: {  	v4 =	vperm.xlane v3, v0;
	_ =	sdelay $0x1  }
0x1a9: {  	v4 =	vadd.s32 v1, v4;
	_ =	sdelay $0x3  }
0x1aa: {  	s18 =	simm.s32 $0xD000;
	v3 =	vperm.xlane v3, v2  }
0x1ab: {  	[tilespmem:s18], [sflag:$0x2] =	stream.indirect_vreg.gather [hbm4b:s5+s2], $0x80, v4, vm0, $0xb8;
	[tilespmem:$0x1E800] =	vst v63  }
0x1ac: {  	v3 =	vadd.s32 v1, v3;
	s18 =	simm.s32 $0xD800  }
0x1ad: {  	[tilespmem:s18], [sflag:$0x2] =	stream.indirect_vreg.gather [hbm4b:s6+s2], $0x80, v4, vm0, $0xb8;
	[tilespmem:$0x1E800] =	vst v63  }
0x1ae: {  	s18 =	simm.s32 $0xE000  }
0x1af: {  	[tilespmem:s18], [sflag:$0x2] =	stream.indirect_vreg.gather [hbm4b:s7+s2], $0x80, v4, vm1, $0xb8;
	[tilespmem:$0x1E800] =	vst v63  }
0x1b0: {  	s18 =	simm.s32 $0xE400  }
0x1b1: {  	[tilespmem:s18], [sflag:$0x2] =	stream.indirect_vreg.gather [hbm4b:s5+s2], $0x80, v3, vm0, $0xb8;
	[tilespmem:$0x1E800] =	vst v63  }
0x1b2: {  	s18 =	simm.s32 $0xEC00  }
0x1b3: {  	[tilespmem:s18], [sflag:$0x2] =	stream.indirect_vreg.gather [hbm4b:s6+s2], $0x80, v3, vm0, $0xb8;
	[tilespmem:$0x1E800] =	vst v63  }
0x1b4: {  	s18 =	simm.s32 $0xF400  }
0x1b5: {  	[tilespmem:s18], [sflag:$0x2] =	stream.indirect_vreg.gather [hbm4b:s7+s2], $0x80, v3, vm1, $0xb8;
	[tilespmem:$0x1E800] =	vst v63  }
0x1b6: {  	v3 =	vld [tilespmem:$0x220];
	_ =	sdelay $0x4  }
0x1b7: {  	v42 =	vshrl.u32 v3, $0x3  }
0x1b8: {  	v4 =	vmul.u32 $0x28, v42  }
0x1b9: {  	v3 =	vand.u32 $0x7, v3  }
0x1ba: {  	v3 =	vor.u32 v3, v4  }
0x1bb: {  	v4 =	vperm.xlane v3, v0;
	_ =	sdelay $0x1  }
0x1bc: {  	v4 =	vadd.s32 v1, v4;
	_ =	sdelay $0x3  }
0x1bd: {  	s18 =	simm.s32 $0xF800;
	v3 =	vperm.xlane v3, v2  }
0x1be: {  	[tilespmem:s18], [sflag:$0x2] =	stream.indirect_vreg.gather [hbm4b:s5+s2], $0x80, v4, vm0, $0xb8;
	[tilespmem:$0x1E800] =	vst v63  }
0x1bf: {  	v3 =	vadd.s32 v1, v3;
	s18 =	simm.s32 $0x10000  }
0x1c0: {  	[tilespmem:s18], [sflag:$0x2] =	stream.indirect_vreg.gather [hbm4b:s6+s2], $0x80, v4, vm0, $0xb8;
	[tilespmem:$0x1E800] =	vst v63  }
0x1c1: {  	s18 =	simm.s32 $0x10800  }
0x1c2: {  	[tilespmem:s18], [sflag:$0x2] =	stream.indirect_vreg.gather [hbm4b:s7+s2], $0x80, v4, vm1, $0xb8;
	[tilespmem:$0x1E800] =	vst v63  }
0x1c3: {  	s18 =	simm.s32 $0x10C00  }
0x1c4: {  	[tilespmem:s18], [sflag:$0x2] =	stream.indirect_vreg.gather [hbm4b:s5+s2], $0x80, v3, vm0, $0xb8;
	[tilespmem:$0x1E800] =	vst v63  }
0x1c5: {  	s18 =	simm.s32 $0x11400  }
0x1c6: {  	[tilespmem:s18], [sflag:$0x2] =	stream.indirect_vreg.gather [hbm4b:s6+s2], $0x80, v3, vm0, $0xb8;
	[tilespmem:$0x1E800] =	vst v63  }
0x1c7: {  	s18 =	simm.s32 $0x11C00  }
0x1c8: {  	[tilespmem:s18], [sflag:$0x2] =	stream.indirect_vreg.gather [hbm4b:s7+s2], $0x80, v3, vm1, $0xb8;
	[tilespmem:$0x1E800] =	vst v63  }
0x1c9: {  	v3 =	vld [tilespmem:$0x230];
	_ =	sdelay $0x4  }
0x1ca: {  	v43 =	vshrl.u32 v3, $0x3  }
0x1cb: {  	v4 =	vmul.u32 $0x28, v43  }
0x1cc: {  	v3 =	vand.u32 $0x7, v3  }
0x1cd: {  	v3 =	vor.u32 v3, v4  }
0x1ce: {  	v4 =	vperm.xlane v3, v0;
	_ =	sdelay $0x1  }
0x1cf: {  	v4 =	vadd.s32 v1, v4;
	_ =	sdelay $0x3  }
0x1d0: {  	s18 =	simm.s32 $0x12000;
	v3 =	vperm.xlane v3, v2  }
0x1d1: {  	[tilespmem:s18], [sflag:$0x2] =	stream.indirect_vreg.gather [hbm4b:s5+s2], $0x80, v4, vm0, $0xb8;
	[tilespmem:$0x1E800] =	vst v63  }
0x1d2: {  	v3 =	vadd.s32 v1, v3;
	s18 =	simm.s32 $0x12800  }
0x1d3: {  	[tilespmem:s18], [sflag:$0x2] =	stream.indirect_vreg.gather [hbm4b:s6+s2], $0x80, v4, vm0, $0xb8;
	[tilespmem:$0x1E800] =	vst v63  }
0x1d4: {  	s18 =	simm.s32 $0x13000  }
0x1d5: {  	[tilespmem:s18], [sflag:$0x2] =	stream.indirect_vreg.gather [hbm4b:s7+s2], $0x80, v4, vm1, $0xb8;
	[tilespmem:$0x1E800] =	vst v63  }
0x1d6: {  	s18 =	simm.s32 $0x13400  }
0x1d7: {  	[tilespmem:s18], [sflag:$0x2] =	stream.indirect_vreg.gather [hbm4b:s5+s2], $0x80, v3, vm0, $0xb8;
	[tilespmem:$0x1E800] =	vst v63  }
0x1d8: {  	s18 =	simm.s32 $0x13C00  }
0x1d9: {  	[tilespmem:s18], [sflag:$0x2] =	stream.indirect_vreg.gather [hbm4b:s6+s2], $0x80, v3, vm0, $0xb8;
	[tilespmem:$0x1E800] =	vst v63  }
0x1da: {  	s18 =	simm.s32 $0x14400  }
0x1db: {  	[tilespmem:s18], [sflag:$0x2] =	stream.indirect_vreg.gather [hbm4b:s7+s2], $0x80, v3, vm1, $0xb8;
	[tilespmem:$0x1E800] =	vst v63  }
0x1dc: {  	_ =	swait.ge [sflag:s11], $0xA000  }
0x1dd: {  	[sflag:s11] =	ssyncset.done $0x0  }
0x1de: {  	s0 =	rddreg [dreg:$0xe];
	[sflag:s11] =	ssyncadd.s32 $0xFFFF6000  }
0x1df: {  	[hbm4b:s0+s2] =	stream.linear.scatter [tilespmem:s13], [sflag:$0x4], $0xA000, $0x38;
	[tilespmem:$0x1E800] =	vst v63  }
0x1e0: {  	s0 =	simm.s32 $0x6  }
0x1e1: {  	_ =	swait.ge [sflag:s0], $0xA000  }
0x1e2: {  	[sflag:s0] =	ssyncset.done $0x0  }
0x1e3: {  	[sflag:s0] =	ssyncadd.s32 $0xFFFF6000  }
0x1e4: {  	v3 =	vld [tilespmem:$0x280];
	_ =	sdelay $0x4  }
0x1e5: {  	v44 =	vshrl.u32 v3, $0x3  }
0x1e6: {  	v4 =	vmul.u32 $0x28, v44  }
0x1e7: {  	v3 =	vand.u32 $0x7, v3  }
0x1e8: {  	v3 =	vor.u32 v3, v4  }
0x1e9: {  	v4 =	vperm.xlane v3, v0;
	_ =	sdelay $0x1  }
0x1ea: {  	v4 =	vadd.s32 v1, v4;
	_ =	sdelay $0x3  }
0x1eb: {  	v3 =	vperm.xlane v3, v2  }
0x1ec: {  	[tilespmem:s19], [sflag:$0x3] =	stream.indirect_vreg.gather [hbm4b:s5+s2], $0x80, v4, vm0, $0xb8;
	[tilespmem:$0x1E800] =	vst v63  }
0x1ed: {  	s18 =	simm.s32 $0x15000;
	v3 =	vadd.s32 v1, v3  }
0x1ee: {  	[tilespmem:s18], [sflag:$0x3] =	stream.indirect_vreg.gather [hbm4b:s6+s2], $0x80, v4, vm0, $0xb8;
	[tilespmem:$0x1E800] =	vst v63  }
0x1ef: {  	s18 =	simm.s32 $0x15800  }
0x1f0: {  	[tilespmem:s18], [sflag:$0x3] =	stream.indirect_vreg.gather [hbm4b:s7+s2], $0x80, v4, vm1, $0xb8;
	[tilespmem:$0x1E800] =	vst v63  }
0x1f1: {  	s18 =	simm.s32 $0x15C00  }
0x1f2: {  	[tilespmem:s18], [sflag:$0x3] =	stream.indirect_vreg.gather [hbm4b:s5+s2], $0x80, v3, vm0, $0xb8;
	[tilespmem:$0x1E800] =	vst v63  }
0x1f3: {  	s18 =	simm.s32 $0x16400  }
0x1f4: {  	[tilespmem:s18], [sflag:$0x3] =	stream.indirect_vreg.gather [hbm4b:s6+s2], $0x80, v3, vm0, $0xb8;
	[tilespmem:$0x1E800] =	vst v63  }
0x1f5: {  	s18 =	simm.s32 $0x16C00  }
0x1f6: {  	[tilespmem:s18], [sflag:$0x3] =	stream.indirect_vreg.gather [hbm4b:s7+s2], $0x80, v3, vm1, $0xb8;
	[tilespmem:$0x1E800] =	vst v63  }
0x1f7: {  	v3 =	vld [tilespmem:$0x290];
	_ =	sdelay $0x4  }
0x1f8: {  	v45 =	vshrl.u32 v3, $0x3  }
0x1f9: {  	v4 =	vmul.u32 $0x28, v45  }
0x1fa: {  	v3 =	vand.u32 $0x7, v3  }
0x1fb: {  	v3 =	vor.u32 v3, v4  }
0x1fc: {  	v4 =	vperm.xlane v3, v0;
	_ =	sdelay $0x1  }
0x1fd: {  	v4 =	vadd.s32 v1, v4;
	_ =	sdelay $0x3  }
0x1fe: {  	s18 =	simm.s32 $0x17000;
	v3 =	vperm.xlane v3, v2  }
0x1ff: {  	[tilespmem:s18], [sflag:$0x3] =	stream.indirect_vreg.gather [hbm4b:s5+s2], $0x80, v4, vm0, $0xb8;
	[tilespmem:$0x1E800] =	vst v63  }
0x200: {  	v3 =	vadd.s32 v1, v3;
	s18 =	simm.s32 $0x17800  }
0x201: {  	[tilespmem:s18], [sflag:$0x3] =	stream.indirect_vreg.gather [hbm4b:s6+s2], $0x80, v4, vm0, $0xb8;
	[tilespmem:$0x1E800] =	vst v63  }
0x202: {  	s18 =	simm.s32 $0x18000  }
0x203: {  	[tilespmem:s18], [sflag:$0x3] =	stream.indirect_vreg.gather [hbm4b:s7+s2], $0x80, v4, vm1, $0xb8;
	[tilespmem:$0x1E800] =	vst v63  }
0x204: {  	s18 =	simm.s32 $0x18400  }
0x205: {  	[tilespmem:s18], [sflag:$0x3] =	stream.indirect_vreg.gather [hbm4b:s5+s2], $0x80, v3, vm0, $0xb8;
	[tilespmem:$0x1E800] =	vst v63  }
0x206: {  	s18 =	simm.s32 $0x18C00  }
0x207: {  	[tilespmem:s18], [sflag:$0x3] =	stream.indirect_vreg.gather [hbm4b:s6+s2], $0x80, v3, vm0, $0xb8;
	[tilespmem:$0x1E800] =	vst v63  }
0x208: {  	s18 =	simm.s32 $0x19400  }
0x209: {  	[tilespmem:s18], [sflag:$0x3] =	stream.indirect_vreg.gather [hbm4b:s7+s2], $0x80, v3, vm1, $0xb8;
	[tilespmem:$0x1E800] =	vst v63  }
0x20a: {  	v3 =	vld [tilespmem:$0x2A0];
	_ =	sdelay $0x4  }
0x20b: {  	v46 =	vshrl.u32 v3, $0x3  }
0x20c: {  	v4 =	vmul.u32 $0x28, v46  }
0x20d: {  	v3 =	vand.u32 $0x7, v3  }
0x20e: {  	v3 =	vor.u32 v3, v4  }
0x20f: {  	v4 =	vperm.xlane v3, v0;
	_ =	sdelay $0x1  }
0x210: {  	v4 =	vadd.s32 v1, v4;
	_ =	sdelay $0x3  }
0x211: {  	s18 =	simm.s32 $0x19800;
	v3 =	vperm.xlane v3, v2  }
0x212: {  	[tilespmem:s18], [sflag:$0x3] =	stream.indirect_vreg.gather [hbm4b:s5+s2], $0x80, v4, vm0, $0xb8;
	[tilespmem:$0x1E800] =	vst v63  }
0x213: {  	v3 =	vadd.s32 v1, v3;
	s18 =	simm.s32 $0x1A000  }
0x214: {  	[tilespmem:s18], [sflag:$0x3] =	stream.indirect_vreg.gather [hbm4b:s6+s2], $0x80, v4, vm0, $0xb8;
	[tilespmem:$0x1E800] =	vst v63  }
0x215: {  	s18 =	simm.s32 $0x1A800  }
0x216: {  	[tilespmem:s18], [sflag:$0x3] =	stream.indirect_vreg.gather [hbm4b:s7+s2], $0x80, v4, vm1, $0xb8;
	[tilespmem:$0x1E800] =	vst v63  }
0x217: {  	s18 =	simm.s32 $0x1AC00  }
0x218: {  	[tilespmem:s18], [sflag:$0x3] =	stream.indirect_vreg.gather [hbm4b:s5+s2], $0x80, v3, vm0, $0xb8;
	[tilespmem:$0x1E800] =	vst v63  }
0x219: {  	s18 =	simm.s32 $0x1B400  }
0x21a: {  	[tilespmem:s18], [sflag:$0x3] =	stream.indirect_vreg.gather [hbm4b:s6+s2], $0x80, v3, vm0, $0xb8;
	[tilespmem:$0x1E800] =	vst v63  }
0x21b: {  	s18 =	simm.s32 $0x1BC00  }
0x21c: {  	[tilespmem:s18], [sflag:$0x3] =	stream.indirect_vreg.gather [hbm4b:s7+s2], $0x80, v3, vm1, $0xb8;
	[tilespmem:$0x1E800] =	vst v63  }
0x21d: {  	v3 =	vld [tilespmem:$0x2B0];
	_ =	sdelay $0x4  }
0x21e: {  	v47 =	vshrl.u32 v3, $0x3  }
0x21f: {  	v4 =	vmul.u32 $0x28, v47  }
0x220: {  	v3 =	vand.u32 $0x7, v3  }
0x221: {  	v3 =	vor.u32 v3, v4  }
0x222: {  	v4 =	vperm.xlane v3, v0;
	_ =	sdelay $0x1  }
0x223: {  	v4 =	vadd.s32 v1, v4;
	_ =	sdelay $0x3  }
0x224: {  	s18 =	simm.s32 $0x1C000;
	v3 =	vperm.xlane v3, v2  }
0x225: {  	[tilespmem:s18], [sflag:$0x3] =	stream.indirect_vreg.gather [hbm4b:s5+s2], $0x80, v4, vm0, $0xb8;
	[tilespmem:$0x1E800] =	vst v63  }
0x226: {  	v3 =	vadd.s32 v1, v3;
	s18 =	simm.s32 $0x1C800  }
0x227: {  	[tilespmem:s18], [sflag:$0x3] =	stream.indirect_vreg.gather [hbm4b:s6+s2], $0x80, v4, vm0, $0xb8;
	[tilespmem:$0x1E800] =	vst v63  }
0x228: {  	s18 =	simm.s32 $0x1D000  }
0x229: {  	[tilespmem:s18], [sflag:$0x3] =	stream.indirect_vreg.gather [hbm4b:s7+s2], $0x80, v4, vm1, $0xb8;
	[tilespmem:$0x1E800] =	vst v63  }
0x22a: {  	s18 =	simm.s32 $0x1D400  }
0x22b: {  	[tilespmem:s18], [sflag:$0x3] =	stream.indirect_vreg.gather [hbm4b:s5+s2], $0x80, v3, vm0, $0xb8;
	[tilespmem:$0x1E800] =	vst v63  }
0x22c: {  	s18 =	simm.s32 $0x1DC00  }
0x22d: {  	[tilespmem:s18], [sflag:$0x3] =	stream.indirect_vreg.gather [hbm4b:s6+s2], $0x80, v3, vm0, $0xb8;
	[tilespmem:$0x1E800] =	vst v63  }
0x22e: {  	s18 =	simm.s32 $0x1E400  }
0x22f: {  	[tilespmem:s18], [sflag:$0x3] =	stream.indirect_vreg.gather [hbm4b:s7+s2], $0x80, v3, vm1, $0xb8;
	[tilespmem:$0x1E800] =	vst v63  }
0x230: {  	_ =	swait.ge [sflag:s15], $0xA000  }
0x231: {  	[sflag:s15] =	ssyncset.done $0x0  }
0x232: {  	s18 =	rddreg [dreg:$0xf];
	[sflag:s15] =	ssyncadd.s32 $0xFFFF6000  }
0x233: {  	[hbm4b:s18+s2] =	stream.linear.scatter [tilespmem:s1], [sflag:$0x5], $0xA000, $0x38;
	[tilespmem:$0x1E800] =	vst v63  }
0x234: {  	_ =	swait.ge [sflag:s14], $0xA000  }
0x235: {  	[sflag:s14] =	ssyncset.done $0x0  }
0x236: {  	[sflag:s14] =	ssyncadd.s32 $0xFFFF6000  }
0x237: {  	v3 =	vld [tilespmem:$0x300];
	_ =	sdelay $0x4  }
0x238: {  	v48 =	vshrl.u32 v3, $0x3  }
0x239: {  	v4 =	vmul.u32 $0x28, v48  }
0x23a: {  	v3 =	vand.u32 $0x7, v3  }
0x23b: {  	v3 =	vor.u32 v3, v4  }
0x23c: {  	v4 =	vperm.xlane v3, v0;
	_ =	sdelay $0x1  }
0x23d: {  	v4 =	vadd.s32 v1, v4;
	_ =	sdelay $0x3  }
0x23e: {  	v3 =	vperm.xlane v3, v2  }
0x23f: {  	[tilespmem:s13], [sflag:$0x1] =	stream.indirect_vreg.gather [hbm4b:s5+s2], $0x80, v4, vm0, $0xb8;
	[tilespmem:$0x1E800] =	vst v63  }
0x240: {  	v3 =	vadd.s32 v1, v3  }
0x241: {  	[tilespmem:s10], [sflag:$0x1] =	stream.indirect_vreg.gather [hbm4b:s6+s2], $0x80, v4, vm0, $0xb8;
	[tilespmem:$0x1E800] =	vst v63  }
0x242: {  	_ = 	snop  }
0x243: {  	[tilespmem:s3], [sflag:$0x1] =	stream.indirect_vreg.gather [hbm4b:s7+s2], $0x80, v4, vm1, $0xb8;
	[tilespmem:$0x1E800] =	vst v63  }
0x244: {  	_ = 	snop  }
0x245: {  	[tilespmem:s4], [sflag:$0x1] =	stream.indirect_vreg.gather [hbm4b:s5+s2], $0x80, v3, vm0, $0xb8;
	[tilespmem:$0x1E800] =	vst v63  }
0x246: {  	_ = 	snop  }
0x247: {  	[tilespmem:s12], [sflag:$0x1] =	stream.indirect_vreg.gather [hbm4b:s6+s2], $0x80, v3, vm0, $0xb8;
	[tilespmem:$0x1E800] =	vst v63  }
0x248: {  	s18 =	simm.s32 $0x2C00  }
0x249: {  	[tilespmem:s18], [sflag:$0x1] =	stream.indirect_vreg.gather [hbm4b:s7+s2], $0x80, v3, vm1, $0xb8;
	[tilespmem:$0x1E800] =	vst v63  }
0x24a: {  	v3 =	vld [tilespmem:$0x310];
	_ =	sdelay $0x4  }
0x24b: {  	v49 =	vshrl.u32 v3, $0x3  }
0x24c: {  	v4 =	vmul.u32 $0x28, v49  }
0x24d: {  	v3 =	vand.u32 $0x7, v3  }
0x24e: {  	v3 =	vor.u32 v3, v4  }
0x24f: {  	v4 =	vperm.xlane v3, v0;
	_ =	sdelay $0x1  }
0x250: {  	v4 =	vadd.s32 v1, v4;
	_ =	sdelay $0x3  }
0x251: {  	s18 =	simm.s32 $0x3000;
	v3 =	vperm.xlane v3, v2  }
0x252: {  	[tilespmem:s18], [sflag:$0x1] =	stream.indirect_vreg.gather [hbm4b:s5+s2], $0x80, v4, vm0, $0xb8;
	[tilespmem:$0x1E800] =	vst v63  }
0x253: {  	v3 =	vadd.s32 v1, v3  }
0x254: {  	[tilespmem:s20], [sflag:$0x1] =	stream.indirect_vreg.gather [hbm4b:s6+s2], $0x80, v4, vm0, $0xb8;
	[tilespmem:$0x1E800] =	vst v63  }
0x255: {  	_ = 	snop  }
0x256: {  	[tilespmem:s21], [sflag:$0x1] =	stream.indirect_vreg.gather [hbm4b:s7+s2], $0x80, v4, vm1, $0xb8;
	[tilespmem:$0x1E800] =	vst v63  }
0x257: {  	_ = 	snop  }
0x258: {  	[tilespmem:s22], [sflag:$0x1] =	stream.indirect_vreg.gather [hbm4b:s5+s2], $0x80, v3, vm0, $0xb8;
	[tilespmem:$0x1E800] =	vst v63  }
0x259: {  	_ = 	snop  }
0x25a: {  	[tilespmem:s23], [sflag:$0x1] =	stream.indirect_vreg.gather [hbm4b:s6+s2], $0x80, v3, vm0, $0xb8;
	[tilespmem:$0x1E800] =	vst v63  }
0x25b: {  	s18 =	simm.s32 $0x5400  }
0x25c: {  	[tilespmem:s18], [sflag:$0x1] =	stream.indirect_vreg.gather [hbm4b:s7+s2], $0x80, v3, vm1, $0xb8;
	[tilespmem:$0x1E800] =	vst v63  }
0x25d: {  	v3 =	vld [tilespmem:$0x320];
	_ =	sdelay $0x4  }
0x25e: {  	v50 =	vshrl.u32 v3, $0x3  }
0x25f: {  	v4 =	vmul.u32 $0x28, v50  }
0x260: {  	v3 =	vand.u32 $0x7, v3  }
0x261: {  	v3 =	vor.u32 v3, v4  }
0x262: {  	v4 =	vperm.xlane v3, v0;
	_ =	sdelay $0x1  }
0x263: {  	v4 =	vadd.s32 v1, v4;
	_ =	sdelay $0x3  }
0x264: {  	s18 =	simm.s32 $0x5800;
	v3 =	vperm.xlane v3, v2  }
0x265: {  	[tilespmem:s18], [sflag:$0x1] =	stream.indirect_vreg.gather [hbm4b:s5+s2], $0x80, v4, vm0, $0xb8;
	[tilespmem:$0x1E800] =	vst v63  }
0x266: {  	v3 =	vadd.s32 v1, v3  }
0x267: {  	[tilespmem:s24], [sflag:$0x1] =	stream.indirect_vreg.gather [hbm4b:s6+s2], $0x80, v4, vm0, $0xb8;
	[tilespmem:$0x1E800] =	vst v63  }
0x268: {  	_ = 	snop  }
0x269: {  	[tilespmem:s25], [sflag:$0x1] =	stream.indirect_vreg.gather [hbm4b:s7+s2], $0x80, v4, vm1, $0xb8;
	[tilespmem:$0x1E800] =	vst v63  }
0x26a: {  	_ = 	snop  }
0x26b: {  	[tilespmem:s26], [sflag:$0x1] =	stream.indirect_vreg.gather [hbm4b:s5+s2], $0x80, v3, vm0, $0xb8;
	[tilespmem:$0x1E800] =	vst v63  }
0x26c: {  	_ = 	snop  }
0x26d: {  	[tilespmem:s28], [sflag:$0x1] =	stream.indirect_vreg.gather [hbm4b:s6+s2], $0x80, v3, vm0, $0xb8;
	[tilespmem:$0x1E800] =	vst v63  }
0x26e: {  	s18 =	simm.s32 $0x7C00  }
0x26f: {  	[tilespmem:s18], [sflag:$0x1] =	stream.indirect_vreg.gather [hbm4b:s7+s2], $0x80, v3, vm1, $0xb8;
	[tilespmem:$0x1E800] =	vst v63  }
0x270: {  	v3 =	vld [tilespmem:$0x330];
	_ =	sdelay $0x4  }
0x271: {  	v51 =	vshrl.u32 v3, $0x3  }
0x272: {  	v4 =	vmul.u32 $0x28, v51  }
0x273: {  	v3 =	vand.u32 $0x7, v3  }
0x274: {  	v3 =	vor.u32 v3, v4  }
0x275: {  	v4 =	vperm.xlane v3, v0;
	_ =	sdelay $0x1  }
0x276: {  	v4 =	vadd.s32 v1, v4;
	_ =	sdelay $0x3  }
0x277: {  	s18 =	simm.s32 $0x8000;
	v3 =	vperm.xlane v3, v2  }
0x278: {  	[tilespmem:s18], [sflag:$0x1] =	stream.indirect_vreg.gather [hbm4b:s5+s2], $0x80, v4, vm0, $0xb8;
	[tilespmem:$0x1E800] =	vst v63  }
0x279: {  	v3 =	vadd.s32 v1, v3  }
0x27a: {  	[tilespmem:s29], [sflag:$0x1] =	stream.indirect_vreg.gather [hbm4b:s6+s2], $0x80, v4, vm0, $0xb8;
	[tilespmem:$0x1E800] =	vst v63  }
0x27b: {  	_ = 	snop  }
0x27c: {  	[tilespmem:s30], [sflag:$0x1] =	stream.indirect_vreg.gather [hbm4b:s7+s2], $0x80, v4, vm1, $0xb8;
	[tilespmem:$0x1E800] =	vst v63  }
0x27d: {  	_ = 	snop  }
0x27e: {  	[tilespmem:s31], [sflag:$0x1] =	stream.indirect_vreg.gather [hbm4b:s5+s2], $0x80, v3, vm0, $0xb8;
	[tilespmem:$0x1E800] =	vst v63  }
0x27f: {  	s18 =	simm.s32 $0x9C00  }
0x280: {  	[tilespmem:s18], [sflag:$0x1] =	stream.indirect_vreg.gather [hbm4b:s6+s2], $0x80, v3, vm0, $0xb8;
	[tilespmem:$0x1E800] =	vst v63  }
0x281: {  	s18 =	simm.s32 $0xA400  }
0x282: {  	[tilespmem:s18], [sflag:$0x1] =	stream.indirect_vreg.gather [hbm4b:s7+s2], $0x80, v3, vm1, $0xb8;
	[tilespmem:$0x1E800] =	vst v63  }
0x283: {  	_ =	swait.ge [sflag:s16], $0xA000  }
0x284: {  	[sflag:s16] =	ssyncset.done $0x0  }
0x285: {  	s18 =	rddreg [dreg:$0x10];
	[sflag:s16] =	ssyncadd.s32 $0xFFFF6000  }
0x286: {  	[hbm4b:s18+s2] =	stream.linear.scatter [tilespmem:s19], [sflag:$0x6], $0xA000, $0x38;
	[tilespmem:$0x1E800] =	vst v63  }
0x287: {  	_ =	swait.ge [sflag:s17], $0xA000  }
0x288: {  	[sflag:s17] =	ssyncset.done $0x0  }
0x289: {  	[sflag:s17] =	ssyncadd.s32 $0xFFFF6000  }
0x28a: {  	v3 =	vld [tilespmem:$0x380];
	_ =	sdelay $0x4  }
0x28b: {  	v52 =	vshrl.u32 v3, $0x3  }
0x28c: {  	v4 =	vmul.u32 $0x28, v52  }
0x28d: {  	v3 =	vand.u32 $0x7, v3  }
0x28e: {  	v3 =	vor.u32 v3, v4  }
0x28f: {  	v4 =	vperm.xlane v3, v0;
	_ =	sdelay $0x1  }
0x290: {  	v4 =	vadd.s32 v1, v4;
	_ =	sdelay $0x3  }
0x291: {  	v3 =	vperm.xlane v3, v2  }
0x292: {  	[tilespmem:s1], [sflag:$0x2] =	stream.indirect_vreg.gather [hbm4b:s5+s2], $0x80, v4, vm0, $0xb8;
	[tilespmem:$0x1E800] =	vst v63  }
0x293: {  	s18 =	simm.s32 $0xB000;
	v3 =	vadd.s32 v1, v3  }
0x294: {  	[tilespmem:s18], [sflag:$0x2] =	stream.indirect_vreg.gather [hbm4b:s6+s2], $0x80, v4, vm0, $0xb8;
	[tilespmem:$0x1E800] =	vst v63  }
0x295: {  	s18 =	simm.s32 $0xB800  }
0x296: {  	[tilespmem:s18], [sflag:$0x2] =	stream.indirect_vreg.gather [hbm4b:s7+s2], $0x80, v4, vm1, $0xb8;
	[tilespmem:$0x1E800] =	vst v63  }
0x297: {  	s18 =	simm.s32 $0xBC00  }
0x298: {  	[tilespmem:s18], [sflag:$0x2] =	stream.indirect_vreg.gather [hbm4b:s5+s2], $0x80, v3, vm0, $0xb8;
	[tilespmem:$0x1E800] =	vst v63  }
0x299: {  	s18 =	simm.s32 $0xC400  }
0x29a: {  	[tilespmem:s18], [sflag:$0x2] =	stream.indirect_vreg.gather [hbm4b:s6+s2], $0x80, v3, vm0, $0xb8;
	[tilespmem:$0x1E800] =	vst v63  }
0x29b: {  	s18 =	simm.s32 $0xCC00  }
0x29c: {  	[tilespmem:s18], [sflag:$0x2] =	stream.indirect_vreg.gather [hbm4b:s7+s2], $0x80, v3, vm1, $0xb8;
	[tilespmem:$0x1E800] =	vst v63  }
0x29d: {  	v3 =	vld [tilespmem:$0x390];
	_ =	sdelay $0x4  }
0x29e: {  	v53 =	vshrl.u32 v3, $0x3  }
0x29f: {  	v4 =	vmul.u32 $0x28, v53  }
0x2a0: {  	v3 =	vand.u32 $0x7, v3  }
0x2a1: {  	v3 =	vor.u32 v3, v4  }
0x2a2: {  	v4 =	vperm.xlane v3, v0;
	_ =	sdelay $0x1  }
0x2a3: {  	v4 =	vadd.s32 v1, v4;
	_ =	sdelay $0x3  }
0x2a4: {  	s18 =	simm.s32 $0xD000;
	v3 =	vperm.xlane v3, v2  }
0x2a5: {  	[tilespmem:s18], [sflag:$0x2] =	stream.indirect_vreg.gather [hbm4b:s5+s2], $0x80, v4, vm0, $0xb8;
	[tilespmem:$0x1E800] =	vst v63  }
0x2a6: {  	v3 =	vadd.s32 v1, v3;
	s18 =	simm.s32 $0xD800  }
0x2a7: {  	[tilespmem:s18], [sflag:$0x2] =	stream.indirect_vreg.gather [hbm4b:s6+s2], $0x80, v4, vm0, $0xb8;
	[tilespmem:$0x1E800] =	vst v63  }
0x2a8: {  	s18 =	simm.s32 $0xE000  }
0x2a9: {  	[tilespmem:s18], [sflag:$0x2] =	stream.indirect_vreg.gather [hbm4b:s7+s2], $0x80, v4, vm1, $0xb8;
	[tilespmem:$0x1E800] =	vst v63  }
0x2aa: {  	s18 =	simm.s32 $0xE400  }
0x2ab: {  	[tilespmem:s18], [sflag:$0x2] =	stream.indirect_vreg.gather [hbm4b:s5+s2], $0x80, v3, vm0, $0xb8;
	[tilespmem:$0x1E800] =	vst v63  }
0x2ac: {  	s18 =	simm.s32 $0xEC00  }
0x2ad: {  	[tilespmem:s18], [sflag:$0x2] =	stream.indirect_vreg.gather [hbm4b:s6+s2], $0x80, v3, vm0, $0xb8;
	[tilespmem:$0x1E800] =	vst v63  }
0x2ae: {  	s18 =	simm.s32 $0xF400  }
0x2af: {  	[tilespmem:s18], [sflag:$0x2] =	stream.indirect_vreg.gather [hbm4b:s7+s2], $0x80, v3, vm1, $0xb8;
	[tilespmem:$0x1E800] =	vst v63  }
0x2b0: {  	v3 =	vld [tilespmem:$0x3A0];
	_ =	sdelay $0x4  }
0x2b1: {  	v54 =	vshrl.u32 v3, $0x3  }
0x2b2: {  	v4 =	vmul.u32 $0x28, v54  }
0x2b3: {  	v3 =	vand.u32 $0x7, v3  }
0x2b4: {  	v3 =	vor.u32 v3, v4  }
0x2b5: {  	v4 =	vperm.xlane v3, v0;
	_ =	sdelay $0x1  }
0x2b6: {  	v4 =	vadd.s32 v1, v4;
	_ =	sdelay $0x3  }
0x2b7: {  	s18 =	simm.s32 $0xF800;
	v3 =	vperm.xlane v3, v2  }
0x2b8: {  	[tilespmem:s18], [sflag:$0x2] =	stream.indirect_vreg.gather [hbm4b:s5+s2], $0x80, v4, vm0, $0xb8;
	[tilespmem:$0x1E800] =	vst v63  }
0x2b9: {  	v3 =	vadd.s32 v1, v3;
	s18 =	simm.s32 $0x10000  }
0x2ba: {  	[tilespmem:s18], [sflag:$0x2] =	stream.indirect_vreg.gather [hbm4b:s6+s2], $0x80, v4, vm0, $0xb8;
	[tilespmem:$0x1E800] =	vst v63  }
0x2bb: {  	s18 =	simm.s32 $0x10800  }
0x2bc: {  	[tilespmem:s18], [sflag:$0x2] =	stream.indirect_vreg.gather [hbm4b:s7+s2], $0x80, v4, vm1, $0xb8;
	[tilespmem:$0x1E800] =	vst v63  }
0x2bd: {  	s18 =	simm.s32 $0x10C00  }
0x2be: {  	[tilespmem:s18], [sflag:$0x2] =	stream.indirect_vreg.gather [hbm4b:s5+s2], $0x80, v3, vm0, $0xb8;
	[tilespmem:$0x1E800] =	vst v63  }
0x2bf: {  	s18 =	simm.s32 $0x11400  }
0x2c0: {  	[tilespmem:s18], [sflag:$0x2] =	stream.indirect_vreg.gather [hbm4b:s6+s2], $0x80, v3, vm0, $0xb8;
	[tilespmem:$0x1E800] =	vst v63  }
0x2c1: {  	s18 =	simm.s32 $0x11C00  }
0x2c2: {  	[tilespmem:s18], [sflag:$0x2] =	stream.indirect_vreg.gather [hbm4b:s7+s2], $0x80, v3, vm1, $0xb8;
	[tilespmem:$0x1E800] =	vst v63  }
0x2c3: {  	v3 =	vld [tilespmem:$0x3B0];
	_ =	sdelay $0x4  }
0x2c4: {  	v55 =	vshrl.u32 v3, $0x3  }
0x2c5: {  	v4 =	vmul.u32 $0x28, v55  }
0x2c6: {  	v3 =	vand.u32 $0x7, v3  }
0x2c7: {  	v3 =	vor.u32 v3, v4  }
0x2c8: {  	v4 =	vperm.xlane v3, v0;
	_ =	sdelay $0x1  }
0x2c9: {  	v4 =	vadd.s32 v1, v4;
	_ =	sdelay $0x3  }
0x2ca: {  	s18 =	simm.s32 $0x12000;
	v3 =	vperm.xlane v3, v2  }
0x2cb: {  	[tilespmem:s18], [sflag:$0x2] =	stream.indirect_vreg.gather [hbm4b:s5+s2], $0x80, v4, vm0, $0xb8;
	[tilespmem:$0x1E800] =	vst v63  }
0x2cc: {  	v3 =	vadd.s32 v1, v3;
	s18 =	simm.s32 $0x12800  }
0x2cd: {  	[tilespmem:s18], [sflag:$0x2] =	stream.indirect_vreg.gather [hbm4b:s6+s2], $0x80, v4, vm0, $0xb8;
	[tilespmem:$0x1E800] =	vst v63  }
0x2ce: {  	s18 =	simm.s32 $0x13000  }
0x2cf: {  	[tilespmem:s18], [sflag:$0x2] =	stream.indirect_vreg.gather [hbm4b:s7+s2], $0x80, v4, vm1, $0xb8;
	[tilespmem:$0x1E800] =	vst v63  }
0x2d0: {  	s18 =	simm.s32 $0x13400  }
0x2d1: {  	[tilespmem:s18], [sflag:$0x2] =	stream.indirect_vreg.gather [hbm4b:s5+s2], $0x80, v3, vm0, $0xb8;
	[tilespmem:$0x1E800] =	vst v63  }
0x2d2: {  	s18 =	simm.s32 $0x13C00  }
0x2d3: {  	[tilespmem:s18], [sflag:$0x2] =	stream.indirect_vreg.gather [hbm4b:s6+s2], $0x80, v3, vm0, $0xb8;
	[tilespmem:$0x1E800] =	vst v63  }
0x2d4: {  	s18 =	simm.s32 $0x14400  }
0x2d5: {  	[tilespmem:s18], [sflag:$0x2] =	stream.indirect_vreg.gather [hbm4b:s7+s2], $0x80, v3, vm1, $0xb8;
	[tilespmem:$0x1E800] =	vst v63  }
0x2d6: {  	_ =	swait.ge [sflag:s11], $0xA000  }
0x2d7: {  	[sflag:s11] =	ssyncset.done $0x0  }
0x2d8: {  	s18 =	rddreg [dreg:$0x11];
	[sflag:s11] =	ssyncadd.s32 $0xFFFF6000  }
0x2d9: {  	[hbm4b:s18+s2] =	stream.linear.scatter [tilespmem:s13], [sflag:$0x4], $0xA000, $0x38;
	[tilespmem:$0x1E800] =	vst v63  }
0x2da: {  	_ =	swait.ge [sflag:s0], $0xA000  }
0x2db: {  	[sflag:s0] =	ssyncset.done $0x0  }
0x2dc: {  	[sflag:s0] =	ssyncadd.s32 $0xFFFF6000  }
0x2dd: {  	v3 =	vld [tilespmem:$0x400];
	_ =	sdelay $0x4  }
0x2de: {  	v56 =	vshrl.u32 v3, $0x3  }
0x2df: {  	v4 =	vmul.u32 $0x28, v56  }
0x2e0: {  	v3 =	vand.u32 $0x7, v3  }
0x2e1: {  	v3 =	vor.u32 v3, v4  }
0x2e2: {  	v4 =	vperm.xlane v3, v0;
	_ =	sdelay $0x1  }
0x2e3: {  	v4 =	vadd.s32 v1, v4;
	_ =	sdelay $0x3  }
0x2e4: {  	v3 =	vperm.xlane v3, v2  }
0x2e5: {  	[tilespmem:s19], [sflag:$0x3] =	stream.indirect_vreg.gather [hbm4b:s5+s2], $0x80, v4, vm0, $0xb8;
	[tilespmem:$0x1E800] =	vst v63  }
0x2e6: {  	s18 =	simm.s32 $0x15000;
	v3 =	vadd.s32 v1, v3  }
0x2e7: {  	[tilespmem:s18], [sflag:$0x3] =	stream.indirect_vreg.gather [hbm4b:s6+s2], $0x80, v4, vm0, $0xb8;
	[tilespmem:$0x1E800] =	vst v63  }
0x2e8: {  	s18 =	simm.s32 $0x15800  }
0x2e9: {  	[tilespmem:s18], [sflag:$0x3] =	stream.indirect_vreg.gather [hbm4b:s7+s2], $0x80, v4, vm1, $0xb8;
	[tilespmem:$0x1E800] =	vst v63  }
0x2ea: {  	s18 =	simm.s32 $0x15C00  }
0x2eb: {  	[tilespmem:s18], [sflag:$0x3] =	stream.indirect_vreg.gather [hbm4b:s5+s2], $0x80, v3, vm0, $0xb8;
	[tilespmem:$0x1E800] =	vst v63  }
0x2ec: {  	s18 =	simm.s32 $0x16400  }
0x2ed: {  	[tilespmem:s18], [sflag:$0x3] =	stream.indirect_vreg.gather [hbm4b:s6+s2], $0x80, v3, vm0, $0xb8;
	[tilespmem:$0x1E800] =	vst v63  }
0x2ee: {  	s18 =	simm.s32 $0x16C00  }
0x2ef: {  	[tilespmem:s18], [sflag:$0x3] =	stream.indirect_vreg.gather [hbm4b:s7+s2], $0x80, v3, vm1, $0xb8;
	[tilespmem:$0x1E800] =	vst v63  }
0x2f0: {  	v3 =	vld [tilespmem:$0x410];
	_ =	sdelay $0x4  }
0x2f1: {  	v57 =	vshrl.u32 v3, $0x3  }
0x2f2: {  	v4 =	vmul.u32 $0x28, v57  }
0x2f3: {  	v3 =	vand.u32 $0x7, v3  }
0x2f4: {  	v3 =	vor.u32 v3, v4  }
0x2f5: {  	v4 =	vperm.xlane v3, v0;
	_ =	sdelay $0x1  }
0x2f6: {  	v4 =	vadd.s32 v1, v4;
	_ =	sdelay $0x3  }
0x2f7: {  	s18 =	simm.s32 $0x17000;
	v3 =	vperm.xlane v3, v2  }
0x2f8: {  	[tilespmem:s18], [sflag:$0x3] =	stream.indirect_vreg.gather [hbm4b:s5+s2], $0x80, v4, vm0, $0xb8;
	[tilespmem:$0x1E800] =	vst v63  }
0x2f9: {  	v3 =	vadd.s32 v1, v3;
	s18 =	simm.s32 $0x17800  }
0x2fa: {  	[tilespmem:s18], [sflag:$0x3] =	stream.indirect_vreg.gather [hbm4b:s6+s2], $0x80, v4, vm0, $0xb8;
	[tilespmem:$0x1E800] =	vst v63  }
0x2fb: {  	s18 =	simm.s32 $0x18000  }
0x2fc: {  	[tilespmem:s18], [sflag:$0x3] =	stream.indirect_vreg.gather [hbm4b:s7+s2], $0x80, v4, vm1, $0xb8;
	[tilespmem:$0x1E800] =	vst v63  }
0x2fd: {  	s18 =	simm.s32 $0x18400  }
0x2fe: {  	[tilespmem:s18], [sflag:$0x3] =	stream.indirect_vreg.gather [hbm4b:s5+s2], $0x80, v3, vm0, $0xb8;
	[tilespmem:$0x1E800] =	vst v63  }
0x2ff: {  	s18 =	simm.s32 $0x18C00  }
0x300: {  	[tilespmem:s18], [sflag:$0x3] =	stream.indirect_vreg.gather [hbm4b:s6+s2], $0x80, v3, vm0, $0xb8;
	[tilespmem:$0x1E800] =	vst v63  }
0x301: {  	s18 =	simm.s32 $0x19400  }
0x302: {  	[tilespmem:s18], [sflag:$0x3] =	stream.indirect_vreg.gather [hbm4b:s7+s2], $0x80, v3, vm1, $0xb8;
	[tilespmem:$0x1E800] =	vst v63  }
0x303: {  	v3 =	vld [tilespmem:$0x420];
	_ =	sdelay $0x4  }
0x304: {  	v58 =	vshrl.u32 v3, $0x3  }
0x305: {  	v4 =	vmul.u32 $0x28, v58  }
0x306: {  	v3 =	vand.u32 $0x7, v3  }
0x307: {  	v3 =	vor.u32 v3, v4  }
0x308: {  	v4 =	vperm.xlane v3, v0;
	_ =	sdelay $0x1  }
0x309: {  	v4 =	vadd.s32 v1, v4;
	_ =	sdelay $0x3  }
0x30a: {  	s18 =	simm.s32 $0x19800;
	v3 =	vperm.xlane v3, v2  }
0x30b: {  	[tilespmem:s18], [sflag:$0x3] =	stream.indirect_vreg.gather [hbm4b:s5+s2], $0x80, v4, vm0, $0xb8;
	[tilespmem:$0x1E800] =	vst v63  }
0x30c: {  	v3 =	vadd.s32 v1, v3;
	s18 =	simm.s32 $0x1A000  }
0x30d: {  	[tilespmem:s18], [sflag:$0x3] =	stream.indirect_vreg.gather [hbm4b:s6+s2], $0x80, v4, vm0, $0xb8;
	[tilespmem:$0x1E800] =	vst v63  }
0x30e: {  	s18 =	simm.s32 $0x1A800  }
0x30f: {  	[tilespmem:s18], [sflag:$0x3] =	stream.indirect_vreg.gather [hbm4b:s7+s2], $0x80, v4, vm1, $0xb8;
	[tilespmem:$0x1E800] =	vst v63  }
0x310: {  	s18 =	simm.s32 $0x1AC00  }
0x311: {  	[tilespmem:s18], [sflag:$0x3] =	stream.indirect_vreg.gather [hbm4b:s5+s2], $0x80, v3, vm0, $0xb8;
	[tilespmem:$0x1E800] =	vst v63  }
0x312: {  	s18 =	simm.s32 $0x1B400  }
0x313: {  	[tilespmem:s18], [sflag:$0x3] =	stream.indirect_vreg.gather [hbm4b:s6+s2], $0x80, v3, vm0, $0xb8;
	[tilespmem:$0x1E800] =	vst v63  }
0x314: {  	s18 =	simm.s32 $0x1BC00  }
0x315: {  	[tilespmem:s18], [sflag:$0x3] =	stream.indirect_vreg.gather [hbm4b:s7+s2], $0x80, v3, vm1, $0xb8;
	[tilespmem:$0x1E800] =	vst v63  }
0x316: {  	v3 =	vld [tilespmem:$0x430];
	_ =	sdelay $0x4  }
0x317: {  	v59 =	vshrl.u32 v3, $0x3  }
0x318: {  	v4 =	vmul.u32 $0x28, v59  }
0x319: {  	v3 =	vand.u32 $0x7, v3  }
0x31a: {  	v3 =	vor.u32 v3, v4  }
0x31b: {  	v4 =	vperm.xlane v3, v0;
	_ =	sdelay $0x1  }
0x31c: {  	v4 =	vadd.s32 v1, v4;
	_ =	sdelay $0x3  }
0x31d: {  	s18 =	simm.s32 $0x1C000;
	v3 =	vperm.xlane v3, v2  }
0x31e: {  	[tilespmem:s18], [sflag:$0x3] =	stream.indirect_vreg.gather [hbm4b:s5+s2], $0x80, v4, vm0, $0xb8;
	[tilespmem:$0x1E800] =	vst v63  }
0x31f: {  	v3 =	vadd.s32 v1, v3;
	s18 =	simm.s32 $0x1C800  }
0x320: {  	[tilespmem:s18], [sflag:$0x3] =	stream.indirect_vreg.gather [hbm4b:s6+s2], $0x80, v4, vm0, $0xb8;
	[tilespmem:$0x1E800] =	vst v63  }
0x321: {  	s18 =	simm.s32 $0x1D000  }
0x322: {  	[tilespmem:s18], [sflag:$0x3] =	stream.indirect_vreg.gather [hbm4b:s7+s2], $0x80, v4, vm1, $0xb8;
	[tilespmem:$0x1E800] =	vst v63  }
0x323: {  	s18 =	simm.s32 $0x1D400  }
0x324: {  	[tilespmem:s18], [sflag:$0x3] =	stream.indirect_vreg.gather [hbm4b:s5+s2], $0x80, v3, vm0, $0xb8;
	[tilespmem:$0x1E800] =	vst v63  }
0x325: {  	s18 =	simm.s32 $0x1DC00  }
0x326: {  	[tilespmem:s18], [sflag:$0x3] =	stream.indirect_vreg.gather [hbm4b:s6+s2], $0x80, v3, vm0, $0xb8;
	[tilespmem:$0x1E800] =	vst v63  }
0x327: {  	s18 =	simm.s32 $0x1E400  }
0x328: {  	[tilespmem:s18], [sflag:$0x3] =	stream.indirect_vreg.gather [hbm4b:s7+s2], $0x80, v3, vm1, $0xb8;
	[tilespmem:$0x1E800] =	vst v63  }
0x329: {  	_ =	swait.ge [sflag:s15], $0xA000  }
0x32a: {  	[sflag:s15] =	ssyncset.done $0x0  }
0x32b: {  	s18 =	rddreg [dreg:$0x12];
	[sflag:s15] =	ssyncadd.s32 $0xFFFF6000  }
0x32c: {  	[hbm4b:s18+s2] =	stream.linear.scatter [tilespmem:s1], [sflag:$0x5], $0xA000, $0x38;
	[tilespmem:$0x1E800] =	vst v63  }
0x32d: {  	_ =	swait.ge [sflag:s14], $0xA000  }
0x32e: {  	[sflag:s14] =	ssyncset.done $0x0  }
0x32f: {  	[sflag:s14] =	ssyncadd.s32 $0xFFFF6000  }
0x330: {  	v3 =	vld [tilespmem:$0x480];
	_ =	sdelay $0x4  }
0x331: {  	v60 =	vshrl.u32 v3, $0x3  }
0x332: {  	v4 =	vmul.u32 $0x28, v60  }
0x333: {  	v3 =	vand.u32 $0x7, v3  }
0x334: {  	v3 =	vor.u32 v3, v4  }
0x335: {  	v4 =	vperm.xlane v3, v0;
	_ =	sdelay $0x1  }
0x336: {  	v4 =	vadd.s32 v1, v4;
	_ =	sdelay $0x3  }
0x337: {  	v3 =	vperm.xlane v3, v2  }
0x338: {  	[tilespmem:s13], [sflag:$0x1] =	stream.indirect_vreg.gather [hbm4b:s5+s2], $0x80, v4, vm0, $0xb8;
	[tilespmem:$0x1E800] =	vst v63  }
0x339: {  	s10 =	simm.s32 $0x1000;
	v3 =	vadd.s32 v1, v3  }
0x33a: {  	[tilespmem:s10], [sflag:$0x1] =	stream.indirect_vreg.gather [hbm4b:s6+s2], $0x80, v4, vm0, $0xb8;
	[tilespmem:$0x1E800] =	vst v63  }
0x33b: {  	s3 =	simm.s32 $0x1800  }
0x33c: {  	[tilespmem:s3], [sflag:$0x1] =	stream.indirect_vreg.gather [hbm4b:s7+s2], $0x80, v4, vm1, $0xb8;
	[tilespmem:$0x1E800] =	vst v63  }
0x33d: {  	s4 =	simm.s32 $0x1C00  }
0x33e: {  	[tilespmem:s4], [sflag:$0x1] =	stream.indirect_vreg.gather [hbm4b:s5+s2], $0x80, v3, vm0, $0xb8;
	[tilespmem:$0x1E800] =	vst v63  }
0x33f: {  	s12 =	simm.s32 $0x2400  }
0x340: {  	[tilespmem:s12], [sflag:$0x1] =	stream.indirect_vreg.gather [hbm4b:s6+s2], $0x80, v3, vm0, $0xb8;
	[tilespmem:$0x1E800] =	vst v63  }
0x341: {  	s12 =	simm.s32 $0x2C00  }
0x342: {  	[tilespmem:s12], [sflag:$0x1] =	stream.indirect_vreg.gather [hbm4b:s7+s2], $0x80, v3, vm1, $0xb8;
	[tilespmem:$0x1E800] =	vst v63  }
0x343: {  	v3 =	vld [tilespmem:$0x490];
	_ =	sdelay $0x4  }
0x344: {  	v61 =	vshrl.u32 v3, $0x3  }
0x345: {  	v4 =	vmul.u32 $0x28, v61  }
0x346: {  	v3 =	vand.u32 $0x7, v3  }
0x347: {  	v3 =	vor.u32 v3, v4  }
0x348: {  	v4 =	vperm.xlane v3, v0;
	_ =	sdelay $0x1  }
0x349: {  	v4 =	vadd.s32 v1, v4;
	_ =	sdelay $0x3  }
0x34a: {  	s18 =	simm.s32 $0x3000;
	v3 =	vperm.xlane v3, v2  }
0x34b: {  	[tilespmem:s18], [sflag:$0x1] =	stream.indirect_vreg.gather [hbm4b:s5+s2], $0x80, v4, vm0, $0xb8;
	[tilespmem:$0x1E800] =	vst v63  }
0x34c: {  	s20 =	simm.s32 $0x3800;
	v3 =	vadd.s32 v1, v3  }
0x34d: {  	[tilespmem:s20], [sflag:$0x1] =	stream.indirect_vreg.gather [hbm4b:s6+s2], $0x80, v4, vm0, $0xb8;
	[tilespmem:$0x1E800] =	vst v63  }
0x34e: {  	s21 =	simm.s32 $0x4000  }
0x34f: {  	[tilespmem:s21], [sflag:$0x1] =	stream.indirect_vreg.gather [hbm4b:s7+s2], $0x80, v4, vm1, $0xb8;
	[tilespmem:$0x1E800] =	vst v63  }
0x350: {  	s22 =	simm.s32 $0x4400  }
0x351: {  	[tilespmem:s22], [sflag:$0x1] =	stream.indirect_vreg.gather [hbm4b:s5+s2], $0x80, v3, vm0, $0xb8;
	[tilespmem:$0x1E800] =	vst v63  }
0x352: {  	s23 =	simm.s32 $0x4C00  }
0x353: {  	[tilespmem:s23], [sflag:$0x1] =	stream.indirect_vreg.gather [hbm4b:s6+s2], $0x80, v3, vm0, $0xb8;
	[tilespmem:$0x1E800] =	vst v63  }
0x354: {  	s22 =	simm.s32 $0x5400  }
0x355: {  	[tilespmem:s22], [sflag:$0x1] =	stream.indirect_vreg.gather [hbm4b:s7+s2], $0x80, v3, vm1, $0xb8;
	[tilespmem:$0x1E800] =	vst v63  }
0x356: {  	v3 =	vld [tilespmem:$0x4A0];
	_ =	sdelay $0x4  }
0x357: {  	v62 =	vshrl.u32 v3, $0x3  }
0x358: {  	v4 =	vmul.u32 $0x28, v62  }
0x359: {  	v3 =	vand.u32 $0x7, v3  }
0x35a: {  	v3 =	vor.u32 v3, v4  }
0x35b: {  	v4 =	vperm.xlane v3, v0;
	_ =	sdelay $0x1  }
0x35c: {  	v4 =	vadd.s32 v1, v4;
	_ =	sdelay $0x3  }
0x35d: {  	s23 =	simm.s32 $0x5800;
	v3 =	vperm.xlane v3, v2  }
0x35e: {  	[tilespmem:s23], [sflag:$0x1] =	stream.indirect_vreg.gather [hbm4b:s5+s2], $0x80, v4, vm0, $0xb8;
	[tilespmem:$0x1E800] =	vst v63  }
0x35f: {  	s24 =	simm.s32 $0x6000;
	v3 =	vadd.s32 v1, v3  }
0x360: {  	[tilespmem:s24], [sflag:$0x1] =	stream.indirect_vreg.gather [hbm4b:s6+s2], $0x80, v4, vm0, $0xb8;
	[tilespmem:$0x1E800] =	vst v63  }
0x361: {  	s25 =	simm.s32 $0x6800  }
0x362: {  	[tilespmem:s25], [sflag:$0x1] =	stream.indirect_vreg.gather [hbm4b:s7+s2], $0x80, v4, vm1, $0xb8;
	[tilespmem:$0x1E800] =	vst v63  }
0x363: {  	s26 =	simm.s32 $0x6C00  }
0x364: {  	[tilespmem:s26], [sflag:$0x1] =	stream.indirect_vreg.gather [hbm4b:s5+s2], $0x80, v3, vm0, $0xb8;
	[tilespmem:$0x1E800] =	vst v63  }
0x365: {  	s28 =	simm.s32 $0x7400  }
0x366: {  	[tilespmem:s28], [sflag:$0x1] =	stream.indirect_vreg.gather [hbm4b:s6+s2], $0x80, v3, vm0, $0xb8;
	[tilespmem:$0x1E800] =	vst v63  }
0x367: {  	s25 =	simm.s32 $0x7C00  }
0x368: {  	[tilespmem:s25], [sflag:$0x1] =	stream.indirect_vreg.gather [hbm4b:s7+s2], $0x80, v3, vm1, $0xb8;
	[tilespmem:$0x1E800] =	vst v63  }
0x369: {  	v3 =	vld [tilespmem:$0x4B0];
	_ =	sdelay $0x4  }
0x36a: {  	v63 =	vshrl.u32 v3, $0x3  }
0x36b: {  	v4 =	vmul.u32 $0x28, v63  }
0x36c: {  	v3 =	vand.u32 $0x7, v3  }
0x36d: {  	v3 =	vor.u32 v3, v4  }
0x36e: {  	v4 =	vperm.xlane v3, v0;
	_ =	sdelay $0x1  }
0x36f: {  	v4 =	vadd.s32 v1, v4;
	_ =	sdelay $0x3  }
0x370: {  	s26 =	simm.s32 $0x8000;
	v3 =	vperm.xlane v3, v2  }
0x371: {  	[tilespmem:s26], [sflag:$0x1] =	stream.indirect_vreg.gather [hbm4b:s5+s2], $0x80, v4, vm0, $0xb8;
	[tilespmem:$0x1E800] =	vst v63  }
0x372: {  	s29 =	simm.s32 $0x8800;
	v3 =	vadd.s32 v1, v3  }
0x373: {  	[tilespmem:s29], [sflag:$0x1] =	stream.indirect_vreg.gather [hbm4b:s6+s2], $0x80, v4, vm0, $0xb8;
	[tilespmem:$0x1E800] =	vst v63  }
0x374: {  	s30 =	simm.s32 $0x9000  }
0x375: {  	[tilespmem:s30], [sflag:$0x1] =	stream.indirect_vreg.gather [hbm4b:s7+s2], $0x80, v4, vm1, $0xb8;
	[tilespmem:$0x1E800] =	vst v63  }
0x376: {  	s31 =	simm.s32 $0x9400  }
0x377: {  	[tilespmem:s31], [sflag:$0x1] =	stream.indirect_vreg.gather [hbm4b:s5+s2], $0x80, v3, vm0, $0xb8;
	[tilespmem:$0x1E800] =	vst v63  }
0x378: {  	s28 =	simm.s32 $0x9C00  }
0x379: {  	[tilespmem:s28], [sflag:$0x1] =	stream.indirect_vreg.gather [hbm4b:s6+s2], $0x80, v3, vm0, $0xb8;
	[tilespmem:$0x1E800] =	vst v63  }
0x37a: {  	s29 =	simm.s32 $0xA400  }
0x37b: {  	[tilespmem:s29], [sflag:$0x1] =	stream.indirect_vreg.gather [hbm4b:s7+s2], $0x80, v3, vm1, $0xb8;
	[tilespmem:$0x1E800] =	vst v63  }
0x37c: {  	_ =	swait.ge [sflag:s16], $0xA000  }
0x37d: {  	[sflag:s16] =	ssyncset.done $0x0  }
0x37e: {  	s30 =	rddreg [dreg:$0x13];
	[sflag:s16] =	ssyncadd.s32 $0xFFFF6000  }
0x37f: {  	[hbm4b:s30+s2] =	stream.linear.scatter [tilespmem:s19], [sflag:$0x6], $0xA000, $0x38;
	[tilespmem:$0x1E800] =	vst v63  }
0x380: {  	_ =	swait.ge [sflag:s11], $0xA000  }
0x381: {  	[sflag:s11] =	ssyncset.done $0x0  }
0x382: {  	s31 =	rddreg [dreg:$0x14];
	[sflag:s11] =	ssyncadd.s32 $0xFFFF6000  }
0x383: {  	[hbm4b:s31+s2] =	stream.linear.scatter [tilespmem:s13], [sflag:$0x4], $0xA000, $0x38;
	[tilespmem:$0x1E800] =	vst v63  }
0x384: {  	_ =	swait.ge [sflag:s17], $0xA000  }
0x385: {  	[sflag:s17] =	ssyncset.done $0x0  }
0x386: {  	[sflag:s17] =	ssyncadd.s32 $0xFFFF6000  }
0x387: {  	p0 =	sne.s32 s8, $0x1;
	_ =	swait.ge [sflag:s0], $0xA000  }
.Ltmp0:
0x388: {  	[sflag:s0] =	ssyncset.done $0x0;
	(pc) =	sbr.rel @p0 .LBB2_1-.Ltmp0, $4  }
0x389: {  	[sflag:s0] =	ssyncadd.s32 $0xFFFF6000  }
0x38a: {  	_ =	swait.ge [sflag:s14], $0xA000  }
0x38b: {  	[sflag:s14] =	ssyncset.done $0x0  }
0x38c: {  	s8 =	sadd.s32 $0xFFFFFFFF, s8;
	[sflag:s14] =	ssyncadd.s32 $0xFFFF6000  }
0x38d: {  	_ =	sfence.sel $0x180000  }
0x38e: {  	[bflag:$0x0] =	sbarrier.arrive $0xFFFF  }
0x38f: {  	_ =	strace $0x90000047  }
0x390: {  	s0 =	stileid.u32;
	[bflag:$0x2] =	sbarrier.arrive $0xFFFF  }
0x391: {  	p0 =	sne.s32 s0, $0x0;
	s0 =	rddreg [dreg:$0x2]  }
0x392: {  	s0 =	sadd.s32 @!p0 $0x100000, s0  }
0x393: {  	[sflag:s0] =	ssyncadd.tile.s32 @!p0 $0x1;
	_ =	shalt  }
.Lfunc_end2:
_tile_overlayer_lowered:
.L_overlay_start_2:
0x394: {  	(tag) =	ssettag $0x2  }
0x395: {  	s0 =	rddreg [dreg:$0x0];
	s2 =	stileid.u32  }
0x396: {  	s1 =	rddreg [dreg:$0x1];
	p0 =	sne.s32 s2, $0x0  }
0x397: {  	s3 =	rddreg [dreg:$0x2];
	[bflag:$0x3] =	sbarrier.arrive $0xFFFF;
	s2 =	simm.s32 @!p0 $0x1C07  }
0x398: {  	[timem:s3], [sflag:s2] =	dma.local @!p0 [hbm:s0], s1  }
0x399: {  	s0 =	simm.s32 @!p0 $0x7  }
0x39a: {  	_ =	swait.ge @!p0 [sflag:s0], s1  }
0x39b: {  	s1 =	ssub.s32 @!p0 $0x0, s1;
	[sflag:s0] =	ssyncset.done @!p0 $0x0  }
0x39c: {  	[sflag:s0] =	ssyncadd.s32 @!p0 s1  }
0x39d: {  	[bflag:$0x3] =	sbarrier.arrive $0xFFFF  }
0x39e: {  	_ =	shalt  }

</sc_bundles>
